<compile_context>
chip_gen: v7x
topology: tpu7x:2x2x1
jax: 0.10.2.dev20260603
libtpu: 0.0.44.dev20260713+nightly
codegen_flags: <defaults>
</compile_context>

<pallas_src>
import functools

import jax
import jax.numpy as jnp
from jax import lax
from jax.experimental import pallas as pl
from jax.experimental.pallas import tpu as pltpu
from jax.experimental.pallas import tpu_sc as plsc

POOL_N = 64
TOPK_N = 8
LEN_N = 5
D_N = 768
H_N = 4096
B_N = 128
S_N = 197
T_OUT = 1 + TOPK_N * LEN_N + S_N

NT = 8
TH = H_N // NT

NW = 32
NB_SC = B_N // NW


def _dense_body(cls_ref, pk_ref, eps_ref,
                w1_ref, b1_ref, wm_ref, bm_ref, wv_ref, bv_ref,
                d1_ref, db1_ref, d2_ref, db2_ref,
                sim_ref, mean_ref, lv_ref, syn_ref, idx_ref, rs_ref,
                acc_mean, acc_lv, z_ref, acc_syn):
    i = pl.program_id(0)

    @pl.when(i == 0)
    def _init():
        acc_mean[...] = jnp.zeros_like(acc_mean)
        acc_lv[...] = jnp.zeros_like(acc_lv)
        acc_syn[...] = jnp.zeros_like(acc_syn)
        x = cls_ref[...]
        xn = x * lax.rsqrt(jnp.maximum(
            jnp.sum(x * x, axis=1, keepdims=True), 1e-12))
        p = pk_ref[...]
        pn = p * lax.rsqrt(jnp.maximum(
            jnp.sum(p * p, axis=1, keepdims=True), 1e-12))
        sim = lax.dot_general(xn, pn, (((1,), (1,)), ((), ())),
                              preferred_element_type=jnp.float32)
        sim_ref[...] = sim
        iot = lax.broadcasted_iota(jnp.int32, (B_N, POOL_N), 1)
        work = sim
        total = jnp.float32(0.0)
        cols = []
        for _ in range(TOPK_N):
            m = jnp.max(work, axis=1, keepdims=True)
            total = total + jnp.sum(m)
            cand = jnp.where(work == m, iot, POOL_N)
            aidx = jnp.min(cand, axis=1)
            cols.append(aidx.reshape(B_N, 1))
            work = jnp.where(iot == aidx[:, None], -jnp.inf, work)
        idx_ref[...] = jnp.concatenate(cols, axis=1)
        rs_ref[...] = jnp.reshape(total / jnp.float32(B_N), (1, 1))

    @pl.when(i < NT)
    def _encoder():
        h = jnp.maximum(
            lax.dot_general(cls_ref[...], w1_ref[...],
                            (((1,), (1,)), ((), ())),
                            preferred_element_type=jnp.float32)
            + b1_ref[...][None, :], 0.0)
        acc_mean[...] += lax.dot_general(h, wm_ref[...],
                                         (((1,), (1,)), ((), ())),
                                         preferred_element_type=jnp.float32)
        acc_lv[...] += lax.dot_general(h, wv_ref[...],
                                       (((1,), (1,)), ((), ())),
                                       preferred_element_type=jnp.float32)

    @pl.when(i == NT - 1)
    def _reparam():
        mean = acc_mean[...] + bm_ref[...][None, :]
        log_var = acc_lv[...] + bv_ref[...][None, :]
        mean_ref[...] = mean
        lv_ref[...] = log_var
        z_ref[...] = mean + jnp.exp(0.5 * log_var) * eps_ref[...]

    @pl.when(i >= NT)
    def _decoder():
        hd = jnp.maximum(
            lax.dot_general(z_ref[...], d1_ref[...],
                            (((1,), (1,)), ((), ())),
                            preferred_element_type=jnp.float32)
            + db1_ref[...][None, :], 0.0)
        acc_syn[...] += lax.dot_general(hd, d2_ref[...],
                                        (((1,), (1,)), ((), ())),
                                        preferred_element_type=jnp.float32)

    @pl.when(i == 2 * NT - 1)
    def _finish():
        syn_ref[...] = acc_syn[...] + db2_ref[...][None, :]


_SC_UNITS = [
    (40, 72, 0, 72, 0),
    (112, 72, 64, 80, 7),
    (184, 54, 136, 61, 7),
]


def _sc_copy_body(x_ref, cls_ref, out_ref, buf, sem_in, sem_out):
    wid = lax.axis_index("s") * 2 + lax.axis_index("c")

    units = []
    for j in range(NB_SC):
        for spec in _SC_UNITS:
            units.append((j,) + spec)
    nu = len(units)

    def _al(off):
        return pl.multiple_of(off, D_N)

    def start_in(u):
        j, doff, drows, soff, srows, boff = units[u]
        b = wid * NB_SC + j
        sl = sem_in.at[u % 2]
        copies = []
        if doff == 40:
            copies.append(pltpu.async_copy(
                cls_ref.at[pl.ds(_al(b * D_N), D_N)],
                buf.at[u % 2, pl.ds(0, D_N)], sl))
            copies.append(pltpu.async_copy(
                x_ref.at[pl.ds(_al(b * S_N * D_N), srows * D_N)],
                buf.at[u % 2, pl.ds(D_N, srows * D_N)], sl))
        else:
            copies.append(pltpu.async_copy(
                x_ref.at[pl.ds(_al(b * S_N * D_N + soff * D_N),
                               srows * D_N)],
                buf.at[u % 2, pl.ds(0, srows * D_N)], sl))
        return copies

    def start_out(u):
        j, doff, drows, soff, srows, boff = units[u]
        b = wid * NB_SC + j
        return pltpu.async_copy(
            buf.at[u % 2, pl.ds(boff * D_N, drows * D_N)],
            out_ref.at[pl.ds(_al(b * T_OUT * D_N + doff * D_N),
                             drows * D_N)],
            sem_out.at[u % 2])

    hin = {0: start_in(0)}
    hout = {}
    for u in range(nu):
        for h in hin[u]:
            h.wait()
        hout[u] = start_out(u)
        if u + 1 < nu:
            if u >= 1:
                hout[u - 1].wait()
            hin[u + 1] = start_in(u + 1)
    hout[nu - 2].wait()
    hout[nu - 1].wait()


def _head_body(idx_sref, prompt_ref, syn_ref, outin_ref, out_ref, head, sem):
    del outin_ref

    def bloop(b, carry):
        s = syn_ref[b]
        for k in range(TOPK_N):
            pidx = idx_sref[b, k]
            head[b, k * LEN_N:(k + 1) * LEN_N, :] = prompt_ref[pidx] + s
        return carry

    lax.fori_loop(0, B_N, bloop, 0)
    cp = pltpu.make_async_copy(
        head, out_ref.at[:, pl.ds(0, TOPK_N * LEN_N), :], sem)
    cp.start()
    cp.wait()


def kernel(is_training, x_embed, cls_features, prompt, prompt_key, frequency,
           W1, b1, Wm, bm, Wv, bv, D1, db1, D2, db2, epsilon):
    del is_training, frequency

    enc_t = lambda i: jnp.where(i < NT, i, 0)
    dec_t = lambda i: jnp.where(i >= NT, i - NT, 0)

    sim, mean, log_var, synth, idx, rs = pl.pallas_call(
        _dense_body,
        grid=(2 * NT,),
        in_specs=[
            pl.BlockSpec((B_N, D_N), lambda i: (0, 0)),
            pl.BlockSpec((POOL_N, D_N), lambda i: (0, 0)),
            pl.BlockSpec((B_N, D_N), lambda i: (0, 0)),
            pl.BlockSpec((TH, D_N), lambda i: (enc_t(i), 0)),
            pl.BlockSpec((TH,), lambda i: (enc_t(i),)),
            pl.BlockSpec((D_N, TH), lambda i: (0, enc_t(i))),
            pl.BlockSpec((D_N,), lambda i: (0,)),
            pl.BlockSpec((D_N, TH), lambda i: (0, enc_t(i))),
            pl.BlockSpec((D_N,), lambda i: (0,)),
            pl.BlockSpec((TH, D_N), lambda i: (dec_t(i), 0)),
            pl.BlockSpec((TH,), lambda i: (dec_t(i),)),
            pl.BlockSpec((D_N, TH), lambda i: (0, dec_t(i))),
            pl.BlockSpec((D_N,), lambda i: (0,)),
        ],
        out_specs=[
            pl.BlockSpec((B_N, POOL_N), lambda i: (0, 0)),
            pl.BlockSpec((B_N, D_N), lambda i: (0, 0)),
            pl.BlockSpec((B_N, D_N), lambda i: (0, 0)),
            pl.BlockSpec((B_N, D_N), lambda i: (0, 0)),
            pl.BlockSpec((B_N, TOPK_N), lambda i: (0, 0)),
            pl.BlockSpec((1, 1), lambda i: (0, 0)),
        ],
        out_shape=[
            jax.ShapeDtypeStruct((B_N, POOL_N), jnp.float32),
            jax.ShapeDtypeStruct((B_N, D_N), jnp.float32),
            jax.ShapeDtypeStruct((B_N, D_N), jnp.float32),
            jax.ShapeDtypeStruct((B_N, D_N), jnp.float32),
            jax.ShapeDtypeStruct((B_N, TOPK_N), jnp.int32),
            jax.ShapeDtypeStruct((1, 1), jnp.float32),
        ],
        scratch_shapes=[
            pltpu.VMEM((B_N, D_N), jnp.float32),
            pltpu.VMEM((B_N, D_N), jnp.float32),
            pltpu.VMEM((B_N, D_N), jnp.float32),
            pltpu.VMEM((B_N, D_N), jnp.float32),
        ],
    )(cls_features, prompt_key, epsilon,
      W1, b1, Wm, bm, Wv, bv, D1, db1, D2, db2)

    sc_copy = functools.partial(
        pl.kernel,
        out_type=jax.ShapeDtypeStruct((B_N * T_OUT * D_N,), jnp.float32),
        mesh=plsc.VectorSubcoreMesh(core_axis_name="c", subcore_axis_name="s"),
        scratch_types=[
            pltpu.VMEM((2, 81 * D_N), jnp.float32),
            pltpu.SemaphoreType.DMA((2,)),
            pltpu.SemaphoreType.DMA((2,)),
        ],
    )(_sc_copy_body)
    out0 = sc_copy(x_embed.reshape(-1), cls_features.reshape(-1))
    out0 = out0.reshape(B_N, T_OUT, D_N)

    prompted = pl.pallas_call(
        _head_body,
        grid_spec=pltpu.PrefetchScalarGridSpec(
            num_scalar_prefetch=1,
            grid=(1,),
            in_specs=[
                pl.BlockSpec((POOL_N, LEN_N, D_N), lambda g, idx: (0, 0, 0)),
                pl.BlockSpec((B_N, 1, D_N), lambda g, idx: (0, 0, 0)),
                pl.BlockSpec(memory_space=pl.ANY),
            ],
            out_specs=pl.BlockSpec(memory_space=pl.ANY),
            scratch_shapes=[
                pltpu.VMEM((B_N, TOPK_N * LEN_N, D_N), jnp.float32),
                pltpu.SemaphoreType.DMA,
            ],
        ),
        out_shape=jax.ShapeDtypeStruct((B_N, T_OUT, D_N), jnp.float32),
        input_output_aliases={3: 0},
    )(idx, prompt, synth.reshape(B_N, 1, D_N), out0)

    return (prompted, rs.reshape(()), sim, synth, mean, log_var, idx)

# --- scband reference (transcript-rebuilt; emitter-appended) ---
"""Pipeline reference for scband-generator-prompt-63041529971076 (READ-ONLY COPY).

The authoritative reference and input builder live on the scoring server;
editing this copy changes nothing except your own understanding.
"""

import jax, jax.numpy as jnp
import numpy as np

POOL = 64
TOPK = 8
LEN = 5
D = 768
H = 4096
B = 128
S = 197


def l2_normalize(x, axis):
    square_sum = jnp.sum(x ** 2, axis=axis, keepdims=True)
    x_inv_norm = jax.lax.rsqrt(jnp.maximum(square_sum, 1e-12))
    return x * x_inv_norm


def setup_inputs(seed: int = 0) -> dict:
    key = jax.random.key(seed)
    ks = jax.random.split(key, 12)
    x_embed = jax.random.normal(ks[0], (B, S, D), dtype=jnp.float32)
    cls_features = jax.random.normal(ks[1], (B, D), dtype=jnp.float32)
    prompt = jax.random.uniform(ks[2], (POOL, LEN, D), minval=-1.0, maxval=1.0, dtype=jnp.float32)
    prompt_key = jax.random.uniform(ks[3], (POOL, D), minval=-1.0, maxval=1.0, dtype=jnp.float32)
    W1 = jax.random.normal(ks[4], (H, D), dtype=jnp.float32) * 0.02
    b1 = jnp.zeros((H,), dtype=jnp.float32)
    Wm = jax.random.normal(ks[5], (D, H), dtype=jnp.float32) * 0.02
    bm = jnp.zeros((D,), dtype=jnp.float32)
    Wv = jax.random.normal(ks[6], (D, H), dtype=jnp.float32) * 0.02
    bv = jnp.zeros((D,), dtype=jnp.float32)
    D1 = jax.random.normal(ks[7], (H, D), dtype=jnp.float32) * 0.02
    db1 = jnp.zeros((H,), dtype=jnp.float32)
    D2 = jax.random.normal(ks[8], (D, H), dtype=jnp.float32) * 0.02
    db2 = jnp.zeros((D,), dtype=jnp.float32)
    epsilon = jax.random.normal(ks[9], (B, D), dtype=jnp.float32)
    frequency = jnp.ones((POOL,), dtype=jnp.float32)
    return {"is_training": 1, "x_embed": x_embed, "cls_features": cls_features,
            "prompt": prompt, "prompt_key": prompt_key, "frequency": frequency,
            "W1": W1, "b1": b1, "Wm": Wm, "bm": bm, "Wv": Wv, "bv": bv,
            "D1": D1, "db1": db1, "D2": D2, "db2": db2, "epsilon": epsilon}


def reference(is_training, x_embed, cls_features, prompt, prompt_key, frequency,
              W1, b1, Wm, bm, Wv, bv, D1, db1, D2, db2, epsilon):
    # key/query normalization + similarity (compute_similarity replicates the
    # explicit matmul path: cosine similarity between cls features and keys)
    prompt_norm = l2_normalize(prompt_key, axis=1)
    x_embed_norm = l2_normalize(cls_features, axis=1)
    similarity = jnp.matmul(x_embed_norm, prompt_norm.T)
    # top-k prompt routing
    _, idx = jax.lax.top_k(similarity, TOPK)  # [B, TOPK]
    # VAE generator (training path): encoder -> reparameterize -> decoder
    h = jax.nn.relu(jnp.matmul(cls_features, W1.T) + b1)
    mean = jnp.matmul(h, Wm.T) + bm
    log_var = jnp.matmul(h, Wv.T) + bv
    z = mean + jnp.exp(0.5 * log_var) * epsilon
    hd = jax.nn.relu(jnp.matmul(z, D1.T) + db1)
    synthesized_features = jnp.matmul(hd, D2.T) + db2
    # gather selected prompts and fuse with synthesized features
    batched_prompt_raw = prompt[idx]  # [B, TOPK, LEN, D]
    bsz = x_embed.shape[0]
    batched_prompt_logits = batched_prompt_raw.reshape(bsz, TOPK * LEN, D)
    expanded_cls = synthesized_features[:, None, :]
    batched_prompt = batched_prompt_logits + expanded_cls
    batched_prompt = jnp.concatenate([batched_prompt, cls_features[:, None, :]], axis=1)
    # pull-together similarity loss term
    batched_key_norm = prompt_norm[idx]  # [B, TOPK, D]
    sim = batched_key_norm * x_embed_norm[:, None, :]
    reduce_sim = jnp.sum(sim) / x_embed.shape[0]
    prompted_embedding = jnp.concatenate([batched_prompt, x_embed], axis=1)
    return (prompted_embedding, reduce_sim, similarity, synthesized_features, mean, log_var, idx)

if __name__ == "__main__":
    import jax
    _d = setup_inputs()
    print(jax.jit(kernel)(*tuple(_d.values())))

</pallas_src>

<mosaic_0001>
#map = affine_map<(d0, d1) -> (0)>
module attributes {stable_mosaic.version = 14 : i64} {
  func.func @_sc_copy_body(%arg0: i32, %arg1: i32, %arg2: memref<19365888xf32, #tpu.memory_space<hbm>>, %arg3: memref<98304xf32, #tpu.memory_space<hbm>>, %arg4: memref<23396352xf32, #tpu.memory_space<hbm>>, %arg5: memref<2x62208xf32, #tpu.memory_space<vmem>>, %arg6: memref<2x!tpu.dma_semaphore, #tpu.memory_space<semaphore_mem>>, %arg7: memref<2x!tpu.dma_semaphore, #tpu.memory_space<semaphore_mem>>) attributes {dimension_semantics = [#tpu.dimension_semantics<core_parallel>, #tpu.dimension_semantics<subcore_parallel>], iteration_bounds = array<i64: 2, 16>, scalar_prefetch = 0 : i64, scratch_operands = 3 : i64, tpu.core_type = #tpu.core_type<sc_vector_subcore>, window_params = [{transform_indices = #map}, {transform_indices = #map}, {transform_indices = #map}]} {
    %mul3A = arith.constant 2 : i32
    %mul3A_0 = arith.muli %arg1, %mul3A : i32
    %add3A = arith.addi %mul3A_0, %arg0 : i32
    %mul3A_1 = arith.constant 4 : i32
    %mul3A_2 = arith.muli %add3A, %mul3A_1 : i32
    %add3A_3 = arith.constant 0 : i32
    %add3A_4 = arith.addi %mul3A_2, %add3A_3 : i32
    %mul3A_5 = arith.constant 768 : i32
    %mul3A_6 = arith.muli %add3A_4, %mul3A_5 : i32
    %multiple_of3A = tpu.assume_multiple %mul3A_6, 768 : i32
    %dma_start3A = arith.constant 0 : i32
    %dma_start3A_7 = arith.constant 0 : i32
    %dma_start3A_8 = arith.constant 0 : i32
    %dma_start3A_9 = tpu.memref_slice %arg5[%dma_start3A, %dma_start3A_8] : memref<2x62208xf32, #tpu.memory_space<vmem>> -> memref<1x768xf32, #tpu.memory_space<vmem>>
    %dma_start3A_10 = tpu.memref_squeeze %dma_start3A_9 : memref<1x768xf32, #tpu.memory_space<vmem>> -> memref<768xf32, #tpu.memory_space<vmem>>
    %dma_start3A_11 = tpu.memref_slice %arg3[%multiple_of3A] : memref<98304xf32, #tpu.memory_space<hbm>> -> memref<768xf32, #tpu.memory_space<hbm>>
    %dma_start3A_12 = tpu.memref_slice %arg6[%dma_start3A_7] : memref<2x!tpu.dma_semaphore, #tpu.memory_space<semaphore_mem>> -> memref<1x!tpu.dma_semaphore, #tpu.memory_space<semaphore_mem>>
    %dma_start3A_13 = tpu.memref_squeeze %dma_start3A_12 : memref<1x!tpu.dma_semaphore, #tpu.memory_space<semaphore_mem>> -> memref<!tpu.dma_semaphore, #tpu.memory_space<semaphore_mem>>
    %dma_start3A_14 = arith.constant 0 : i32
    %dma_start3A_15 = tpu.memref_slice %arg5[%dma_start3A, %dma_start3A_14] : memref<2x62208xf32, #tpu.memory_space<vmem>> -> memref<1x768xf32, #tpu.memory_space<vmem>>
    %dma_start3A_16 = tpu.memref_squeeze %dma_start3A_15 : memref<1x768xf32, #tpu.memory_space<vmem>> -> memref<768xf32, #tpu.memory_space<vmem>>
    %dma_start3A_17 = tpu.memref_slice %arg3[%multiple_of3A] : memref<98304xf32, #tpu.memory_space<hbm>> -> memref<768xf32, #tpu.memory_space<hbm>>
    tpu.enqueue_dma source(%dma_start3A_17 : memref<768xf32, #tpu.memory_space<hbm>>) target(%dma_start3A_16 : memref<768xf32, #tpu.memory_space<vmem>>) target_semaphore(%dma_start3A_13 : memref<!tpu.dma_semaphore, #tpu.memory_space<semaphore_mem>>)
    %mul3A_18 = arith.constant 197 : i32
    %mul3A_19 = arith.muli %add3A_4, %mul3A_18 : i32
    %mul3A_20 = arith.constant 768 : i32
    %mul3A_21 = arith.muli %mul3A_19, %mul3A_20 : i32
    %multiple_of3A_22 = tpu.assume_multiple %mul3A_21, 768 : i32
    %dma_start3A_23 = arith.constant 0 : i32
    %dma_start3A_24 = arith.constant 0 : i32
    %dma_start3A_25 = arith.constant 768 : i32
    %dma_start3A_26 = tpu.memref_slice %arg5[%dma_start3A_23, %dma_start3A_25] : memref<2x62208xf32, #tpu.memory_space<vmem>> -> memref<1x55296xf32, #tpu.memory_space<vmem>>
    %dma_start3A_27 = tpu.memref_squeeze %dma_start3A_26 : memref<1x55296xf32, #tpu.memory_space<vmem>> -> memref<55296xf32, #tpu.memory_space<vmem>>
    %dma_start3A_28 = tpu.memref_slice %arg2[%multiple_of3A_22] : memref<19365888xf32, #tpu.memory_space<hbm>> -> memref<55296xf32, #tpu.memory_space<hbm>>
    %dma_start3A_29 = tpu.memref_slice %arg6[%dma_start3A_24] : memref<2x!tpu.dma_semaphore, #tpu.memory_space<semaphore_mem>> -> memref<1x!tpu.dma_semaphore, #tpu.memory_space<semaphore_mem>>
    %dma_start3A_30 = tpu.memref_squeeze %dma_start3A_29 : memref<1x!tpu.dma_semaphore, #tpu.memory_space<semaphore_mem>> -> memref<!tpu.dma_semaphore, #tpu.memory_space<semaphore_mem>>
    %dma_start3A_31 = arith.constant 768 : i32
    %dma_start3A_32 = tpu.memref_slice %arg5[%dma_start3A_23, %dma_start3A_31] : memref<2x62208xf32, #tpu.memory_space<vmem>> -> memref<1x55296xf32, #tpu.memory_space<vmem>>
    %dma_start3A_33 = tpu.memref_squeeze %dma_start3A_32 : memref<1x55296xf32, #tpu.memory_space<vmem>> -> memref<55296xf32, #tpu.memory_space<vmem>>
    %dma_start3A_34 = tpu.memref_slice %arg2[%multiple_of3A_22] : memref<19365888xf32, #tpu.memory_space<hbm>> -> memref<55296xf32, #tpu.memory_space<hbm>>
    tpu.enqueue_dma source(%dma_start3A_34 : memref<55296xf32, #tpu.memory_space<hbm>>) target(%dma_start3A_33 : memref<55296xf32, #tpu.memory_space<vmem>>) target_semaphore(%dma_start3A_30 : memref<!tpu.dma_semaphore, #tpu.memory_space<semaphore_mem>>)
    %dma_wait3A = arith.constant 0 : i32
    %dma_wait3A_35 = arith.constant 0 : i32
    %dma_wait3A_36 = arith.constant 0 : i32
    %dma_wait3A_37 = tpu.memref_slice %arg5[%dma_wait3A, %dma_wait3A_36] : memref<2x62208xf32, #tpu.memory_space<vmem>> -> memref<1x768xf32, #tpu.memory_space<vmem>>
    %dma_wait3A_38 = tpu.memref_squeeze %dma_wait3A_37 : memref<1x768xf32, #tpu.memory_space<vmem>> -> memref<768xf32, #tpu.memory_space<vmem>>
    %dma_wait3A_39 = tpu.memref_slice %arg3[%multiple_of3A] : memref<98304xf32, #tpu.memory_space<hbm>> -> memref<768xf32, #tpu.memory_space<hbm>>
    %dma_wait3A_40 = tpu.memref_slice %arg6[%dma_wait3A_35] : memref<2x!tpu.dma_semaphore, #tpu.memory_space<semaphore_mem>> -> memref<1x!tpu.dma_semaphore, #tpu.memory_space<semaphore_mem>>
    %dma_wait3A_41 = tpu.memref_squeeze %dma_wait3A_40 : memref<1x!tpu.dma_semaphore, #tpu.memory_space<semaphore_mem>> -> memref<!tpu.dma_semaphore, #tpu.memory_space<semaphore_mem>>
    %dma_wait3A_42 = arith.constant 0 : i32
    %dma_wait3A_43 = tpu.memref_slice %arg5[%dma_wait3A, %dma_wait3A_42] : memref<2x62208xf32, #tpu.memory_space<vmem>> -> memref<1x768xf32, #tpu.memory_space<vmem>>
    %dma_wait3A_44 = tpu.memref_squeeze %dma_wait3A_43 : memref<1x768xf32, #tpu.memory_space<vmem>> -> memref<768xf32, #tpu.memory_space<vmem>>
    %dma_wait3A_45 = tpu.memref_slice %arg3[%multiple_of3A] : memref<98304xf32, #tpu.memory_space<hbm>> -> memref<768xf32, #tpu.memory_space<hbm>>
    tpu.wait_dma2 semaphore(%dma_wait3A_41 : memref<!tpu.dma_semaphore, #tpu.memory_space<semaphore_mem>>) src(%dma_wait3A_45 : memref<768xf32, #tpu.memory_space<hbm>>) dst(%dma_wait3A_44 : memref<768xf32, #tpu.memory_space<vmem>>)
    %dma_wait3A_46 = arith.constant 0 : i32
    %dma_wait3A_47 = arith.constant 0 : i32
    %dma_wait3A_48 = arith.constant 768 : i32
    %dma_wait3A_49 = tpu.memref_slice %arg5[%dma_wait3A_46, %dma_wait3A_48] : memref<2x62208xf32, #tpu.memory_space<vmem>> -> memref<1x55296xf32, #tpu.memory_space<vmem>>
    %dma_wait3A_50 = tpu.memref_squeeze %dma_wait3A_49 : memref<1x55296xf32, #tpu.memory_space<vmem>> -> memref<55296xf32, #tpu.memory_space<vmem>>
    %dma_wait3A_51 = tpu.memref_slice %arg2[%multiple_of3A_22] : memref<19365888xf32, #tpu.memory_space<hbm>> -> memref<55296xf32, #tpu.memory_space<hbm>>
    %dma_wait3A_52 = tpu.memref_slice %arg6[%dma_wait3A_47] : memref<2x!tpu.dma_semaphore, #tpu.memory_space<semaphore_mem>> -> memref<1x!tpu.dma_semaphore, #tpu.memory_space<semaphore_mem>>
    %dma_wait3A_53 = tpu.memref_squeeze %dma_wait3A_52 : memref<1x!tpu.dma_semaphore, #tpu.memory_space<semaphore_mem>> -> memref<!tpu.dma_semaphore, #tpu.memory_space<semaphore_mem>>
    %dma_wait3A_54 = arith.constant 768 : i32
    %dma_wait3A_55 = tpu.memref_slice %arg5[%dma_wait3A_46, %dma_wait3A_54] : memref<2x62208xf32, #tpu.memory_space<vmem>> -> memref<1x55296xf32, #tpu.memory_space<vmem>>
    %dma_wait3A_56 = tpu.memref_squeeze %dma_wait3A_55 : memref<1x55296xf32, #tpu.memory_space<vmem>> -> memref<55296xf32, #tpu.memory_space<vmem>>
    %dma_wait3A_57 = tpu.memref_slice %arg2[%multiple_of3A_22] : memref<19365888xf32, #tpu.memory_space<hbm>> -> memref<55296xf32, #tpu.memory_space<hbm>>
    tpu.wait_dma2 semaphore(%dma_wait3A_53 : memref<!tpu.dma_semaphore, #tpu.memory_space<semaphore_mem>>) src(%dma_wait3A_57 : memref<55296xf32, #tpu.memory_space<hbm>>) dst(%dma_wait3A_56 : memref<55296xf32, #tpu.memory_space<vmem>>)
    %mul3A_58 = arith.constant 4 : i32
    %mul3A_59 = arith.muli %add3A, %mul3A_58 : i32
    %add3A_60 = arith.constant 0 : i32
    %add3A_61 = arith.addi %mul3A_59, %add3A_60 : i32
    %mul3A_62 = arith.constant 238 : i32
    %mul3A_63 = arith.muli %add3A_61, %mul3A_62 : i32
    %mul3A_64 = arith.constant 768 : i32
    %mul3A_65 = arith.muli %mul3A_63, %mul3A_64 : i32
    %add3A_66 = arith.constant 30720 : i32
    %add3A_67 = arith.addi %mul3A_65, %add3A_66 : i32
    %multiple_of3A_68 = tpu.assume_multiple %add3A_67, 768 : i32
    %dma_start3A_69 = arith.constant 0 : i32
    %dma_start3A_70 = arith.constant 0 : i32
    %dma_start3A_71 = arith.constant 0 : i32
    %dma_start3A_72 = tpu.memref_slice %arg5[%dma_start3A_69, %dma_start3A_71] : memref<2x62208xf32, #tpu.memory_space<vmem>> -> memref<1x55296xf32, #tpu.memory_space<vmem>>
    %dma_start3A_73 = tpu.memref_squeeze %dma_start3A_72 : memref<1x55296xf32, #tpu.memory_space<vmem>> -> memref<55296xf32, #tpu.memory_space<vmem>>
    %dma_start3A_74 = tpu.memref_slice %arg4[%multiple_of3A_68] : memref<23396352xf32, #tpu.memory_space<hbm>> -> memref<55296xf32, #tpu.memory_space<hbm>>
    %dma_start3A_75 = tpu.memref_slice %arg7[%dma_start3A_70] : memref<2x!tpu.dma_semaphore, #tpu.memory_space<semaphore_mem>> -> memref<1x!tpu.dma_semaphore, #tpu.memory_space<semaphore_mem>>
    %dma_start3A_76 = tpu.memref_squeeze %dma_start3A_75 : memref<1x!tpu.dma_semaphore, #tpu.memory_space<semaphore_mem>> -> memref<!tpu.dma_semaphore, #tpu.memory_space<semaphore_mem>>
    %dma_start3A_77 = tpu.memref_slice %arg4[%multiple_of3A_68] : memref<23396352xf32, #tpu.memory_space<hbm>> -> memref<55296xf32, #tpu.memory_space<hbm>>
    %dma_start3A_78 = arith.constant 0 : i32
    %dma_start3A_79 = tpu.memref_slice %arg5[%dma_start3A_69, %dma_start3A_78] : memref<2x62208xf32, #tpu.memory_space<vmem>> -> memref<1x55296xf32, #tpu.memory_space<vmem>>
    %dma_start3A_80 = tpu.memref_squeeze %dma_start3A_79 : memref<1x55296xf32, #tpu.memory_space<vmem>> -> memref<55296xf32, #tpu.memory_space<vmem>>
    tpu.enqueue_dma source(%dma_start3A_80 : memref<55296xf32, #tpu.memory_space<vmem>>) target(%dma_start3A_77 : memref<55296xf32, #tpu.memory_space<hbm>>) target_semaphore(%dma_start3A_76 : memref<!tpu.dma_semaphore, #tpu.memory_space<semaphore_mem>>)
    %mul3A_81 = arith.constant 4 : i32
    %mul3A_82 = arith.muli %add3A, %mul3A_81 : i32
    %add3A_83 = arith.constant 0 : i32
    %add3A_84 = arith.addi %mul3A_82, %add3A_83 : i32
    %mul3A_85 = arith.constant 197 : i32
    %mul3A_86 = arith.muli %add3A_84, %mul3A_85 : i32
    %mul3A_87 = arith.constant 768 : i32
    %mul3A_88 = arith.muli %mul3A_86, %mul3A_87 : i32
    %add3A_89 = arith.constant 49152 : i32
    %add3A_90 = arith.addi %mul3A_88, %add3A_89 : i32
    %multiple_of3A_91 = tpu.assume_multiple %add3A_90, 768 : i32
    %dma_start3A_92 = arith.constant 1 : i32
    %dma_start3A_93 = arith.constant 1 : i32
    %dma_start3A_94 = arith.constant 0 : i32
    %dma_start3A_95 = tpu.memref_slice %arg5[%dma_start3A_92, %dma_start3A_94] : memref<2x62208xf32, #tpu.memory_space<vmem>> -> memref<1x61440xf32, #tpu.memory_space<vmem>>
    %dma_start3A_96 = tpu.memref_squeeze %dma_start3A_95 : memref<1x61440xf32, #tpu.memory_space<vmem>> -> memref<61440xf32, #tpu.memory_space<vmem>>
    %dma_start3A_97 = tpu.memref_slice %arg2[%multiple_of3A_91] : memref<19365888xf32, #tpu.memory_space<hbm>> -> memref<61440xf32, #tpu.memory_space<hbm>>
    %dma_start3A_98 = tpu.memref_slice %arg6[%dma_start3A_93] : memref<2x!tpu.dma_semaphore, #tpu.memory_space<semaphore_mem>> -> memref<1x!tpu.dma_semaphore, #tpu.memory_space<semaphore_mem>>
    %dma_start3A_99 = tpu.memref_squeeze %dma_start3A_98 : memref<1x!tpu.dma_semaphore, #tpu.memory_space<semaphore_mem>> -> memref<!tpu.dma_semaphore, #tpu.memory_space<semaphore_mem>>
    %dma_start3A_100 = arith.constant 0 : i32
    %dma_start3A_101 = tpu.memref_slice %arg5[%dma_start3A_92, %dma_start3A_100] : memref<2x62208xf32, #tpu.memory_space<vmem>> -> memref<1x61440xf32, #tpu.memory_space<vmem>>
    %dma_start3A_102 = tpu.memref_squeeze %dma_start3A_101 : memref<1x61440xf32, #tpu.memory_space<vmem>> -> memref<61440xf32, #tpu.memory_space<vmem>>
    %dma_start3A_103 = tpu.memref_slice %arg2[%multiple_of3A_91] : memref<19365888xf32, #tpu.memory_space<hbm>> -> memref<61440xf32, #tpu.memory_space<hbm>>
    tpu.enqueue_dma source(%dma_start3A_103 : memref<61440xf32, #tpu.memory_space<hbm>>) target(%dma_start3A_102 : memref<61440xf32, #tpu.memory_space<vmem>>) target_semaphore(%dma_start3A_99 : memref<!tpu.dma_semaphore, #tpu.memory_space<semaphore_mem>>)
    %dma_wait3A_104 = arith.constant 1 : i32
    %dma_wait3A_105 = arith.constant 1 : i32
    %dma_wait3A_106 = arith.constant 0 : i32
    %dma_wait3A_107 = tpu.memref_slice %arg5[%dma_wait3A_104, %dma_wait3A_106] : memref<2x62208xf32, #tpu.memory_space<vmem>> -> memref<1x61440xf32, #tpu.memory_space<vmem>>
    %dma_wait3A_108 = tpu.memref_squeeze %dma_wait3A_107 : memref<1x61440xf32, #tpu.memory_space<vmem>> -> memref<61440xf32, #tpu.memory_space<vmem>>
    %dma_wait3A_109 = tpu.memref_slice %arg2[%multiple_of3A_91] : memref<19365888xf32, #tpu.memory_space<hbm>> -> memref<61440xf32, #tpu.memory_space<hbm>>
    %dma_wait3A_110 = tpu.memref_slice %arg6[%dma_wait3A_105] : memref<2x!tpu.dma_semaphore, #tpu.memory_space<semaphore_mem>> -> memref<1x!tpu.dma_semaphore, #tpu.memory_space<semaphore_mem>>
    %dma_wait3A_111 = tpu.memref_squeeze %dma_wait3A_110 : memref<1x!tpu.dma_semaphore, #tpu.memory_space<semaphore_mem>> -> memref<!tpu.dma_semaphore, #tpu.memory_space<semaphore_mem>>
    %dma_wait3A_112 = arith.constant 0 : i32
    %dma_wait3A_113 = tpu.memref_slice %arg5[%dma_wait3A_104, %dma_wait3A_112] : memref<2x62208xf32, #tpu.memory_space<vmem>> -> memref<1x61440xf32, #tpu.memory_space<vmem>>
    %dma_wait3A_114 = tpu.memref_squeeze %dma_wait3A_113 : memref<1x61440xf32, #tpu.memory_space<vmem>> -> memref<61440xf32, #tpu.memory_space<vmem>>
    %dma_wait3A_115 = tpu.memref_slice %arg2[%multiple_of3A_91] : memref<19365888xf32, #tpu.memory_space<hbm>> -> memref<61440xf32, #tpu.memory_space<hbm>>
    tpu.wait_dma2 semaphore(%dma_wait3A_111 : memref<!tpu.dma_semaphore, #tpu.memory_space<semaphore_mem>>) src(%dma_wait3A_115 : memref<61440xf32, #tpu.memory_space<hbm>>) dst(%dma_wait3A_114 : memref<61440xf32, #tpu.memory_space<vmem>>)
    %mul3A_116 = arith.constant 4 : i32
    %mul3A_117 = arith.muli %add3A, %mul3A_116 : i32
    %add3A_118 = arith.constant 0 : i32
    %add3A_119 = arith.addi %mul3A_117, %add3A_118 : i32
    %mul3A_120 = arith.constant 238 : i32
    %mul3A_121 = arith.muli %add3A_119, %mul3A_120 : i32
    %mul3A_122 = arith.constant 768 : i32
    %mul3A_123 = arith.muli %mul3A_121, %mul3A_122 : i32
    %add3A_124 = arith.constant 86016 : i32
    %add3A_125 = arith.addi %mul3A_123, %add3A_124 : i32
    %multiple_of3A_126 = tpu.assume_multiple %add3A_125, 768 : i32
    %dma_start3A_127 = arith.constant 1 : i32
    %dma_start3A_128 = arith.constant 1 : i32
    %dma_start3A_129 = arith.constant 5376 : i32
    %dma_start3A_130 = tpu.memref_slice %arg5[%dma_start3A_127, %dma_start3A_129] : memref<2x62208xf32, #tpu.memory_space<vmem>> -> memref<1x55296xf32, #tpu.memory_space<vmem>>
    %dma_start3A_131 = tpu.memref_squeeze %dma_start3A_130 : memref<1x55296xf32, #tpu.memory_space<vmem>> -> memref<55296xf32, #tpu.memory_space<vmem>>
    %dma_start3A_132 = tpu.memref_slice %arg4[%multiple_of3A_126] : memref<23396352xf32, #tpu.memory_space<hbm>> -> memref<55296xf32, #tpu.memory_space<hbm>>
    %dma_start3A_133 = tpu.memref_slice %arg7[%dma_start3A_128] : memref<2x!tpu.dma_semaphore, #tpu.memory_space<semaphore_mem>> -> memref<1x!tpu.dma_semaphore, #tpu.memory_space<semaphore_mem>>
    %dma_start3A_134 = tpu.memref_squeeze %dma_start3A_133 : memref<1x!tpu.dma_semaphore, #tpu.memory_space<semaphore_mem>> -> memref<!tpu.dma_semaphore, #tpu.memory_space<semaphore_mem>>
    %dma_start3A_135 = tpu.memref_slice %arg4[%multiple_of3A_126] : memref<23396352xf32, #tpu.memory_space<hbm>> -> memref<55296xf32, #tpu.memory_space<hbm>>
    %dma_start3A_136 = arith.constant 5376 : i32
    %dma_start3A_137 = tpu.memref_slice %arg5[%dma_start3A_127, %dma_start3A_136] : memref<2x62208xf32, #tpu.memory_space<vmem>> -> memref<1x55296xf32, #tpu.memory_space<vmem>>
    %dma_start3A_138 = tpu.memref_squeeze %dma_start3A_137 : memref<1x55296xf32, #tpu.memory_space<vmem>> -> memref<55296xf32, #tpu.memory_space<vmem>>
    tpu.enqueue_dma source(%dma_start3A_138 : memref<55296xf32, #tpu.memory_space<vmem>>) target(%dma_start3A_135 : memref<55296xf32, #tpu.memory_space<hbm>>) target_semaphore(%dma_start3A_134 : memref<!tpu.dma_semaphore, #tpu.memory_space<semaphore_mem>>)
    %dma_wait3A_139 = arith.constant 0 : i32
    %dma_wait3A_140 = arith.constant 0 : i32
    %dma_wait3A_141 = arith.constant 0 : i32
    %dma_wait3A_142 = tpu.memref_slice %arg5[%dma_wait3A_139, %dma_wait3A_141] : memref<2x62208xf32, #tpu.memory_space<vmem>> -> memref<1x55296xf32, #tpu.memory_space<vmem>>
    %dma_wait3A_143 = tpu.memref_squeeze %dma_wait3A_142 : memref<1x55296xf32, #tpu.memory_space<vmem>> -> memref<55296xf32, #tpu.memory_space<vmem>>
    %dma_wait3A_144 = tpu.memref_slice %arg4[%multiple_of3A_68] : memref<23396352xf32, #tpu.memory_space<hbm>> -> memref<55296xf32, #tpu.memory_space<hbm>>
    %dma_wait3A_145 = tpu.memref_slice %arg7[%dma_wait3A_140] : memref<2x!tpu.dma_semaphore, #tpu.memory_space<semaphore_mem>> -> memref<1x!tpu.dma_semaphore, #tpu.memory_space<semaphore_mem>>
    %dma_wait3A_146 = tpu.memref_squeeze %dma_wait3A_145 : memref<1x!tpu.dma_semaphore, #tpu.memory_space<semaphore_mem>> -> memref<!tpu.dma_semaphore, #tpu.memory_space<semaphore_mem>>
    %dma_wait3A_147 = tpu.memref_slice %arg4[%multiple_of3A_68] : memref<23396352xf32, #tpu.memory_space<hbm>> -> memref<55296xf32, #tpu.memory_space<hbm>>
    %dma_wait3A_148 = arith.constant 0 : i32
    %dma_wait3A_149 = tpu.memref_slice %arg5[%dma_wait3A_139, %dma_wait3A_148] : memref<2x62208xf32, #tpu.memory_space<vmem>> -> memref<1x55296xf32, #tpu.memory_space<vmem>>
    %dma_wait3A_150 = tpu.memref_squeeze %dma_wait3A_149 : memref<1x55296xf32, #tpu.memory_space<vmem>> -> memref<55296xf32, #tpu.memory_space<vmem>>
    tpu.wait_dma2 semaphore(%dma_wait3A_146 : memref<!tpu.dma_semaphore, #tpu.memory_space<semaphore_mem>>) src(%dma_wait3A_150 : memref<55296xf32, #tpu.memory_space<vmem>>) dst(%dma_wait3A_147 : memref<55296xf32, #tpu.memory_space<hbm>>)
    %mul3A_151 = arith.constant 4 : i32
    %mul3A_152 = arith.muli %add3A, %mul3A_151 : i32
    %add3A_153 = arith.constant 0 : i32
    %add3A_154 = arith.addi %mul3A_152, %add3A_153 : i32
    %mul3A_155 = arith.constant 197 : i32
    %mul3A_156 = arith.muli %add3A_154, %mul3A_155 : i32
    %mul3A_157 = arith.constant 768 : i32
    %mul3A_158 = arith.muli %mul3A_156, %mul3A_157 : i32
    %add3A_159 = arith.constant 104448 : i32
    %add3A_160 = arith.addi %mul3A_158, %add3A_159 : i32
    %multiple_of3A_161 = tpu.assume_multiple %add3A_160, 768 : i32
    %dma_start3A_162 = arith.constant 0 : i32
    %dma_start3A_163 = arith.constant 0 : i32
    %dma_start3A_164 = arith.constant 0 : i32
    %dma_start3A_165 = tpu.memref_slice %arg5[%dma_start3A_162, %dma_start3A_164] : memref<2x62208xf32, #tpu.memory_space<vmem>> -> memref<1x46848xf32, #tpu.memory_space<vmem>>
    %dma_start3A_166 = tpu.memref_squeeze %dma_start3A_165 : memref<1x46848xf32, #tpu.memory_space<vmem>> -> memref<46848xf32, #tpu.memory_space<vmem>>
    %dma_start3A_167 = tpu.memref_slice %arg2[%multiple_of3A_161] : memref<19365888xf32, #tpu.memory_space<hbm>> -> memref<46848xf32, #tpu.memory_space<hbm>>
    %dma_start3A_168 = tpu.memref_slice %arg6[%dma_start3A_163] : memref<2x!tpu.dma_semaphore, #tpu.memory_space<semaphore_mem>> -> memref<1x!tpu.dma_semaphore, #tpu.memory_space<semaphore_mem>>
    %dma_start3A_169 = tpu.memref_squeeze %dma_start3A_168 : memref<1x!tpu.dma_semaphore, #tpu.memory_space<semaphore_mem>> -> memref<!tpu.dma_semaphore, #tpu.memory_space<semaphore_mem>>
    %dma_start3A_170 = arith.constant 0 : i32
    %dma_start3A_171 = tpu.memref_slice %arg5[%dma_start3A_162, %dma_start3A_170] : memref<2x62208xf32, #tpu.memory_space<vmem>> -> memref<1x46848xf32, #tpu.memory_space<vmem>>
    %dma_start3A_172 = tpu.memref_squeeze %dma_start3A_171 : memref<1x46848xf32, #tpu.memory_space<vmem>> -> memref<46848xf32, #tpu.memory_space<vmem>>
    %dma_start3A_173 = tpu.memref_slice %arg2[%multiple_of3A_161] : memref<19365888xf32, #tpu.memory_space<hbm>> -> memref<46848xf32, #tpu.memory_space<hbm>>
    tpu.enqueue_dma source(%dma_start3A_173 : memref<46848xf32, #tpu.memory_space<hbm>>) target(%dma_start3A_172 : memref<46848xf32, #tpu.memory_space<vmem>>) target_semaphore(%dma_start3A_169 : memref<!tpu.dma_semaphore, #tpu.memory_space<semaphore_mem>>)
    %dma_wait3A_174 = arith.constant 0 : i32
    %dma_wait3A_175 = arith.constant 0 : i32
    %dma_wait3A_176 = arith.constant 0 : i32
    %dma_wait3A_177 = tpu.memref_slice %arg5[%dma_wait3A_174, %dma_wait3A_176] : memref<2x62208xf32, #tpu.memory_space<vmem>> -> memref<1x46848xf32, #tpu.memory_space<vmem>>
    %dma_wait3A_178 = tpu.memref_squeeze %dma_wait3A_177 : memref<1x46848xf32, #tpu.memory_space<vmem>> -> memref<46848xf32, #tpu.memory_space<vmem>>
    %dma_wait3A_179 = tpu.memref_slice %arg2[%multiple_of3A_161] : memref<19365888xf32, #tpu.memory_space<hbm>> -> memref<46848xf32, #tpu.memory_space<hbm>>
    %dma_wait3A_180 = tpu.memref_slice %arg6[%dma_wait3A_175] : memref<2x!tpu.dma_semaphore, #tpu.memory_space<semaphore_mem>> -> memref<1x!tpu.dma_semaphore, #tpu.memory_space<semaphore_mem>>
    %dma_wait3A_181 = tpu.memref_squeeze %dma_wait3A_180 : memref<1x!tpu.dma_semaphore, #tpu.memory_space<semaphore_mem>> -> memref<!tpu.dma_semaphore, #tpu.memory_space<semaphore_mem>>
    %dma_wait3A_182 = arith.constant 0 : i32
    %dma_wait3A_183 = tpu.memref_slice %arg5[%dma_wait3A_174, %dma_wait3A_182] : memref<2x62208xf32, #tpu.memory_space<vmem>> -> memref<1x46848xf32, #tpu.memory_space<vmem>>
    %dma_wait3A_184 = tpu.memref_squeeze %dma_wait3A_183 : memref<1x46848xf32, #tpu.memory_space<vmem>> -> memref<46848xf32, #tpu.memory_space<vmem>>
    %dma_wait3A_185 = tpu.memref_slice %arg2[%multiple_of3A_161] : memref<19365888xf32, #tpu.memory_space<hbm>> -> memref<46848xf32, #tpu.memory_space<hbm>>
    tpu.wait_dma2 semaphore(%dma_wait3A_181 : memref<!tpu.dma_semaphore, #tpu.memory_space<semaphore_mem>>) src(%dma_wait3A_185 : memref<46848xf32, #tpu.memory_space<hbm>>) dst(%dma_wait3A_184 : memref<46848xf32, #tpu.memory_space<vmem>>)
    %mul3A_186 = arith.constant 4 : i32
    %mul3A_187 = arith.muli %add3A, %mul3A_186 : i32
    %add3A_188 = arith.constant 0 : i32
    %add3A_189 = arith.addi %mul3A_187, %add3A_188 : i32
    %mul3A_190 = arith.constant 238 : i32
    %mul3A_191 = arith.muli %add3A_189, %mul3A_190 : i32
    %mul3A_192 = arith.constant 768 : i32
    %mul3A_193 = arith.muli %mul3A_191, %mul3A_192 : i32
    %add3A_194 = arith.constant 141312 : i32
    %add3A_195 = arith.addi %mul3A_193, %add3A_194 : i32
    %multiple_of3A_196 = tpu.assume_multiple %add3A_195, 768 : i32
    %dma_start3A_197 = arith.constant 0 : i32
    %dma_start3A_198 = arith.constant 0 : i32
    %dma_start3A_199 = arith.constant 5376 : i32
    %dma_start3A_200 = tpu.memref_slice %arg5[%dma_start3A_197, %dma_start3A_199] : memref<2x62208xf32, #tpu.memory_space<vmem>> -> memref<1x41472xf32, #tpu.memory_space<vmem>>
    %dma_start3A_201 = tpu.memref_squeeze %dma_start3A_200 : memref<1x41472xf32, #tpu.memory_space<vmem>> -> memref<41472xf32, #tpu.memory_space<vmem>>
    %dma_start3A_202 = tpu.memref_slice %arg4[%multiple_of3A_196] : memref<23396352xf32, #tpu.memory_space<hbm>> -> memref<41472xf32, #tpu.memory_space<hbm>>
    %dma_start3A_203 = tpu.memref_slice %arg7[%dma_start3A_198] : memref<2x!tpu.dma_semaphore, #tpu.memory_space<semaphore_mem>> -> memref<1x!tpu.dma_semaphore, #tpu.memory_space<semaphore_mem>>
    %dma_start3A_204 = tpu.memref_squeeze %dma_start3A_203 : memref<1x!tpu.dma_semaphore, #tpu.memory_space<semaphore_mem>> -> memref<!tpu.dma_semaphore, #tpu.memory_space<semaphore_mem>>
    %dma_start3A_205 = tpu.memref_slice %arg4[%multiple_of3A_196] : memref<23396352xf32, #tpu.memory_space<hbm>> -> memref<41472xf32, #tpu.memory_space<hbm>>
    %dma_start3A_206 = arith.constant 5376 : i32
    %dma_start3A_207 = tpu.memref_slice %arg5[%dma_start3A_197, %dma_start3A_206] : memref<2x62208xf32, #tpu.memory_space<vmem>> -> memref<1x41472xf32, #tpu.memory_space<vmem>>
    %dma_start3A_208 = tpu.memref_squeeze %dma_start3A_207 : memref<1x41472xf32, #tpu.memory_space<vmem>> -> memref<41472xf32, #tpu.memory_space<vmem>>
    tpu.enqueue_dma source(%dma_start3A_208 : memref<41472xf32, #tpu.memory_space<vmem>>) target(%dma_start3A_205 : memref<41472xf32, #tpu.memory_space<hbm>>) target_semaphore(%dma_start3A_204 : memref<!tpu.dma_semaphore, #tpu.memory_space<semaphore_mem>>)
    %dma_wait3A_209 = arith.constant 1 : i32
    %dma_wait3A_210 = arith.constant 1 : i32
    %dma_wait3A_211 = arith.constant 5376 : i32
    %dma_wait3A_212 = tpu.memref_slice %arg5[%dma_wait3A_209, %dma_wait3A_211] : memref<2x62208xf32, #tpu.memory_space<vmem>> -> memref<1x55296xf32, #tpu.memory_space<vmem>>
    %dma_wait3A_213 = tpu.memref_squeeze %dma_wait3A_212 : memref<1x55296xf32, #tpu.memory_space<vmem>> -> memref<55296xf32, #tpu.memory_space<vmem>>
    %dma_wait3A_214 = tpu.memref_slice %arg4[%multiple_of3A_126] : memref<23396352xf32, #tpu.memory_space<hbm>> -> memref<55296xf32, #tpu.memory_space<hbm>>
    %dma_wait3A_215 = tpu.memref_slice %arg7[%dma_wait3A_210] : memref<2x!tpu.dma_semaphore, #tpu.memory_space<semaphore_mem>> -> memref<1x!tpu.dma_semaphore, #tpu.memory_space<semaphore_mem>>
    %dma_wait3A_216 = tpu.memref_squeeze %dma_wait3A_215 : memref<1x!tpu.dma_semaphore, #tpu.memory_space<semaphore_mem>> -> memref<!tpu.dma_semaphore, #tpu.memory_space<semaphore_mem>>
    %dma_wait3A_217 = tpu.memref_slice %arg4[%multiple_of3A_126] : memref<23396352xf32, #tpu.memory_space<hbm>> -> memref<55296xf32, #tpu.memory_space<hbm>>
    %dma_wait3A_218 = arith.constant 5376 : i32
    %dma_wait3A_219 = tpu.memref_slice %arg5[%dma_wait3A_209, %dma_wait3A_218] : memref<2x62208xf32, #tpu.memory_space<vmem>> -> memref<1x55296xf32, #tpu.memory_space<vmem>>
    %dma_wait3A_220 = tpu.memref_squeeze %dma_wait3A_219 : memref<1x55296xf32, #tpu.memory_space<vmem>> -> memref<55296xf32, #tpu.memory_space<vmem>>
    tpu.wait_dma2 semaphore(%dma_wait3A_216 : memref<!tpu.dma_semaphore, #tpu.memory_space<semaphore_mem>>) src(%dma_wait3A_220 : memref<55296xf32, #tpu.memory_space<vmem>>) dst(%dma_wait3A_217 : memref<55296xf32, #tpu.memory_space<hbm>>)
    %mul3A_221 = arith.constant 4 : i32
    %mul3A_222 = arith.muli %add3A, %mul3A_221 : i32
    %add3A_223 = arith.constant 1 : i32
    %add3A_224 = arith.addi %mul3A_222, %add3A_223 : i32
    %mul3A_225 = arith.constant 768 : i32
    %mul3A_226 = arith.muli %add3A_224, %mul3A_225 : i32
    %multiple_of3A_227 = tpu.assume_multiple %mul3A_226, 768 : i32
    %dma_start3A_228 = arith.constant 1 : i32
    %dma_start3A_229 = arith.constant 1 : i32
    %dma_start3A_230 = arith.constant 0 : i32
    %dma_start3A_231 = tpu.memref_slice %arg5[%dma_start3A_228, %dma_start3A_230] : memref<2x62208xf32, #tpu.memory_space<vmem>> -> memref<1x768xf32, #tpu.memory_space<vmem>>
    %dma_start3A_232 = tpu.memref_squeeze %dma_start3A_231 : memref<1x768xf32, #tpu.memory_space<vmem>> -> memref<768xf32, #tpu.memory_space<vmem>>
    %dma_start3A_233 = tpu.memref_slice %arg3[%multiple_of3A_227] : memref<98304xf32, #tpu.memory_space<hbm>> -> memref<768xf32, #tpu.memory_space<hbm>>
    %dma_start3A_234 = tpu.memref_slice %arg6[%dma_start3A_229] : memref<2x!tpu.dma_semaphore, #tpu.memory_space<semaphore_mem>> -> memref<1x!tpu.dma_semaphore, #tpu.memory_space<semaphore_mem>>
    %dma_start3A_235 = tpu.memref_squeeze %dma_start3A_234 : memref<1x!tpu.dma_semaphore, #tpu.memory_space<semaphore_mem>> -> memref<!tpu.dma_semaphore, #tpu.memory_space<semaphore_mem>>
    %dma_start3A_236 = arith.constant 0 : i32
    %dma_start3A_237 = tpu.memref_slice %arg5[%dma_start3A_228, %dma_start3A_236] : memref<2x62208xf32, #tpu.memory_space<vmem>> -> memref<1x768xf32, #tpu.memory_space<vmem>>
    %dma_start3A_238 = tpu.memref_squeeze %dma_start3A_237 : memref<1x768xf32, #tpu.memory_space<vmem>> -> memref<768xf32, #tpu.memory_space<vmem>>
    %dma_start3A_239 = tpu.memref_slice %arg3[%multiple_of3A_227] : memref<98304xf32, #tpu.memory_space<hbm>> -> memref<768xf32, #tpu.memory_space<hbm>>
    tpu.enqueue_dma source(%dma_start3A_239 : memref<768xf32, #tpu.memory_space<hbm>>) target(%dma_start3A_238 : memref<768xf32, #tpu.memory_space<vmem>>) target_semaphore(%dma_start3A_235 : memref<!tpu.dma_semaphore, #tpu.memory_space<semaphore_mem>>)
    %mul3A_240 = arith.constant 197 : i32
    %mul3A_241 = arith.muli %add3A_224, %mul3A_240 : i32
    %mul3A_242 = arith.constant 768 : i32
    %mul3A_243 = arith.muli %mul3A_241, %mul3A_242 : i32
    %multiple_of3A_244 = tpu.assume_multiple %mul3A_243, 768 : i32
    %dma_start3A_245 = arith.constant 1 : i32
    %dma_start3A_246 = arith.constant 1 : i32
    %dma_start3A_247 = arith.constant 768 : i32
    %dma_start3A_248 = tpu.memref_slice %arg5[%dma_start3A_245, %dma_start3A_247] : memref<2x62208xf32, #tpu.memory_space<vmem>> -> memref<1x55296xf32, #tpu.memory_space<vmem>>
    %dma_start3A_249 = tpu.memref_squeeze %dma_start3A_248 : memref<1x55296xf32, #tpu.memory_space<vmem>> -> memref<55296xf32, #tpu.memory_space<vmem>>
    %dma_start3A_250 = tpu.memref_slice %arg2[%multiple_of3A_244] : memref<19365888xf32, #tpu.memory_space<hbm>> -> memref<55296xf32, #tpu.memory_space<hbm>>
    %dma_start3A_251 = tpu.memref_slice %arg6[%dma_start3A_246] : memref<2x!tpu.dma_semaphore, #tpu.memory_space<semaphore_mem>> -> memref<1x!tpu.dma_semaphore, #tpu.memory_space<semaphore_mem>>
    %dma_start3A_252 = tpu.memref_squeeze %dma_start3A_251 : memref<1x!tpu.dma_semaphore, #tpu.memory_space<semaphore_mem>> -> memref<!tpu.dma_semaphore, #tpu.memory_space<semaphore_mem>>
    %dma_start3A_253 = arith.constant 768 : i32
    %dma_start3A_254 = tpu.memref_slice %arg5[%dma_start3A_245, %dma_start3A_253] : memref<2x62208xf32, #tpu.memory_space<vmem>> -> memref<1x55296xf32, #tpu.memory_space<vmem>>
    %dma_start3A_255 = tpu.memref_squeeze %dma_start3A_254 : memref<1x55296xf32, #tpu.memory_space<vmem>> -> memref<55296xf32, #tpu.memory_space<vmem>>
    %dma_start3A_256 = tpu.memref_slice %arg2[%multiple_of3A_244] : memref<19365888xf32, #tpu.memory_space<hbm>> -> memref<55296xf32, #tpu.memory_space<hbm>>
    tpu.enqueue_dma source(%dma_start3A_256 : memref<55296xf32, #tpu.memory_space<hbm>>) target(%dma_start3A_255 : memref<55296xf32, #tpu.memory_space<vmem>>) target_semaphore(%dma_start3A_252 : memref<!tpu.dma_semaphore, #tpu.memory_space<semaphore_mem>>)
    %dma_wait3A_257 = arith.constant 1 : i32
    %dma_wait3A_258 = arith.constant 1 : i32
    %dma_wait3A_259 = arith.constant 0 : i32
    %dma_wait3A_260 = tpu.memref_slice %arg5[%dma_wait3A_257, %dma_wait3A_259] : memref<2x62208xf32, #tpu.memory_space<vmem>> -> memref<1x768xf32, #tpu.memory_space<vmem>>
    %dma_wait3A_261 = tpu.memref_squeeze %dma_wait3A_260 : memref<1x768xf32, #tpu.memory_space<vmem>> -> memref<768xf32, #tpu.memory_space<vmem>>
    %dma_wait3A_262 = tpu.memref_slice %arg3[%multiple_of3A_227] : memref<98304xf32, #tpu.memory_space<hbm>> -> memref<768xf32, #tpu.memory_space<hbm>>
    %dma_wait3A_263 = tpu.memref_slice %arg6[%dma_wait3A_258] : memref<2x!tpu.dma_semaphore, #tpu.memory_space<semaphore_mem>> -> memref<1x!tpu.dma_semaphore, #tpu.memory_space<semaphore_mem>>
    %dma_wait3A_264 = tpu.memref_squeeze %dma_wait3A_263 : memref<1x!tpu.dma_semaphore, #tpu.memory_space<semaphore_mem>> -> memref<!tpu.dma_semaphore, #tpu.memory_space<semaphore_mem>>
    %dma_wait3A_265 = arith.constant 0 : i32
    %dma_wait3A_266 = tpu.memref_slice %arg5[%dma_wait3A_257, %dma_wait3A_265] : memref<2x62208xf32, #tpu.memory_space<vmem>> -> memref<1x768xf32, #tpu.memory_space<vmem>>
    %dma_wait3A_267 = tpu.memref_squeeze %dma_wait3A_266 : memref<1x768xf32, #tpu.memory_space<vmem>> -> memref<768xf32, #tpu.memory_space<vmem>>
    %dma_wait3A_268 = tpu.memref_slice %arg3[%multiple_of3A_227] : memref<98304xf32, #tpu.memory_space<hbm>> -> memref<768xf32, #tpu.memory_space<hbm>>
    tpu.wait_dma2 semaphore(%dma_wait3A_264 : memref<!tpu.dma_semaphore, #tpu.memory_space<semaphore_mem>>) src(%dma_wait3A_268 : memref<768xf32, #tpu.memory_space<hbm>>) dst(%dma_wait3A_267 : memref<768xf32, #tpu.memory_space<vmem>>)
    %dma_wait3A_269 = arith.constant 1 : i32
    %dma_wait3A_270 = arith.constant 1 : i32
    %dma_wait3A_271 = arith.constant 768 : i32
    %dma_wait3A_272 = tpu.memref_slice %arg5[%dma_wait3A_269, %dma_wait3A_271] : memref<2x62208xf32, #tpu.memory_space<vmem>> -> memref<1x55296xf32, #tpu.memory_space<vmem>>
    %dma_wait3A_273 = tpu.memref_squeeze %dma_wait3A_272 : memref<1x55296xf32, #tpu.memory_space<vmem>> -> memref<55296xf32, #tpu.memory_space<vmem>>
    %dma_wait3A_274 = tpu.memref_slice %arg2[%multiple_of3A_244] : memref<19365888xf32, #tpu.memory_space<hbm>> -> memref<55296xf32, #tpu.memory_space<hbm>>
    %dma_wait3A_275 = tpu.memref_slice %arg6[%dma_wait3A_270] : memref<2x!tpu.dma_semaphore, #tpu.memory_space<semaphore_mem>> -> memref<1x!tpu.dma_semaphore, #tpu.memory_space<semaphore_mem>>
    %dma_wait3A_276 = tpu.memref_squeeze %dma_wait3A_275 : memref<1x!tpu.dma_semaphore, #tpu.memory_space<semaphore_mem>> -> memref<!tpu.dma_semaphore, #tpu.memory_space<semaphore_mem>>
    %dma_wait3A_277 = arith.constant 768 : i32
    %dma_wait3A_278 = tpu.memref_slice %arg5[%dma_wait3A_269, %dma_wait3A_277] : memref<2x62208xf32, #tpu.memory_space<vmem>> -> memref<1x55296xf32, #tpu.memory_space<vmem>>
    %dma_wait3A_279 = tpu.memref_squeeze %dma_wait3A_278 : memref<1x55296xf32, #tpu.memory_space<vmem>> -> memref<55296xf32, #tpu.memory_space<vmem>>
    %dma_wait3A_280 = tpu.memref_slice %arg2[%multiple_of3A_244] : memref<19365888xf32, #tpu.memory_space<hbm>> -> memref<55296xf32, #tpu.memory_space<hbm>>
    tpu.wait_dma2 semaphore(%dma_wait3A_276 : memref<!tpu.dma_semaphore, #tpu.memory_space<semaphore_mem>>) src(%dma_wait3A_280 : memref<55296xf32, #tpu.memory_space<hbm>>) dst(%dma_wait3A_279 : memref<55296xf32, #tpu.memory_space<vmem>>)
    %mul3A_281 = arith.constant 4 : i32
    %mul3A_282 = arith.muli %add3A, %mul3A_281 : i32
    %add3A_283 = arith.constant 1 : i32
    %add3A_284 = arith.addi %mul3A_282, %add3A_283 : i32
    %mul3A_285 = arith.constant 238 : i32
    %mul3A_286 = arith.muli %add3A_284, %mul3A_285 : i32
    %mul3A_287 = arith.constant 768 : i32
    %mul3A_288 = arith.muli %mul3A_286, %mul3A_287 : i32
    %add3A_289 = arith.constant 30720 : i32
    %add3A_290 = arith.addi %mul3A_288, %add3A_289 : i32
    %multiple_of3A_291 = tpu.assume_multiple %add3A_290, 768 : i32
    %dma_start3A_292 = arith.constant 1 : i32
    %dma_start3A_293 = arith.constant 1 : i32
    %dma_start3A_294 = arith.constant 0 : i32
    %dma_start3A_295 = tpu.memref_slice %arg5[%dma_start3A_292, %dma_start3A_294] : memref<2x62208xf32, #tpu.memory_space<vmem>> -> memref<1x55296xf32, #tpu.memory_space<vmem>>
    %dma_start3A_296 = tpu.memref_squeeze %dma_start3A_295 : memref<1x55296xf32, #tpu.memory_space<vmem>> -> memref<55296xf32, #tpu.memory_space<vmem>>
    %dma_start3A_297 = tpu.memref_slice %arg4[%multiple_of3A_291] : memref<23396352xf32, #tpu.memory_space<hbm>> -> memref<55296xf32, #tpu.memory_space<hbm>>
    %dma_start3A_298 = tpu.memref_slice %arg7[%dma_start3A_293] : memref<2x!tpu.dma_semaphore, #tpu.memory_space<semaphore_mem>> -> memref<1x!tpu.dma_semaphore, #tpu.memory_space<semaphore_mem>>
    %dma_start3A_299 = tpu.memref_squeeze %dma_start3A_298 : memref<1x!tpu.dma_semaphore, #tpu.memory_space<semaphore_mem>> -> memref<!tpu.dma_semaphore, #tpu.memory_space<semaphore_mem>>
    %dma_start3A_300 = tpu.memref_slice %arg4[%multiple_of3A_291] : memref<23396352xf32, #tpu.memory_space<hbm>> -> memref<55296xf32, #tpu.memory_space<hbm>>
    %dma_start3A_301 = arith.constant 0 : i32
    %dma_start3A_302 = tpu.memref_slice %arg5[%dma_start3A_292, %dma_start3A_301] : memref<2x62208xf32, #tpu.memory_space<vmem>> -> memref<1x55296xf32, #tpu.memory_space<vmem>>
    %dma_start3A_303 = tpu.memref_squeeze %dma_start3A_302 : memref<1x55296xf32, #tpu.memory_space<vmem>> -> memref<55296xf32, #tpu.memory_space<vmem>>
    tpu.enqueue_dma source(%dma_start3A_303 : memref<55296xf32, #tpu.memory_space<vmem>>) target(%dma_start3A_300 : memref<55296xf32, #tpu.memory_space<hbm>>) target_semaphore(%dma_start3A_299 : memref<!tpu.dma_semaphore, #tpu.memory_space<semaphore_mem>>)
    %dma_wait3A_304 = arith.constant 0 : i32
    %dma_wait3A_305 = arith.constant 0 : i32
    %dma_wait3A_306 = arith.constant 5376 : i32
    %dma_wait3A_307 = tpu.memref_slice %arg5[%dma_wait3A_304, %dma_wait3A_306] : memref<2x62208xf32, #tpu.memory_space<vmem>> -> memref<1x41472xf32, #tpu.memory_space<vmem>>
    %dma_wait3A_308 = tpu.memref_squeeze %dma_wait3A_307 : memref<1x41472xf32, #tpu.memory_space<vmem>> -> memref<41472xf32, #tpu.memory_space<vmem>>
    %dma_wait3A_309 = tpu.memref_slice %arg4[%multiple_of3A_196] : memref<23396352xf32, #tpu.memory_space<hbm>> -> memref<41472xf32, #tpu.memory_space<hbm>>
    %dma_wait3A_310 = tpu.memref_slice %arg7[%dma_wait3A_305] : memref<2x!tpu.dma_semaphore, #tpu.memory_space<semaphore_mem>> -> memref<1x!tpu.dma_semaphore, #tpu.memory_space<semaphore_mem>>
    %dma_wait3A_311 = tpu.memref_squeeze %dma_wait3A_310 : memref<1x!tpu.dma_semaphore, #tpu.memory_space<semaphore_mem>> -> memref<!tpu.dma_semaphore, #tpu.memory_space<semaphore_mem>>
    %dma_wait3A_312 = tpu.memref_slice %arg4[%multiple_of3A_196] : memref<23396352xf32, #tpu.memory_space<hbm>> -> memref<41472xf32, #tpu.memory_space<hbm>>
    %dma_wait3A_313 = arith.constant 5376 : i32
    %dma_wait3A_314 = tpu.memref_slice %arg5[%dma_wait3A_304, %dma_wait3A_313] : memref<2x62208xf32, #tpu.memory_space<vmem>> -> memref<1x41472xf32, #tpu.memory_space<vmem>>
    %dma_wait3A_315 = tpu.memref_squeeze %dma_wait3A_314 : memref<1x41472xf32, #tpu.memory_space<vmem>> -> memref<41472xf32, #tpu.memory_space<vmem>>
    tpu.wait_dma2 semaphore(%dma_wait3A_311 : memref<!tpu.dma_semaphore, #tpu.memory_space<semaphore_mem>>) src(%dma_wait3A_315 : memref<41472xf32, #tpu.memory_space<vmem>>) dst(%dma_wait3A_312 : memref<41472xf32, #tpu.memory_space<hbm>>)
    %mul3A_316 = arith.constant 4 : i32
    %mul3A_317 = arith.muli %add3A, %mul3A_316 : i32
    %add3A_318 = arith.constant 1 : i32
    %add3A_319 = arith.addi %mul3A_317, %add3A_318 : i32
    %mul3A_320 = arith.constant 197 : i32
    %mul3A_321 = arith.muli %add3A_319, %mul3A_320 : i32
    %mul3A_322 = arith.constant 768 : i32
    %mul3A_323 = arith.muli %mul3A_321, %mul3A_322 : i32
    %add3A_324 = arith.constant 49152 : i32
    %add3A_325 = arith.addi %mul3A_323, %add3A_324 : i32
    %multiple_of3A_326 = tpu.assume_multiple %add3A_325, 768 : i32
    %dma_start3A_327 = arith.constant 0 : i32
    %dma_start3A_328 = arith.constant 0 : i32
    %dma_start3A_329 = arith.constant 0 : i32
    %dma_start3A_330 = tpu.memref_slice %arg5[%dma_start3A_327, %dma_start3A_329] : memref<2x62208xf32, #tpu.memory_space<vmem>> -> memref<1x61440xf32, #tpu.memory_space<vmem>>
    %dma_start3A_331 = tpu.memref_squeeze %dma_start3A_330 : memref<1x61440xf32, #tpu.memory_space<vmem>> -> memref<61440xf32, #tpu.memory_space<vmem>>
    %dma_start3A_332 = tpu.memref_slice %arg2[%multiple_of3A_326] : memref<19365888xf32, #tpu.memory_space<hbm>> -> memref<61440xf32, #tpu.memory_space<hbm>>
    %dma_start3A_333 = tpu.memref_slice %arg6[%dma_start3A_328] : memref<2x!tpu.dma_semaphore, #tpu.memory_space<semaphore_mem>> -> memref<1x!tpu.dma_semaphore, #tpu.memory_space<semaphore_mem>>
    %dma_start3A_334 = tpu.memref_squeeze %dma_start3A_333 : memref<1x!tpu.dma_semaphore, #tpu.memory_space<semaphore_mem>> -> memref<!tpu.dma_semaphore, #tpu.memory_space<semaphore_mem>>
    %dma_start3A_335 = arith.constant 0 : i32
    %dma_start3A_336 = tpu.memref_slice %arg5[%dma_start3A_327, %dma_start3A_335] : memref<2x62208xf32, #tpu.memory_space<vmem>> -> memref<1x61440xf32, #tpu.memory_space<vmem>>
    %dma_start3A_337 = tpu.memref_squeeze %dma_start3A_336 : memref<1x61440xf32, #tpu.memory_space<vmem>> -> memref<61440xf32, #tpu.memory_space<vmem>>
    %dma_start3A_338 = tpu.memref_slice %arg2[%multiple_of3A_326] : memref<19365888xf32, #tpu.memory_space<hbm>> -> memref<61440xf32, #tpu.memory_space<hbm>>
    tpu.enqueue_dma source(%dma_start3A_338 : memref<61440xf32, #tpu.memory_space<hbm>>) target(%dma_start3A_337 : memref<61440xf32, #tpu.memory_space<vmem>>) target_semaphore(%dma_start3A_334 : memref<!tpu.dma_semaphore, #tpu.memory_space<semaphore_mem>>)
    %dma_wait3A_339 = arith.constant 0 : i32
    %dma_wait3A_340 = arith.constant 0 : i32
    %dma_wait3A_341 = arith.constant 0 : i32
    %dma_wait3A_342 = tpu.memref_slice %arg5[%dma_wait3A_339, %dma_wait3A_341] : memref<2x62208xf32, #tpu.memory_space<vmem>> -> memref<1x61440xf32, #tpu.memory_space<vmem>>
    %dma_wait3A_343 = tpu.memref_squeeze %dma_wait3A_342 : memref<1x61440xf32, #tpu.memory_space<vmem>> -> memref<61440xf32, #tpu.memory_space<vmem>>
    %dma_wait3A_344 = tpu.memref_slice %arg2[%multiple_of3A_326] : memref<19365888xf32, #tpu.memory_space<hbm>> -> memref<61440xf32, #tpu.memory_space<hbm>>
    %dma_wait3A_345 = tpu.memref_slice %arg6[%dma_wait3A_340] : memref<2x!tpu.dma_semaphore, #tpu.memory_space<semaphore_mem>> -> memref<1x!tpu.dma_semaphore, #tpu.memory_space<semaphore_mem>>
    %dma_wait3A_346 = tpu.memref_squeeze %dma_wait3A_345 : memref<1x!tpu.dma_semaphore, #tpu.memory_space<semaphore_mem>> -> memref<!tpu.dma_semaphore, #tpu.memory_space<semaphore_mem>>
    %dma_wait3A_347 = arith.constant 0 : i32
    %dma_wait3A_348 = tpu.memref_slice %arg5[%dma_wait3A_339, %dma_wait3A_347] : memref<2x62208xf32, #tpu.memory_space<vmem>> -> memref<1x61440xf32, #tpu.memory_space<vmem>>
    %dma_wait3A_349 = tpu.memref_squeeze %dma_wait3A_348 : memref<1x61440xf32, #tpu.memory_space<vmem>> -> memref<61440xf32, #tpu.memory_space<vmem>>
    %dma_wait3A_350 = tpu.memref_slice %arg2[%multiple_of3A_326] : memref<19365888xf32, #tpu.memory_space<hbm>> -> memref<61440xf32, #tpu.memory_space<hbm>>
    tpu.wait_dma2 semaphore(%dma_wait3A_346 : memref<!tpu.dma_semaphore, #tpu.memory_space<semaphore_mem>>) src(%dma_wait3A_350 : memref<61440xf32, #tpu.memory_space<hbm>>) dst(%dma_wait3A_349 : memref<61440xf32, #tpu.memory_space<vmem>>)
    %mul3A_351 = arith.constant 4 : i32
    %mul3A_352 = arith.muli %add3A, %mul3A_351 : i32
    %add3A_353 = arith.constant 1 : i32
    %add3A_354 = arith.addi %mul3A_352, %add3A_353 : i32
    %mul3A_355 = arith.constant 238 : i32
    %mul3A_356 = arith.muli %add3A_354, %mul3A_355 : i32
    %mul3A_357 = arith.constant 768 : i32
    %mul3A_358 = arith.muli %mul3A_356, %mul3A_357 : i32
    %add3A_359 = arith.constant 86016 : i32
    %add3A_360 = arith.addi %mul3A_358, %add3A_359 : i32
    %multiple_of3A_361 = tpu.assume_multiple %add3A_360, 768 : i32
    %dma_start3A_362 = arith.constant 0 : i32
    %dma_start3A_363 = arith.constant 0 : i32
    %dma_start3A_364 = arith.constant 5376 : i32
    %dma_start3A_365 = tpu.memref_slice %arg5[%dma_start3A_362, %dma_start3A_364] : memref<2x62208xf32, #tpu.memory_space<vmem>> -> memref<1x55296xf32, #tpu.memory_space<vmem>>
    %dma_start3A_366 = tpu.memref_squeeze %dma_start3A_365 : memref<1x55296xf32, #tpu.memory_space<vmem>> -> memref<55296xf32, #tpu.memory_space<vmem>>
    %dma_start3A_367 = tpu.memref_slice %arg4[%multiple_of3A_361] : memref<23396352xf32, #tpu.memory_space<hbm>> -> memref<55296xf32, #tpu.memory_space<hbm>>
    %dma_start3A_368 = tpu.memref_slice %arg7[%dma_start3A_363] : memref<2x!tpu.dma_semaphore, #tpu.memory_space<semaphore_mem>> -> memref<1x!tpu.dma_semaphore, #tpu.memory_space<semaphore_mem>>
    %dma_start3A_369 = tpu.memref_squeeze %dma_start3A_368 : memref<1x!tpu.dma_semaphore, #tpu.memory_space<semaphore_mem>> -> memref<!tpu.dma_semaphore, #tpu.memory_space<semaphore_mem>>
    %dma_start3A_370 = tpu.memref_slice %arg4[%multiple_of3A_361] : memref<23396352xf32, #tpu.memory_space<hbm>> -> memref<55296xf32, #tpu.memory_space<hbm>>
    %dma_start3A_371 = arith.constant 5376 : i32
    %dma_start3A_372 = tpu.memref_slice %arg5[%dma_start3A_362, %dma_start3A_371] : memref<2x62208xf32, #tpu.memory_space<vmem>> -> memref<1x55296xf32, #tpu.memory_space<vmem>>
    %dma_start3A_373 = tpu.memref_squeeze %dma_start3A_372 : memref<1x55296xf32, #tpu.memory_space<vmem>> -> memref<55296xf32, #tpu.memory_space<vmem>>
    tpu.enqueue_dma source(%dma_start3A_373 : memref<55296xf32, #tpu.memory_space<vmem>>) target(%dma_start3A_370 : memref<55296xf32, #tpu.memory_space<hbm>>) target_semaphore(%dma_start3A_369 : memref<!tpu.dma_semaphore, #tpu.memory_space<semaphore_mem>>)
    %dma_wait3A_374 = arith.constant 1 : i32
    %dma_wait3A_375 = arith.constant 1 : i32
    %dma_wait3A_376 = arith.constant 0 : i32
    %dma_wait3A_377 = tpu.memref_slice %arg5[%dma_wait3A_374, %dma_wait3A_376] : memref<2x62208xf32, #tpu.memory_space<vmem>> -> memref<1x55296xf32, #tpu.memory_space<vmem>>
    %dma_wait3A_378 = tpu.memref_squeeze %dma_wait3A_377 : memref<1x55296xf32, #tpu.memory_space<vmem>> -> memref<55296xf32, #tpu.memory_space<vmem>>
    %dma_wait3A_379 = tpu.memref_slice %arg4[%multiple_of3A_291] : memref<23396352xf32, #tpu.memory_space<hbm>> -> memref<55296xf32, #tpu.memory_space<hbm>>
    %dma_wait3A_380 = tpu.memref_slice %arg7[%dma_wait3A_375] : memref<2x!tpu.dma_semaphore, #tpu.memory_space<semaphore_mem>> -> memref<1x!tpu.dma_semaphore, #tpu.memory_space<semaphore_mem>>
    %dma_wait3A_381 = tpu.memref_squeeze %dma_wait3A_380 : memref<1x!tpu.dma_semaphore, #tpu.memory_space<semaphore_mem>> -> memref<!tpu.dma_semaphore, #tpu.memory_space<semaphore_mem>>
    %dma_wait3A_382 = tpu.memref_slice %arg4[%multiple_of3A_291] : memref<23396352xf32, #tpu.memory_space<hbm>> -> memref<55296xf32, #tpu.memory_space<hbm>>
    %dma_wait3A_383 = arith.constant 0 : i32
    %dma_wait3A_384 = tpu.memref_slice %arg5[%dma_wait3A_374, %dma_wait3A_383] : memref<2x62208xf32, #tpu.memory_space<vmem>> -> memref<1x55296xf32, #tpu.memory_space<vmem>>
    %dma_wait3A_385 = tpu.memref_squeeze %dma_wait3A_384 : memref<1x55296xf32, #tpu.memory_space<vmem>> -> memref<55296xf32, #tpu.memory_space<vmem>>
    tpu.wait_dma2 semaphore(%dma_wait3A_381 : memref<!tpu.dma_semaphore, #tpu.memory_space<semaphore_mem>>) src(%dma_wait3A_385 : memref<55296xf32, #tpu.memory_space<vmem>>) dst(%dma_wait3A_382 : memref<55296xf32, #tpu.memory_space<hbm>>)
    %mul3A_386 = arith.constant 4 : i32
    %mul3A_387 = arith.muli %add3A, %mul3A_386 : i32
    %add3A_388 = arith.constant 1 : i32
    %add3A_389 = arith.addi %mul3A_387, %add3A_388 : i32
    %mul3A_390 = arith.constant 197 : i32
    %mul3A_391 = arith.muli %add3A_389, %mul3A_390 : i32
    %mul3A_392 = arith.constant 768 : i32
    %mul3A_393 = arith.muli %mul3A_391, %mul3A_392 : i32
    %add3A_394 = arith.constant 104448 : i32
    %add3A_395 = arith.addi %mul3A_393, %add3A_394 : i32
    %multiple_of3A_396 = tpu.assume_multiple %add3A_395, 768 : i32
    %dma_start3A_397 = arith.constant 1 : i32
    %dma_start3A_398 = arith.constant 1 : i32
    %dma_start3A_399 = arith.constant 0 : i32
    %dma_start3A_400 = tpu.memref_slice %arg5[%dma_start3A_397, %dma_start3A_399] : memref<2x62208xf32, #tpu.memory_space<vmem>> -> memref<1x46848xf32, #tpu.memory_space<vmem>>
    %dma_start3A_401 = tpu.memref_squeeze %dma_start3A_400 : memref<1x46848xf32, #tpu.memory_space<vmem>> -> memref<46848xf32, #tpu.memory_space<vmem>>
    %dma_start3A_402 = tpu.memref_slice %arg2[%multiple_of3A_396] : memref<19365888xf32, #tpu.memory_space<hbm>> -> memref<46848xf32, #tpu.memory_space<hbm>>
    %dma_start3A_403 = tpu.memref_slice %arg6[%dma_start3A_398] : memref<2x!tpu.dma_semaphore, #tpu.memory_space<semaphore_mem>> -> memref<1x!tpu.dma_semaphore, #tpu.memory_space<semaphore_mem>>
    %dma_start3A_404 = tpu.memref_squeeze %dma_start3A_403 : memref<1x!tpu.dma_semaphore, #tpu.memory_space<semaphore_mem>> -> memref<!tpu.dma_semaphore, #tpu.memory_space<semaphore_mem>>
    %dma_start3A_405 = arith.constant 0 : i32
    %dma_start3A_406 = tpu.memref_slice %arg5[%dma_start3A_397, %dma_start3A_405] : memref<2x62208xf32, #tpu.memory_space<vmem>> -> memref<1x46848xf32, #tpu.memory_space<vmem>>
    %dma_start3A_407 = tpu.memref_squeeze %dma_start3A_406 : memref<1x46848xf32, #tpu.memory_space<vmem>> -> memref<46848xf32, #tpu.memory_space<vmem>>
    %dma_start3A_408 = tpu.memref_slice %arg2[%multiple_of3A_396] : memref<19365888xf32, #tpu.memory_space<hbm>> -> memref<46848xf32, #tpu.memory_space<hbm>>
    tpu.enqueue_dma source(%dma_start3A_408 : memref<46848xf32, #tpu.memory_space<hbm>>) target(%dma_start3A_407 : memref<46848xf32, #tpu.memory_space<vmem>>) target_semaphore(%dma_start3A_404 : memref<!tpu.dma_semaphore, #tpu.memory_space<semaphore_mem>>)
    %dma_wait3A_409 = arith.constant 1 : i32
    %dma_wait3A_410 = arith.constant 1 : i32
    %dma_wait3A_411 = arith.constant 0 : i32
    %dma_wait3A_412 = tpu.memref_slice %arg5[%dma_wait3A_409, %dma_wait3A_411] : memref<2x62208xf32, #tpu.memory_space<vmem>> -> memref<1x46848xf32, #tpu.memory_space<vmem>>
    %dma_wait3A_413 = tpu.memref_squeeze %dma_wait3A_412 : memref<1x46848xf32, #tpu.memory_space<vmem>> -> memref<46848xf32, #tpu.memory_space<vmem>>
    %dma_wait3A_414 = tpu.memref_slice %arg2[%multiple_of3A_396] : memref<19365888xf32, #tpu.memory_space<hbm>> -> memref<46848xf32, #tpu.memory_space<hbm>>
    %dma_wait3A_415 = tpu.memref_slice %arg6[%dma_wait3A_410] : memref<2x!tpu.dma_semaphore, #tpu.memory_space<semaphore_mem>> -> memref<1x!tpu.dma_semaphore, #tpu.memory_space<semaphore_mem>>
    %dma_wait3A_416 = tpu.memref_squeeze %dma_wait3A_415 : memref<1x!tpu.dma_semaphore, #tpu.memory_space<semaphore_mem>> -> memref<!tpu.dma_semaphore, #tpu.memory_space<semaphore_mem>>
    %dma_wait3A_417 = arith.constant 0 : i32
    %dma_wait3A_418 = tpu.memref_slice %arg5[%dma_wait3A_409, %dma_wait3A_417] : memref<2x62208xf32, #tpu.memory_space<vmem>> -> memref<1x46848xf32, #tpu.memory_space<vmem>>
    %dma_wait3A_419 = tpu.memref_squeeze %dma_wait3A_418 : memref<1x46848xf32, #tpu.memory_space<vmem>> -> memref<46848xf32, #tpu.memory_space<vmem>>
    %dma_wait3A_420 = tpu.memref_slice %arg2[%multiple_of3A_396] : memref<19365888xf32, #tpu.memory_space<hbm>> -> memref<46848xf32, #tpu.memory_space<hbm>>
    tpu.wait_dma2 semaphore(%dma_wait3A_416 : memref<!tpu.dma_semaphore, #tpu.memory_space<semaphore_mem>>) src(%dma_wait3A_420 : memref<46848xf32, #tpu.memory_space<hbm>>) dst(%dma_wait3A_419 : memref<46848xf32, #tpu.memory_space<vmem>>)
    %mul3A_421 = arith.constant 4 : i32
    %mul3A_422 = arith.muli %add3A, %mul3A_421 : i32
    %add3A_423 = arith.constant 1 : i32
    %add3A_424 = arith.addi %mul3A_422, %add3A_423 : i32
    %mul3A_425 = arith.constant 238 : i32
    %mul3A_426 = arith.muli %add3A_424, %mul3A_425 : i32
    %mul3A_427 = arith.constant 768 : i32
    %mul3A_428 = arith.muli %mul3A_426, %mul3A_427 : i32
    %add3A_429 = arith.constant 141312 : i32
    %add3A_430 = arith.addi %mul3A_428, %add3A_429 : i32
    %multiple_of3A_431 = tpu.assume_multiple %add3A_430, 768 : i32
    %dma_start3A_432 = arith.constant 1 : i32
    %dma_start3A_433 = arith.constant 1 : i32
    %dma_start3A_434 = arith.constant 5376 : i32
    %dma_start3A_435 = tpu.memref_slice %arg5[%dma_start3A_432, %dma_start3A_434] : memref<2x62208xf32, #tpu.memory_space<vmem>> -> memref<1x41472xf32, #tpu.memory_space<vmem>>
    %dma_start3A_436 = tpu.memref_squeeze %dma_start3A_435 : memref<1x41472xf32, #tpu.memory_space<vmem>> -> memref<41472xf32, #tpu.memory_space<vmem>>
    %dma_start3A_437 = tpu.memref_slice %arg4[%multiple_of3A_431] : memref<23396352xf32, #tpu.memory_space<hbm>> -> memref<41472xf32, #tpu.memory_space<hbm>>
    %dma_start3A_438 = tpu.memref_slice %arg7[%dma_start3A_433] : memref<2x!tpu.dma_semaphore, #tpu.memory_space<semaphore_mem>> -> memref<1x!tpu.dma_semaphore, #tpu.memory_space<semaphore_mem>>
    %dma_start3A_439 = tpu.memref_squeeze %dma_start3A_438 : memref<1x!tpu.dma_semaphore, #tpu.memory_space<semaphore_mem>> -> memref<!tpu.dma_semaphore, #tpu.memory_space<semaphore_mem>>
    %dma_start3A_440 = tpu.memref_slice %arg4[%multiple_of3A_431] : memref<23396352xf32, #tpu.memory_space<hbm>> -> memref<41472xf32, #tpu.memory_space<hbm>>
    %dma_start3A_441 = arith.constant 5376 : i32
    %dma_start3A_442 = tpu.memref_slice %arg5[%dma_start3A_432, %dma_start3A_441] : memref<2x62208xf32, #tpu.memory_space<vmem>> -> memref<1x41472xf32, #tpu.memory_space<vmem>>
    %dma_start3A_443 = tpu.memref_squeeze %dma_start3A_442 : memref<1x41472xf32, #tpu.memory_space<vmem>> -> memref<41472xf32, #tpu.memory_space<vmem>>
    tpu.enqueue_dma source(%dma_start3A_443 : memref<41472xf32, #tpu.memory_space<vmem>>) target(%dma_start3A_440 : memref<41472xf32, #tpu.memory_space<hbm>>) target_semaphore(%dma_start3A_439 : memref<!tpu.dma_semaphore, #tpu.memory_space<semaphore_mem>>)
    %dma_wait3A_444 = arith.constant 0 : i32
    %dma_wait3A_445 = arith.constant 0 : i32
    %dma_wait3A_446 = arith.constant 5376 : i32
    %dma_wait3A_447 = tpu.memref_slice %arg5[%dma_wait3A_444, %dma_wait3A_446] : memref<2x62208xf32, #tpu.memory_space<vmem>> -> memref<1x55296xf32, #tpu.memory_space<vmem>>
    %dma_wait3A_448 = tpu.memref_squeeze %dma_wait3A_447 : memref<1x55296xf32, #tpu.memory_space<vmem>> -> memref<55296xf32, #tpu.memory_space<vmem>>
    %dma_wait3A_449 = tpu.memref_slice %arg4[%multiple_of3A_361] : memref<23396352xf32, #tpu.memory_space<hbm>> -> memref<55296xf32, #tpu.memory_space<hbm>>
    %dma_wait3A_450 = tpu.memref_slice %arg7[%dma_wait3A_445] : memref<2x!tpu.dma_semaphore, #tpu.memory_space<semaphore_mem>> -> memref<1x!tpu.dma_semaphore, #tpu.memory_space<semaphore_mem>>
    %dma_wait3A_451 = tpu.memref_squeeze %dma_wait3A_450 : memref<1x!tpu.dma_semaphore, #tpu.memory_space<semaphore_mem>> -> memref<!tpu.dma_semaphore, #tpu.memory_space<semaphore_mem>>
    %dma_wait3A_452 = tpu.memref_slice %arg4[%multiple_of3A_361] : memref<23396352xf32, #tpu.memory_space<hbm>> -> memref<55296xf32, #tpu.memory_space<hbm>>
    %dma_wait3A_453 = arith.constant 5376 : i32
    %dma_wait3A_454 = tpu.memref_slice %arg5[%dma_wait3A_444, %dma_wait3A_453] : memref<2x62208xf32, #tpu.memory_space<vmem>> -> memref<1x55296xf32, #tpu.memory_space<vmem>>
    %dma_wait3A_455 = tpu.memref_squeeze %dma_wait3A_454 : memref<1x55296xf32, #tpu.memory_space<vmem>> -> memref<55296xf32, #tpu.memory_space<vmem>>
    tpu.wait_dma2 semaphore(%dma_wait3A_451 : memref<!tpu.dma_semaphore, #tpu.memory_space<semaphore_mem>>) src(%dma_wait3A_455 : memref<55296xf32, #tpu.memory_space<vmem>>) dst(%dma_wait3A_452 : memref<55296xf32, #tpu.memory_space<hbm>>)
    %mul3A_456 = arith.constant 4 : i32
    %mul3A_457 = arith.muli %add3A, %mul3A_456 : i32
    %add3A_458 = arith.constant 2 : i32
    %add3A_459 = arith.addi %mul3A_457, %add3A_458 : i32
    %mul3A_460 = arith.constant 768 : i32
    %mul3A_461 = arith.muli %add3A_459, %mul3A_460 : i32
    %multiple_of3A_462 = tpu.assume_multiple %mul3A_461, 768 : i32
    %dma_start3A_463 = arith.constant 0 : i32
    %dma_start3A_464 = arith.constant 0 : i32
    %dma_start3A_465 = arith.constant 0 : i32
    %dma_start3A_466 = tpu.memref_slice %arg5[%dma_start3A_463, %dma_start3A_465] : memref<2x62208xf32, #tpu.memory_space<vmem>> -> memref<1x768xf32, #tpu.memory_space<vmem>>
    %dma_start3A_467 = tpu.memref_squeeze %dma_start3A_466 : memref<1x768xf32, #tpu.memory_space<vmem>> -> memref<768xf32, #tpu.memory_space<vmem>>
    %dma_start3A_468 = tpu.memref_slice %arg3[%multiple_of3A_462] : memref<98304xf32, #tpu.memory_space<hbm>> -> memref<768xf32, #tpu.memory_space<hbm>>
    %dma_start3A_469 = tpu.memref_slice %arg6[%dma_start3A_464] : memref<2x!tpu.dma_semaphore, #tpu.memory_space<semaphore_mem>> -> memref<1x!tpu.dma_semaphore, #tpu.memory_space<semaphore_mem>>
    %dma_start3A_470 = tpu.memref_squeeze %dma_start3A_469 : memref<1x!tpu.dma_semaphore, #tpu.memory_space<semaphore_mem>> -> memref<!tpu.dma_semaphore, #tpu.memory_space<semaphore_mem>>
    %dma_start3A_471 = arith.constant 0 : i32
    %dma_start3A_472 = tpu.memref_slice %arg5[%dma_start3A_463, %dma_start3A_471] : memref<2x62208xf32, #tpu.memory_space<vmem>> -> memref<1x768xf32, #tpu.memory_space<vmem>>
    %dma_start3A_473 = tpu.memref_squeeze %dma_start3A_472 : memref<1x768xf32, #tpu.memory_space<vmem>> -> memref<768xf32, #tpu.memory_space<vmem>>
    %dma_start3A_474 = tpu.memref_slice %arg3[%multiple_of3A_462] : memref<98304xf32, #tpu.memory_space<hbm>> -> memref<768xf32, #tpu.memory_space<hbm>>
    tpu.enqueue_dma source(%dma_start3A_474 : memref<768xf32, #tpu.memory_space<hbm>>) target(%dma_start3A_473 : memref<768xf32, #tpu.memory_space<vmem>>) target_semaphore(%dma_start3A_470 : memref<!tpu.dma_semaphore, #tpu.memory_space<semaphore_mem>>)
    %mul3A_475 = arith.constant 197 : i32
    %mul3A_476 = arith.muli %add3A_459, %mul3A_475 : i32
    %mul3A_477 = arith.constant 768 : i32
    %mul3A_478 = arith.muli %mul3A_476, %mul3A_477 : i32
    %multiple_of3A_479 = tpu.assume_multiple %mul3A_478, 768 : i32
    %dma_start3A_480 = arith.constant 0 : i32
    %dma_start3A_481 = arith.constant 0 : i32
    %dma_start3A_482 = arith.constant 768 : i32
    %dma_start3A_483 = tpu.memref_slice %arg5[%dma_start3A_480, %dma_start3A_482] : memref<2x62208xf32, #tpu.memory_space<vmem>> -> memref<1x55296xf32, #tpu.memory_space<vmem>>
    %dma_start3A_484 = tpu.memref_squeeze %dma_start3A_483 : memref<1x55296xf32, #tpu.memory_space<vmem>> -> memref<55296xf32, #tpu.memory_space<vmem>>
    %dma_start3A_485 = tpu.memref_slice %arg2[%multiple_of3A_479] : memref<19365888xf32, #tpu.memory_space<hbm>> -> memref<55296xf32, #tpu.memory_space<hbm>>
    %dma_start3A_486 = tpu.memref_slice %arg6[%dma_start3A_481] : memref<2x!tpu.dma_semaphore, #tpu.memory_space<semaphore_mem>> -> memref<1x!tpu.dma_semaphore, #tpu.memory_space<semaphore_mem>>
    %dma_start3A_487 = tpu.memref_squeeze %dma_start3A_486 : memref<1x!tpu.dma_semaphore, #tpu.memory_space<semaphore_mem>> -> memref<!tpu.dma_semaphore, #tpu.memory_space<semaphore_mem>>
    %dma_start3A_488 = arith.constant 768 : i32
    %dma_start3A_489 = tpu.memref_slice %arg5[%dma_start3A_480, %dma_start3A_488] : memref<2x62208xf32, #tpu.memory_space<vmem>> -> memref<1x55296xf32, #tpu.memory_space<vmem>>
    %dma_start3A_490 = tpu.memref_squeeze %dma_start3A_489 : memref<1x55296xf32, #tpu.memory_space<vmem>> -> memref<55296xf32, #tpu.memory_space<vmem>>
    %dma_start3A_491 = tpu.memref_slice %arg2[%multiple_of3A_479] : memref<19365888xf32, #tpu.memory_space<hbm>> -> memref<55296xf32, #tpu.memory_space<hbm>>
    tpu.enqueue_dma source(%dma_start3A_491 : memref<55296xf32, #tpu.memory_space<hbm>>) target(%dma_start3A_490 : memref<55296xf32, #tpu.memory_space<vmem>>) target_semaphore(%dma_start3A_487 : memref<!tpu.dma_semaphore, #tpu.memory_space<semaphore_mem>>)
    %dma_wait3A_492 = arith.constant 0 : i32
    %dma_wait3A_493 = arith.constant 0 : i32
    %dma_wait3A_494 = arith.constant 0 : i32
    %dma_wait3A_495 = tpu.memref_slice %arg5[%dma_wait3A_492, %dma_wait3A_494] : memref<2x62208xf32, #tpu.memory_space<vmem>> -> memref<1x768xf32, #tpu.memory_space<vmem>>
    %dma_wait3A_496 = tpu.memref_squeeze %dma_wait3A_495 : memref<1x768xf32, #tpu.memory_space<vmem>> -> memref<768xf32, #tpu.memory_space<vmem>>
    %dma_wait3A_497 = tpu.memref_slice %arg3[%multiple_of3A_462] : memref<98304xf32, #tpu.memory_space<hbm>> -> memref<768xf32, #tpu.memory_space<hbm>>
    %dma_wait3A_498 = tpu.memref_slice %arg6[%dma_wait3A_493] : memref<2x!tpu.dma_semaphore, #tpu.memory_space<semaphore_mem>> -> memref<1x!tpu.dma_semaphore, #tpu.memory_space<semaphore_mem>>
    %dma_wait3A_499 = tpu.memref_squeeze %dma_wait3A_498 : memref<1x!tpu.dma_semaphore, #tpu.memory_space<semaphore_mem>> -> memref<!tpu.dma_semaphore, #tpu.memory_space<semaphore_mem>>
    %dma_wait3A_500 = arith.constant 0 : i32
    %dma_wait3A_501 = tpu.memref_slice %arg5[%dma_wait3A_492, %dma_wait3A_500] : memref<2x62208xf32, #tpu.memory_space<vmem>> -> memref<1x768xf32, #tpu.memory_space<vmem>>
    %dma_wait3A_502 = tpu.memref_squeeze %dma_wait3A_501 : memref<1x768xf32, #tpu.memory_space<vmem>> -> memref<768xf32, #tpu.memory_space<vmem>>
    %dma_wait3A_503 = tpu.memref_slice %arg3[%multiple_of3A_462] : memref<98304xf32, #tpu.memory_space<hbm>> -> memref<768xf32, #tpu.memory_space<hbm>>
    tpu.wait_dma2 semaphore(%dma_wait3A_499 : memref<!tpu.dma_semaphore, #tpu.memory_space<semaphore_mem>>) src(%dma_wait3A_503 : memref<768xf32, #tpu.memory_space<hbm>>) dst(%dma_wait3A_502 : memref<768xf32, #tpu.memory_space<vmem>>)
    %dma_wait3A_504 = arith.constant 0 : i32
    %dma_wait3A_505 = arith.constant 0 : i32
    %dma_wait3A_506 = arith.constant 768 : i32
    %dma_wait3A_507 = tpu.memref_slice %arg5[%dma_wait3A_504, %dma_wait3A_506] : memref<2x62208xf32, #tpu.memory_space<vmem>> -> memref<1x55296xf32, #tpu.memory_space<vmem>>
    %dma_wait3A_508 = tpu.memref_squeeze %dma_wait3A_507 : memref<1x55296xf32, #tpu.memory_space<vmem>> -> memref<55296xf32, #tpu.memory_space<vmem>>
    %dma_wait3A_509 = tpu.memref_slice %arg2[%multiple_of3A_479] : memref<19365888xf32, #tpu.memory_space<hbm>> -> memref<55296xf32, #tpu.memory_space<hbm>>
    %dma_wait3A_510 = tpu.memref_slice %arg6[%dma_wait3A_505] : memref<2x!tpu.dma_semaphore, #tpu.memory_space<semaphore_mem>> -> memref<1x!tpu.dma_semaphore, #tpu.memory_space<semaphore_mem>>
    %dma_wait3A_511 = tpu.memref_squeeze %dma_wait3A_510 : memref<1x!tpu.dma_semaphore, #tpu.memory_space<semaphore_mem>> -> memref<!tpu.dma_semaphore, #tpu.memory_space<semaphore_mem>>
    %dma_wait3A_512 = arith.constant 768 : i32
    %dma_wait3A_513 = tpu.memref_slice %arg5[%dma_wait3A_504, %dma_wait3A_512] : memref<2x62208xf32, #tpu.memory_space<vmem>> -> memref<1x55296xf32, #tpu.memory_space<vmem>>
    %dma_wait3A_514 = tpu.memref_squeeze %dma_wait3A_513 : memref<1x55296xf32, #tpu.memory_space<vmem>> -> memref<55296xf32, #tpu.memory_space<vmem>>
    %dma_wait3A_515 = tpu.memref_slice %arg2[%multiple_of3A_479] : memref<19365888xf32, #tpu.memory_space<hbm>> -> memref<55296xf32, #tpu.memory_space<hbm>>
    tpu.wait_dma2 semaphore(%dma_wait3A_511 : memref<!tpu.dma_semaphore, #tpu.memory_space<semaphore_mem>>) src(%dma_wait3A_515 : memref<55296xf32, #tpu.memory_space<hbm>>) dst(%dma_wait3A_514 : memref<55296xf32, #tpu.memory_space<vmem>>)
    %mul3A_516 = arith.constant 4 : i32
    %mul3A_517 = arith.muli %add3A, %mul3A_516 : i32
    %add3A_518 = arith.constant 2 : i32
    %add3A_519 = arith.addi %mul3A_517, %add3A_518 : i32
    %mul3A_520 = arith.constant 238 : i32
    %mul3A_521 = arith.muli %add3A_519, %mul3A_520 : i32
    %mul3A_522 = arith.constant 768 : i32
    %mul3A_523 = arith.muli %mul3A_521, %mul3A_522 : i32
    %add3A_524 = arith.constant 30720 : i32
    %add3A_525 = arith.addi %mul3A_523, %add3A_524 : i32
    %multiple_of3A_526 = tpu.assume_multiple %add3A_525, 768 : i32
    %dma_start3A_527 = arith.constant 0 : i32
    %dma_start3A_528 = arith.constant 0 : i32
    %dma_start3A_529 = arith.constant 0 : i32
    %dma_start3A_530 = tpu.memref_slice %arg5[%dma_start3A_527, %dma_start3A_529] : memref<2x62208xf32, #tpu.memory_space<vmem>> -> memref<1x55296xf32, #tpu.memory_space<vmem>>
    %dma_start3A_531 = tpu.memref_squeeze %dma_start3A_530 : memref<1x55296xf32, #tpu.memory_space<vmem>> -> memref<55296xf32, #tpu.memory_space<vmem>>
    %dma_start3A_532 = tpu.memref_slice %arg4[%multiple_of3A_526] : memref<23396352xf32, #tpu.memory_space<hbm>> -> memref<55296xf32, #tpu.memory_space<hbm>>
    %dma_start3A_533 = tpu.memref_slice %arg7[%dma_start3A_528] : memref<2x!tpu.dma_semaphore, #tpu.memory_space<semaphore_mem>> -> memref<1x!tpu.dma_semaphore, #tpu.memory_space<semaphore_mem>>
    %dma_start3A_534 = tpu.memref_squeeze %dma_start3A_533 : memref<1x!tpu.dma_semaphore, #tpu.memory_space<semaphore_mem>> -> memref<!tpu.dma_semaphore, #tpu.memory_space<semaphore_mem>>
    %dma_start3A_535 = tpu.memref_slice %arg4[%multiple_of3A_526] : memref<23396352xf32, #tpu.memory_space<hbm>> -> memref<55296xf32, #tpu.memory_space<hbm>>
    %dma_start3A_536 = arith.constant 0 : i32
    %dma_start3A_537 = tpu.memref_slice %arg5[%dma_start3A_527, %dma_start3A_536] : memref<2x62208xf32, #tpu.memory_space<vmem>> -> memref<1x55296xf32, #tpu.memory_space<vmem>>
    %dma_start3A_538 = tpu.memref_squeeze %dma_start3A_537 : memref<1x55296xf32, #tpu.memory_space<vmem>> -> memref<55296xf32, #tpu.memory_space<vmem>>
    tpu.enqueue_dma source(%dma_start3A_538 : memref<55296xf32, #tpu.memory_space<vmem>>) target(%dma_start3A_535 : memref<55296xf32, #tpu.memory_space<hbm>>) target_semaphore(%dma_start3A_534 : memref<!tpu.dma_semaphore, #tpu.memory_space<semaphore_mem>>)
    %dma_wait3A_539 = arith.constant 1 : i32
    %dma_wait3A_540 = arith.constant 1 : i32
    %dma_wait3A_541 = arith.constant 5376 : i32
    %dma_wait3A_542 = tpu.memref_slice %arg5[%dma_wait3A_539, %dma_wait3A_541] : memref<2x62208xf32, #tpu.memory_space<vmem>> -> memref<1x41472xf32, #tpu.memory_space<vmem>>
    %dma_wait3A_543 = tpu.memref_squeeze %dma_wait3A_542 : memref<1x41472xf32, #tpu.memory_space<vmem>> -> memref<41472xf32, #tpu.memory_space<vmem>>
    %dma_wait3A_544 = tpu.memref_slice %arg4[%multiple_of3A_431] : memref<23396352xf32, #tpu.memory_space<hbm>> -> memref<41472xf32, #tpu.memory_space<hbm>>
    %dma_wait3A_545 = tpu.memref_slice %arg7[%dma_wait3A_540] : memref<2x!tpu.dma_semaphore, #tpu.memory_space<semaphore_mem>> -> memref<1x!tpu.dma_semaphore, #tpu.memory_space<semaphore_mem>>
    %dma_wait3A_546 = tpu.memref_squeeze %dma_wait3A_545 : memref<1x!tpu.dma_semaphore, #tpu.memory_space<semaphore_mem>> -> memref<!tpu.dma_semaphore, #tpu.memory_space<semaphore_mem>>
    %dma_wait3A_547 = tpu.memref_slice %arg4[%multiple_of3A_431] : memref<23396352xf32, #tpu.memory_space<hbm>> -> memref<41472xf32, #tpu.memory_space<hbm>>
    %dma_wait3A_548 = arith.constant 5376 : i32
    %dma_wait3A_549 = tpu.memref_slice %arg5[%dma_wait3A_539, %dma_wait3A_548] : memref<2x62208xf32, #tpu.memory_space<vmem>> -> memref<1x41472xf32, #tpu.memory_space<vmem>>
    %dma_wait3A_550 = tpu.memref_squeeze %dma_wait3A_549 : memref<1x41472xf32, #tpu.memory_space<vmem>> -> memref<41472xf32, #tpu.memory_space<vmem>>
    tpu.wait_dma2 semaphore(%dma_wait3A_546 : memref<!tpu.dma_semaphore, #tpu.memory_space<semaphore_mem>>) src(%dma_wait3A_550 : memref<41472xf32, #tpu.memory_space<vmem>>) dst(%dma_wait3A_547 : memref<41472xf32, #tpu.memory_space<hbm>>)
    %mul3A_551 = arith.constant 4 : i32
    %mul3A_552 = arith.muli %add3A, %mul3A_551 : i32
    %add3A_553 = arith.constant 2 : i32
    %add3A_554 = arith.addi %mul3A_552, %add3A_553 : i32
    %mul3A_555 = arith.constant 197 : i32
    %mul3A_556 = arith.muli %add3A_554, %mul3A_555 : i32
    %mul3A_557 = arith.constant 768 : i32
    %mul3A_558 = arith.muli %mul3A_556, %mul3A_557 : i32
    %add3A_559 = arith.constant 49152 : i32
    %add3A_560 = arith.addi %mul3A_558, %add3A_559 : i32
    %multiple_of3A_561 = tpu.assume_multiple %add3A_560, 768 : i32
    %dma_start3A_562 = arith.constant 1 : i32
    %dma_start3A_563 = arith.constant 1 : i32
    %dma_start3A_564 = arith.constant 0 : i32
    %dma_start3A_565 = tpu.memref_slice %arg5[%dma_start3A_562, %dma_start3A_564] : memref<2x62208xf32, #tpu.memory_space<vmem>> -> memref<1x61440xf32, #tpu.memory_space<vmem>>
    %dma_start3A_566 = tpu.memref_squeeze %dma_start3A_565 : memref<1x61440xf32, #tpu.memory_space<vmem>> -> memref<61440xf32, #tpu.memory_space<vmem>>
    %dma_start3A_567 = tpu.memref_slice %arg2[%multiple_of3A_561] : memref<19365888xf32, #tpu.memory_space<hbm>> -> memref<61440xf32, #tpu.memory_space<hbm>>
    %dma_start3A_568 = tpu.memref_slice %arg6[%dma_start3A_563] : memref<2x!tpu.dma_semaphore, #tpu.memory_space<semaphore_mem>> -> memref<1x!tpu.dma_semaphore, #tpu.memory_space<semaphore_mem>>
    %dma_start3A_569 = tpu.memref_squeeze %dma_start3A_568 : memref<1x!tpu.dma_semaphore, #tpu.memory_space<semaphore_mem>> -> memref<!tpu.dma_semaphore, #tpu.memory_space<semaphore_mem>>
    %dma_start3A_570 = arith.constant 0 : i32
    %dma_start3A_571 = tpu.memref_slice %arg5[%dma_start3A_562, %dma_start3A_570] : memref<2x62208xf32, #tpu.memory_space<vmem>> -> memref<1x61440xf32, #tpu.memory_space<vmem>>
    %dma_start3A_572 = tpu.memref_squeeze %dma_start3A_571 : memref<1x61440xf32, #tpu.memory_space<vmem>> -> memref<61440xf32, #tpu.memory_space<vmem>>
    %dma_start3A_573 = tpu.memref_slice %arg2[%multiple_of3A_561] : memref<19365888xf32, #tpu.memory_space<hbm>> -> memref<61440xf32, #tpu.memory_space<hbm>>
    tpu.enqueue_dma source(%dma_start3A_573 : memref<61440xf32, #tpu.memory_space<hbm>>) target(%dma_start3A_572 : memref<61440xf32, #tpu.memory_space<vmem>>) target_semaphore(%dma_start3A_569 : memref<!tpu.dma_semaphore, #tpu.memory_space<semaphore_mem>>)
    %dma_wait3A_574 = arith.constant 1 : i32
    %dma_wait3A_575 = arith.constant 1 : i32
    %dma_wait3A_576 = arith.constant 0 : i32
    %dma_wait3A_577 = tpu.memref_slice %arg5[%dma_wait3A_574, %dma_wait3A_576] : memref<2x62208xf32, #tpu.memory_space<vmem>> -> memref<1x61440xf32, #tpu.memory_space<vmem>>
    %dma_wait3A_578 = tpu.memref_squeeze %dma_wait3A_577 : memref<1x61440xf32, #tpu.memory_space<vmem>> -> memref<61440xf32, #tpu.memory_space<vmem>>
    %dma_wait3A_579 = tpu.memref_slice %arg2[%multiple_of3A_561] : memref<19365888xf32, #tpu.memory_space<hbm>> -> memref<61440xf32, #tpu.memory_space<hbm>>
    %dma_wait3A_580 = tpu.memref_slice %arg6[%dma_wait3A_575] : memref<2x!tpu.dma_semaphore, #tpu.memory_space<semaphore_mem>> -> memref<1x!tpu.dma_semaphore, #tpu.memory_space<semaphore_mem>>
    %dma_wait3A_581 = tpu.memref_squeeze %dma_wait3A_580 : memref<1x!tpu.dma_semaphore, #tpu.memory_space<semaphore_mem>> -> memref<!tpu.dma_semaphore, #tpu.memory_space<semaphore_mem>>
    %dma_wait3A_582 = arith.constant 0 : i32
    %dma_wait3A_583 = tpu.memref_slice %arg5[%dma_wait3A_574, %dma_wait3A_582] : memref<2x62208xf32, #tpu.memory_space<vmem>> -> memref<1x61440xf32, #tpu.memory_space<vmem>>
    %dma_wait3A_584 = tpu.memref_squeeze %dma_wait3A_583 : memref<1x61440xf32, #tpu.memory_space<vmem>> -> memref<61440xf32, #tpu.memory_space<vmem>>
    %dma_wait3A_585 = tpu.memref_slice %arg2[%multiple_of3A_561] : memref<19365888xf32, #tpu.memory_space<hbm>> -> memref<61440xf32, #tpu.memory_space<hbm>>
    tpu.wait_dma2 semaphore(%dma_wait3A_581 : memref<!tpu.dma_semaphore, #tpu.memory_space<semaphore_mem>>) src(%dma_wait3A_585 : memref<61440xf32, #tpu.memory_space<hbm>>) dst(%dma_wait3A_584 : memref<61440xf32, #tpu.memory_space<vmem>>)
    %mul3A_586 = arith.constant 4 : i32
    %mul3A_587 = arith.muli %add3A, %mul3A_586 : i32
    %add3A_588 = arith.constant 2 : i32
    %add3A_589 = arith.addi %mul3A_587, %add3A_588 : i32
    %mul3A_590 = arith.constant 238 : i32
    %mul3A_591 = arith.muli %add3A_589, %mul3A_590 : i32
    %mul3A_592 = arith.constant 768 : i32
    %mul3A_593 = arith.muli %mul3A_591, %mul3A_592 : i32
    %add3A_594 = arith.constant 86016 : i32
    %add3A_595 = arith.addi %mul3A_593, %add3A_594 : i32
    %multiple_of3A_596 = tpu.assume_multiple %add3A_595, 768 : i32
    %dma_start3A_597 = arith.constant 1 : i32
    %dma_start3A_598 = arith.constant 1 : i32
    %dma_start3A_599 = arith.constant 5376 : i32
    %dma_start3A_600 = tpu.memref_slice %arg5[%dma_start3A_597, %dma_start3A_599] : memref<2x62208xf32, #tpu.memory_space<vmem>> -> memref<1x55296xf32, #tpu.memory_space<vmem>>
    %dma_start3A_601 = tpu.memref_squeeze %dma_start3A_600 : memref<1x55296xf32, #tpu.memory_space<vmem>> -> memref<55296xf32, #tpu.memory_space<vmem>>
    %dma_start3A_602 = tpu.memref_slice %arg4[%multiple_of3A_596] : memref<23396352xf32, #tpu.memory_space<hbm>> -> memref<55296xf32, #tpu.memory_space<hbm>>
    %dma_start3A_603 = tpu.memref_slice %arg7[%dma_start3A_598] : memref<2x!tpu.dma_semaphore, #tpu.memory_space<semaphore_mem>> -> memref<1x!tpu.dma_semaphore, #tpu.memory_space<semaphore_mem>>
    %dma_start3A_604 = tpu.memref_squeeze %dma_start3A_603 : memref<1x!tpu.dma_semaphore, #tpu.memory_space<semaphore_mem>> -> memref<!tpu.dma_semaphore, #tpu.memory_space<semaphore_mem>>
    %dma_start3A_605 = tpu.memref_slice %arg4[%multiple_of3A_596] : memref<23396352xf32, #tpu.memory_space<hbm>> -> memref<55296xf32, #tpu.memory_space<hbm>>
    %dma_start3A_606 = arith.constant 5376 : i32
    %dma_start3A_607 = tpu.memref_slice %arg5[%dma_start3A_597, %dma_start3A_606] : memref<2x62208xf32, #tpu.memory_space<vmem>> -> memref<1x55296xf32, #tpu.memory_space<vmem>>
    %dma_start3A_608 = tpu.memref_squeeze %dma_start3A_607 : memref<1x55296xf32, #tpu.memory_space<vmem>> -> memref<55296xf32, #tpu.memory_space<vmem>>
    tpu.enqueue_dma source(%dma_start3A_608 : memref<55296xf32, #tpu.memory_space<vmem>>) target(%dma_start3A_605 : memref<55296xf32, #tpu.memory_space<hbm>>) target_semaphore(%dma_start3A_604 : memref<!tpu.dma_semaphore, #tpu.memory_space<semaphore_mem>>)
    %dma_wait3A_609 = arith.constant 0 : i32
    %dma_wait3A_610 = arith.constant 0 : i32
    %dma_wait3A_611 = arith.constant 0 : i32
    %dma_wait3A_612 = tpu.memref_slice %arg5[%dma_wait3A_609, %dma_wait3A_611] : memref<2x62208xf32, #tpu.memory_space<vmem>> -> memref<1x55296xf32, #tpu.memory_space<vmem>>
    %dma_wait3A_613 = tpu.memref_squeeze %dma_wait3A_612 : memref<1x55296xf32, #tpu.memory_space<vmem>> -> memref<55296xf32, #tpu.memory_space<vmem>>
    %dma_wait3A_614 = tpu.memref_slice %arg4[%multiple_of3A_526] : memref<23396352xf32, #tpu.memory_space<hbm>> -> memref<55296xf32, #tpu.memory_space<hbm>>
    %dma_wait3A_615 = tpu.memref_slice %arg7[%dma_wait3A_610] : memref<2x!tpu.dma_semaphore, #tpu.memory_space<semaphore_mem>> -> memref<1x!tpu.dma_semaphore, #tpu.memory_space<semaphore_mem>>
    %dma_wait3A_616 = tpu.memref_squeeze %dma_wait3A_615 : memref<1x!tpu.dma_semaphore, #tpu.memory_space<semaphore_mem>> -> memref<!tpu.dma_semaphore, #tpu.memory_space<semaphore_mem>>
    %dma_wait3A_617 = tpu.memref_slice %arg4[%multiple_of3A_526] : memref<23396352xf32, #tpu.memory_space<hbm>> -> memref<55296xf32, #tpu.memory_space<hbm>>
    %dma_wait3A_618 = arith.constant 0 : i32
    %dma_wait3A_619 = tpu.memref_slice %arg5[%dma_wait3A_609, %dma_wait3A_618] : memref<2x62208xf32, #tpu.memory_space<vmem>> -> memref<1x55296xf32, #tpu.memory_space<vmem>>
    %dma_wait3A_620 = tpu.memref_squeeze %dma_wait3A_619 : memref<1x55296xf32, #tpu.memory_space<vmem>> -> memref<55296xf32, #tpu.memory_space<vmem>>
    tpu.wait_dma2 semaphore(%dma_wait3A_616 : memref<!tpu.dma_semaphore, #tpu.memory_space<semaphore_mem>>) src(%dma_wait3A_620 : memref<55296xf32, #tpu.memory_space<vmem>>) dst(%dma_wait3A_617 : memref<55296xf32, #tpu.memory_space<hbm>>)
    %mul3A_621 = arith.constant 4 : i32
    %mul3A_622 = arith.muli %add3A, %mul3A_621 : i32
    %add3A_623 = arith.constant 2 : i32
    %add3A_624 = arith.addi %mul3A_622, %add3A_623 : i32
    %mul3A_625 = arith.constant 197 : i32
    %mul3A_626 = arith.muli %add3A_624, %mul3A_625 : i32
    %mul3A_627 = arith.constant 768 : i32
    %mul3A_628 = arith.muli %mul3A_626, %mul3A_627 : i32
    %add3A_629 = arith.constant 104448 : i32
    %add3A_630 = arith.addi %mul3A_628, %add3A_629 : i32
    %multiple_of3A_631 = tpu.assume_multiple %add3A_630, 768 : i32
    %dma_start3A_632 = arith.constant 0 : i32
    %dma_start3A_633 = arith.constant 0 : i32
    %dma_start3A_634 = arith.constant 0 : i32
    %dma_start3A_635 = tpu.memref_slice %arg5[%dma_start3A_632, %dma_start3A_634] : memref<2x62208xf32, #tpu.memory_space<vmem>> -> memref<1x46848xf32, #tpu.memory_space<vmem>>
    %dma_start3A_636 = tpu.memref_squeeze %dma_start3A_635 : memref<1x46848xf32, #tpu.memory_space<vmem>> -> memref<46848xf32, #tpu.memory_space<vmem>>
    %dma_start3A_637 = tpu.memref_slice %arg2[%multiple_of3A_631] : memref<19365888xf32, #tpu.memory_space<hbm>> -> memref<46848xf32, #tpu.memory_space<hbm>>
    %dma_start3A_638 = tpu.memref_slice %arg6[%dma_start3A_633] : memref<2x!tpu.dma_semaphore, #tpu.memory_space<semaphore_mem>> -> memref<1x!tpu.dma_semaphore, #tpu.memory_space<semaphore_mem>>
    %dma_start3A_639 = tpu.memref_squeeze %dma_start3A_638 : memref<1x!tpu.dma_semaphore, #tpu.memory_space<semaphore_mem>> -> memref<!tpu.dma_semaphore, #tpu.memory_space<semaphore_mem>>
    %dma_start3A_640 = arith.constant 0 : i32
    %dma_start3A_641 = tpu.memref_slice %arg5[%dma_start3A_632, %dma_start3A_640] : memref<2x62208xf32, #tpu.memory_space<vmem>> -> memref<1x46848xf32, #tpu.memory_space<vmem>>
    %dma_start3A_642 = tpu.memref_squeeze %dma_start3A_641 : memref<1x46848xf32, #tpu.memory_space<vmem>> -> memref<46848xf32, #tpu.memory_space<vmem>>
    %dma_start3A_643 = tpu.memref_slice %arg2[%multiple_of3A_631] : memref<19365888xf32, #tpu.memory_space<hbm>> -> memref<46848xf32, #tpu.memory_space<hbm>>
    tpu.enqueue_dma source(%dma_start3A_643 : memref<46848xf32, #tpu.memory_space<hbm>>) target(%dma_start3A_642 : memref<46848xf32, #tpu.memory_space<vmem>>) target_semaphore(%dma_start3A_639 : memref<!tpu.dma_semaphore, #tpu.memory_space<semaphore_mem>>)
    %dma_wait3A_644 = arith.constant 0 : i32
    %dma_wait3A_645 = arith.constant 0 : i32
    %dma_wait3A_646 = arith.constant 0 : i32
    %dma_wait3A_647 = tpu.memref_slice %arg5[%dma_wait3A_644, %dma_wait3A_646] : memref<2x62208xf32, #tpu.memory_space<vmem>> -> memref<1x46848xf32, #tpu.memory_space<vmem>>
    %dma_wait3A_648 = tpu.memref_squeeze %dma_wait3A_647 : memref<1x46848xf32, #tpu.memory_space<vmem>> -> memref<46848xf32, #tpu.memory_space<vmem>>
    %dma_wait3A_649 = tpu.memref_slice %arg2[%multiple_of3A_631] : memref<19365888xf32, #tpu.memory_space<hbm>> -> memref<46848xf32, #tpu.memory_space<hbm>>
    %dma_wait3A_650 = tpu.memref_slice %arg6[%dma_wait3A_645] : memref<2x!tpu.dma_semaphore, #tpu.memory_space<semaphore_mem>> -> memref<1x!tpu.dma_semaphore, #tpu.memory_space<semaphore_mem>>
    %dma_wait3A_651 = tpu.memref_squeeze %dma_wait3A_650 : memref<1x!tpu.dma_semaphore, #tpu.memory_space<semaphore_mem>> -> memref<!tpu.dma_semaphore, #tpu.memory_space<semaphore_mem>>
    %dma_wait3A_652 = arith.constant 0 : i32
    %dma_wait3A_653 = tpu.memref_slice %arg5[%dma_wait3A_644, %dma_wait3A_652] : memref<2x62208xf32, #tpu.memory_space<vmem>> -> memref<1x46848xf32, #tpu.memory_space<vmem>>
    %dma_wait3A_654 = tpu.memref_squeeze %dma_wait3A_653 : memref<1x46848xf32, #tpu.memory_space<vmem>> -> memref<46848xf32, #tpu.memory_space<vmem>>
    %dma_wait3A_655 = tpu.memref_slice %arg2[%multiple_of3A_631] : memref<19365888xf32, #tpu.memory_space<hbm>> -> memref<46848xf32, #tpu.memory_space<hbm>>
    tpu.wait_dma2 semaphore(%dma_wait3A_651 : memref<!tpu.dma_semaphore, #tpu.memory_space<semaphore_mem>>) src(%dma_wait3A_655 : memref<46848xf32, #tpu.memory_space<hbm>>) dst(%dma_wait3A_654 : memref<46848xf32, #tpu.memory_space<vmem>>)
    %mul3A_656 = arith.constant 4 : i32
    %mul3A_657 = arith.muli %add3A, %mul3A_656 : i32
    %add3A_658 = arith.constant 2 : i32
    %add3A_659 = arith.addi %mul3A_657, %add3A_658 : i32
    %mul3A_660 = arith.constant 238 : i32
    %mul3A_661 = arith.muli %add3A_659, %mul3A_660 : i32
    %mul3A_662 = arith.constant 768 : i32
    %mul3A_663 = arith.muli %mul3A_661, %mul3A_662 : i32
    %add3A_664 = arith.constant 141312 : i32
    %add3A_665 = arith.addi %mul3A_663, %add3A_664 : i32
    %multiple_of3A_666 = tpu.assume_multiple %add3A_665, 768 : i32
    %dma_start3A_667 = arith.constant 0 : i32
    %dma_start3A_668 = arith.constant 0 : i32
    %dma_start3A_669 = arith.constant 5376 : i32
    %dma_start3A_670 = tpu.memref_slice %arg5[%dma_start3A_667, %dma_start3A_669] : memref<2x62208xf32, #tpu.memory_space<vmem>> -> memref<1x41472xf32, #tpu.memory_space<vmem>>
    %dma_start3A_671 = tpu.memref_squeeze %dma_start3A_670 : memref<1x41472xf32, #tpu.memory_space<vmem>> -> memref<41472xf32, #tpu.memory_space<vmem>>
    %dma_start3A_672 = tpu.memref_slice %arg4[%multiple_of3A_666] : memref<23396352xf32, #tpu.memory_space<hbm>> -> memref<41472xf32, #tpu.memory_space<hbm>>
    %dma_start3A_673 = tpu.memref_slice %arg7[%dma_start3A_668] : memref<2x!tpu.dma_semaphore, #tpu.memory_space<semaphore_mem>> -> memref<1x!tpu.dma_semaphore, #tpu.memory_space<semaphore_mem>>
    %dma_start3A_674 = tpu.memref_squeeze %dma_start3A_673 : memref<1x!tpu.dma_semaphore, #tpu.memory_space<semaphore_mem>> -> memref<!tpu.dma_semaphore, #tpu.memory_space<semaphore_mem>>
    %dma_start3A_675 = tpu.memref_slice %arg4[%multiple_of3A_666] : memref<23396352xf32, #tpu.memory_space<hbm>> -> memref<41472xf32, #tpu.memory_space<hbm>>
    %dma_start3A_676 = arith.constant 5376 : i32
    %dma_start3A_677 = tpu.memref_slice %arg5[%dma_start3A_667, %dma_start3A_676] : memref<2x62208xf32, #tpu.memory_space<vmem>> -> memref<1x41472xf32, #tpu.memory_space<vmem>>
    %dma_start3A_678 = tpu.memref_squeeze %dma_start3A_677 : memref<1x41472xf32, #tpu.memory_space<vmem>> -> memref<41472xf32, #tpu.memory_space<vmem>>
    tpu.enqueue_dma source(%dma_start3A_678 : memref<41472xf32, #tpu.memory_space<vmem>>) target(%dma_start3A_675 : memref<41472xf32, #tpu.memory_space<hbm>>) target_semaphore(%dma_start3A_674 : memref<!tpu.dma_semaphore, #tpu.memory_space<semaphore_mem>>)
    %dma_wait3A_679 = arith.constant 1 : i32
    %dma_wait3A_680 = arith.constant 1 : i32
    %dma_wait3A_681 = arith.constant 5376 : i32
    %dma_wait3A_682 = tpu.memref_slice %arg5[%dma_wait3A_679, %dma_wait3A_681] : memref<2x62208xf32, #tpu.memory_space<vmem>> -> memref<1x55296xf32, #tpu.memory_space<vmem>>
    %dma_wait3A_683 = tpu.memref_squeeze %dma_wait3A_682 : memref<1x55296xf32, #tpu.memory_space<vmem>> -> memref<55296xf32, #tpu.memory_space<vmem>>
    %dma_wait3A_684 = tpu.memref_slice %arg4[%multiple_of3A_596] : memref<23396352xf32, #tpu.memory_space<hbm>> -> memref<55296xf32, #tpu.memory_space<hbm>>
    %dma_wait3A_685 = tpu.memref_slice %arg7[%dma_wait3A_680] : memref<2x!tpu.dma_semaphore, #tpu.memory_space<semaphore_mem>> -> memref<1x!tpu.dma_semaphore, #tpu.memory_space<semaphore_mem>>
    %dma_wait3A_686 = tpu.memref_squeeze %dma_wait3A_685 : memref<1x!tpu.dma_semaphore, #tpu.memory_space<semaphore_mem>> -> memref<!tpu.dma_semaphore, #tpu.memory_space<semaphore_mem>>
    %dma_wait3A_687 = tpu.memref_slice %arg4[%multiple_of3A_596] : memref<23396352xf32, #tpu.memory_space<hbm>> -> memref<55296xf32, #tpu.memory_space<hbm>>
    %dma_wait3A_688 = arith.constant 5376 : i32
    %dma_wait3A_689 = tpu.memref_slice %arg5[%dma_wait3A_679, %dma_wait3A_688] : memref<2x62208xf32, #tpu.memory_space<vmem>> -> memref<1x55296xf32, #tpu.memory_space<vmem>>
    %dma_wait3A_690 = tpu.memref_squeeze %dma_wait3A_689 : memref<1x55296xf32, #tpu.memory_space<vmem>> -> memref<55296xf32, #tpu.memory_space<vmem>>
    tpu.wait_dma2 semaphore(%dma_wait3A_686 : memref<!tpu.dma_semaphore, #tpu.memory_space<semaphore_mem>>) src(%dma_wait3A_690 : memref<55296xf32, #tpu.memory_space<vmem>>) dst(%dma_wait3A_687 : memref<55296xf32, #tpu.memory_space<hbm>>)
    %mul3A_691 = arith.constant 4 : i32
    %mul3A_692 = arith.muli %add3A, %mul3A_691 : i32
    %add3A_693 = arith.constant 3 : i32
    %add3A_694 = arith.addi %mul3A_692, %add3A_693 : i32
    %mul3A_695 = arith.constant 768 : i32
    %mul3A_696 = arith.muli %add3A_694, %mul3A_695 : i32
    %multiple_of3A_697 = tpu.assume_multiple %mul3A_696, 768 : i32
    %dma_start3A_698 = arith.constant 1 : i32
    %dma_start3A_699 = arith.constant 1 : i32
    %dma_start3A_700 = arith.constant 0 : i32
    %dma_start3A_701 = tpu.memref_slice %arg5[%dma_start3A_698, %dma_start3A_700] : memref<2x62208xf32, #tpu.memory_space<vmem>> -> memref<1x768xf32, #tpu.memory_space<vmem>>
    %dma_start3A_702 = tpu.memref_squeeze %dma_start3A_701 : memref<1x768xf32, #tpu.memory_space<vmem>> -> memref<768xf32, #tpu.memory_space<vmem>>
    %dma_start3A_703 = tpu.memref_slice %arg3[%multiple_of3A_697] : memref<98304xf32, #tpu.memory_space<hbm>> -> memref<768xf32, #tpu.memory_space<hbm>>
    %dma_start3A_704 = tpu.memref_slice %arg6[%dma_start3A_699] : memref<2x!tpu.dma_semaphore, #tpu.memory_space<semaphore_mem>> -> memref<1x!tpu.dma_semaphore, #tpu.memory_space<semaphore_mem>>
    %dma_start3A_705 = tpu.memref_squeeze %dma_start3A_704 : memref<1x!tpu.dma_semaphore, #tpu.memory_space<semaphore_mem>> -> memref<!tpu.dma_semaphore, #tpu.memory_space<semaphore_mem>>
    %dma_start3A_706 = arith.constant 0 : i32
    %dma_start3A_707 = tpu.memref_slice %arg5[%dma_start3A_698, %dma_start3A_706] : memref<2x62208xf32, #tpu.memory_space<vmem>> -> memref<1x768xf32, #tpu.memory_space<vmem>>
    %dma_start3A_708 = tpu.memref_squeeze %dma_start3A_707 : memref<1x768xf32, #tpu.memory_space<vmem>> -> memref<768xf32, #tpu.memory_space<vmem>>
    %dma_start3A_709 = tpu.memref_slice %arg3[%multiple_of3A_697] : memref<98304xf32, #tpu.memory_space<hbm>> -> memref<768xf32, #tpu.memory_space<hbm>>
    tpu.enqueue_dma source(%dma_start3A_709 : memref<768xf32, #tpu.memory_space<hbm>>) target(%dma_start3A_708 : memref<768xf32, #tpu.memory_space<vmem>>) target_semaphore(%dma_start3A_705 : memref<!tpu.dma_semaphore, #tpu.memory_space<semaphore_mem>>)
    %mul3A_710 = arith.constant 197 : i32
    %mul3A_711 = arith.muli %add3A_694, %mul3A_710 : i32
    %mul3A_712 = arith.constant 768 : i32
    %mul3A_713 = arith.muli %mul3A_711, %mul3A_712 : i32
    %multiple_of3A_714 = tpu.assume_multiple %mul3A_713, 768 : i32
    %dma_start3A_715 = arith.constant 1 : i32
    %dma_start3A_716 = arith.constant 1 : i32
    %dma_start3A_717 = arith.constant 768 : i32
    %dma_start3A_718 = tpu.memref_slice %arg5[%dma_start3A_715, %dma_start3A_717] : memref<2x62208xf32, #tpu.memory_space<vmem>> -> memref<1x55296xf32, #tpu.memory_space<vmem>>
    %dma_start3A_719 = tpu.memref_squeeze %dma_start3A_718 : memref<1x55296xf32, #tpu.memory_space<vmem>> -> memref<55296xf32, #tpu.memory_space<vmem>>
    %dma_start3A_720 = tpu.memref_slice %arg2[%multiple_of3A_714] : memref<19365888xf32, #tpu.memory_space<hbm>> -> memref<55296xf32, #tpu.memory_space<hbm>>
    %dma_start3A_721 = tpu.memref_slice %arg6[%dma_start3A_716] : memref<2x!tpu.dma_semaphore, #tpu.memory_space<semaphore_mem>> -> memref<1x!tpu.dma_semaphore, #tpu.memory_space<semaphore_mem>>
    %dma_start3A_722 = tpu.memref_squeeze %dma_start3A_721 : memref<1x!tpu.dma_semaphore, #tpu.memory_space<semaphore_mem>> -> memref<!tpu.dma_semaphore, #tpu.memory_space<semaphore_mem>>
    %dma_start3A_723 = arith.constant 768 : i32
    %dma_start3A_724 = tpu.memref_slice %arg5[%dma_start3A_715, %dma_start3A_723] : memref<2x62208xf32, #tpu.memory_space<vmem>> -> memref<1x55296xf32, #tpu.memory_space<vmem>>
    %dma_start3A_725 = tpu.memref_squeeze %dma_start3A_724 : memref<1x55296xf32, #tpu.memory_space<vmem>> -> memref<55296xf32, #tpu.memory_space<vmem>>
    %dma_start3A_726 = tpu.memref_slice %arg2[%multiple_of3A_714] : memref<19365888xf32, #tpu.memory_space<hbm>> -> memref<55296xf32, #tpu.memory_space<hbm>>
    tpu.enqueue_dma source(%dma_start3A_726 : memref<55296xf32, #tpu.memory_space<hbm>>) target(%dma_start3A_725 : memref<55296xf32, #tpu.memory_space<vmem>>) target_semaphore(%dma_start3A_722 : memref<!tpu.dma_semaphore, #tpu.memory_space<semaphore_mem>>)
    %dma_wait3A_727 = arith.constant 1 : i32
    %dma_wait3A_728 = arith.constant 1 : i32
    %dma_wait3A_729 = arith.constant 0 : i32
    %dma_wait3A_730 = tpu.memref_slice %arg5[%dma_wait3A_727, %dma_wait3A_729] : memref<2x62208xf32, #tpu.memory_space<vmem>> -> memref<1x768xf32, #tpu.memory_space<vmem>>
    %dma_wait3A_731 = tpu.memref_squeeze %dma_wait3A_730 : memref<1x768xf32, #tpu.memory_space<vmem>> -> memref<768xf32, #tpu.memory_space<vmem>>
    %dma_wait3A_732 = tpu.memref_slice %arg3[%multiple_of3A_697] : memref<98304xf32, #tpu.memory_space<hbm>> -> memref<768xf32, #tpu.memory_space<hbm>>
    %dma_wait3A_733 = tpu.memref_slice %arg6[%dma_wait3A_728] : memref<2x!tpu.dma_semaphore, #tpu.memory_space<semaphore_mem>> -> memref<1x!tpu.dma_semaphore, #tpu.memory_space<semaphore_mem>>
    %dma_wait3A_734 = tpu.memref_squeeze %dma_wait3A_733 : memref<1x!tpu.dma_semaphore, #tpu.memory_space<semaphore_mem>> -> memref<!tpu.dma_semaphore, #tpu.memory_space<semaphore_mem>>
    %dma_wait3A_735 = arith.constant 0 : i32
    %dma_wait3A_736 = tpu.memref_slice %arg5[%dma_wait3A_727, %dma_wait3A_735] : memref<2x62208xf32, #tpu.memory_space<vmem>> -> memref<1x768xf32, #tpu.memory_space<vmem>>
    %dma_wait3A_737 = tpu.memref_squeeze %dma_wait3A_736 : memref<1x768xf32, #tpu.memory_space<vmem>> -> memref<768xf32, #tpu.memory_space<vmem>>
    %dma_wait3A_738 = tpu.memref_slice %arg3[%multiple_of3A_697] : memref<98304xf32, #tpu.memory_space<hbm>> -> memref<768xf32, #tpu.memory_space<hbm>>
    tpu.wait_dma2 semaphore(%dma_wait3A_734 : memref<!tpu.dma_semaphore, #tpu.memory_space<semaphore_mem>>) src(%dma_wait3A_738 : memref<768xf32, #tpu.memory_space<hbm>>) dst(%dma_wait3A_737 : memref<768xf32, #tpu.memory_space<vmem>>)
    %dma_wait3A_739 = arith.constant 1 : i32
    %dma_wait3A_740 = arith.constant 1 : i32
    %dma_wait3A_741 = arith.constant 768 : i32
    %dma_wait3A_742 = tpu.memref_slice %arg5[%dma_wait3A_739, %dma_wait3A_741] : memref<2x62208xf32, #tpu.memory_space<vmem>> -> memref<1x55296xf32, #tpu.memory_space<vmem>>
    %dma_wait3A_743 = tpu.memref_squeeze %dma_wait3A_742 : memref<1x55296xf32, #tpu.memory_space<vmem>> -> memref<55296xf32, #tpu.memory_space<vmem>>
    %dma_wait3A_744 = tpu.memref_slice %arg2[%multiple_of3A_714] : memref<19365888xf32, #tpu.memory_space<hbm>> -> memref<55296xf32, #tpu.memory_space<hbm>>
    %dma_wait3A_745 = tpu.memref_slice %arg6[%dma_wait3A_740] : memref<2x!tpu.dma_semaphore, #tpu.memory_space<semaphore_mem>> -> memref<1x!tpu.dma_semaphore, #tpu.memory_space<semaphore_mem>>
    %dma_wait3A_746 = tpu.memref_squeeze %dma_wait3A_745 : memref<1x!tpu.dma_semaphore, #tpu.memory_space<semaphore_mem>> -> memref<!tpu.dma_semaphore, #tpu.memory_space<semaphore_mem>>
    %dma_wait3A_747 = arith.constant 768 : i32
    %dma_wait3A_748 = tpu.memref_slice %arg5[%dma_wait3A_739, %dma_wait3A_747] : memref<2x62208xf32, #tpu.memory_space<vmem>> -> memref<1x55296xf32, #tpu.memory_space<vmem>>
    %dma_wait3A_749 = tpu.memref_squeeze %dma_wait3A_748 : memref<1x55296xf32, #tpu.memory_space<vmem>> -> memref<55296xf32, #tpu.memory_space<vmem>>
    %dma_wait3A_750 = tpu.memref_slice %arg2[%multiple_of3A_714] : memref<19365888xf32, #tpu.memory_space<hbm>> -> memref<55296xf32, #tpu.memory_space<hbm>>
    tpu.wait_dma2 semaphore(%dma_wait3A_746 : memref<!tpu.dma_semaphore, #tpu.memory_space<semaphore_mem>>) src(%dma_wait3A_750 : memref<55296xf32, #tpu.memory_space<hbm>>) dst(%dma_wait3A_749 : memref<55296xf32, #tpu.memory_space<vmem>>)
    %mul3A_751 = arith.constant 4 : i32
    %mul3A_752 = arith.muli %add3A, %mul3A_751 : i32
    %add3A_753 = arith.constant 3 : i32
    %add3A_754 = arith.addi %mul3A_752, %add3A_753 : i32
    %mul3A_755 = arith.constant 238 : i32
    %mul3A_756 = arith.muli %add3A_754, %mul3A_755 : i32
    %mul3A_757 = arith.constant 768 : i32
    %mul3A_758 = arith.muli %mul3A_756, %mul3A_757 : i32
    %add3A_759 = arith.constant 30720 : i32
    %add3A_760 = arith.addi %mul3A_758, %add3A_759 : i32
    %multiple_of3A_761 = tpu.assume_multiple %add3A_760, 768 : i32
    %dma_start3A_762 = arith.constant 1 : i32
    %dma_start3A_763 = arith.constant 1 : i32
    %dma_start3A_764 = arith.constant 0 : i32
    %dma_start3A_765 = tpu.memref_slice %arg5[%dma_start3A_762, %dma_start3A_764] : memref<2x62208xf32, #tpu.memory_space<vmem>> -> memref<1x55296xf32, #tpu.memory_space<vmem>>
    %dma_start3A_766 = tpu.memref_squeeze %dma_start3A_765 : memref<1x55296xf32, #tpu.memory_space<vmem>> -> memref<55296xf32, #tpu.memory_space<vmem>>
    %dma_start3A_767 = tpu.memref_slice %arg4[%multiple_of3A_761] : memref<23396352xf32, #tpu.memory_space<hbm>> -> memref<55296xf32, #tpu.memory_space<hbm>>
    %dma_start3A_768 = tpu.memref_slice %arg7[%dma_start3A_763] : memref<2x!tpu.dma_semaphore, #tpu.memory_space<semaphore_mem>> -> memref<1x!tpu.dma_semaphore, #tpu.memory_space<semaphore_mem>>
    %dma_start3A_769 = tpu.memref_squeeze %dma_start3A_768 : memref<1x!tpu.dma_semaphore, #tpu.memory_space<semaphore_mem>> -> memref<!tpu.dma_semaphore, #tpu.memory_space<semaphore_mem>>
    %dma_start3A_770 = tpu.memref_slice %arg4[%multiple_of3A_761] : memref<23396352xf32, #tpu.memory_space<hbm>> -> memref<55296xf32, #tpu.memory_space<hbm>>
    %dma_start3A_771 = arith.constant 0 : i32
    %dma_start3A_772 = tpu.memref_slice %arg5[%dma_start3A_762, %dma_start3A_771] : memref<2x62208xf32, #tpu.memory_space<vmem>> -> memref<1x55296xf32, #tpu.memory_space<vmem>>
    %dma_start3A_773 = tpu.memref_squeeze %dma_start3A_772 : memref<1x55296xf32, #tpu.memory_space<vmem>> -> memref<55296xf32, #tpu.memory_space<vmem>>
    tpu.enqueue_dma source(%dma_start3A_773 : memref<55296xf32, #tpu.memory_space<vmem>>) target(%dma_start3A_770 : memref<55296xf32, #tpu.memory_space<hbm>>) target_semaphore(%dma_start3A_769 : memref<!tpu.dma_semaphore, #tpu.memory_space<semaphore_mem>>)
    %dma_wait3A_774 = arith.constant 0 : i32
    %dma_wait3A_775 = arith.constant 0 : i32
    %dma_wait3A_776 = arith.constant 5376 : i32
    %dma_wait3A_777 = tpu.memref_slice %arg5[%dma_wait3A_774, %dma_wait3A_776] : memref<2x62208xf32, #tpu.memory_space<vmem>> -> memref<1x41472xf32, #tpu.memory_space<vmem>>
    %dma_wait3A_778 = tpu.memref_squeeze %dma_wait3A_777 : memref<1x41472xf32, #tpu.memory_space<vmem>> -> memref<41472xf32, #tpu.memory_space<vmem>>
    %dma_wait3A_779 = tpu.memref_slice %arg4[%multiple_of3A_666] : memref<23396352xf32, #tpu.memory_space<hbm>> -> memref<41472xf32, #tpu.memory_space<hbm>>
    %dma_wait3A_780 = tpu.memref_slice %arg7[%dma_wait3A_775] : memref<2x!tpu.dma_semaphore, #tpu.memory_space<semaphore_mem>> -> memref<1x!tpu.dma_semaphore, #tpu.memory_space<semaphore_mem>>
    %dma_wait3A_781 = tpu.memref_squeeze %dma_wait3A_780 : memref<1x!tpu.dma_semaphore, #tpu.memory_space<semaphore_mem>> -> memref<!tpu.dma_semaphore, #tpu.memory_space<semaphore_mem>>
    %dma_wait3A_782 = tpu.memref_slice %arg4[%multiple_of3A_666] : memref<23396352xf32, #tpu.memory_space<hbm>> -> memref<41472xf32, #tpu.memory_space<hbm>>
    %dma_wait3A_783 = arith.constant 5376 : i32
    %dma_wait3A_784 = tpu.memref_slice %arg5[%dma_wait3A_774, %dma_wait3A_783] : memref<2x62208xf32, #tpu.memory_space<vmem>> -> memref<1x41472xf32, #tpu.memory_space<vmem>>
    %dma_wait3A_785 = tpu.memref_squeeze %dma_wait3A_784 : memref<1x41472xf32, #tpu.memory_space<vmem>> -> memref<41472xf32, #tpu.memory_space<vmem>>
    tpu.wait_dma2 semaphore(%dma_wait3A_781 : memref<!tpu.dma_semaphore, #tpu.memory_space<semaphore_mem>>) src(%dma_wait3A_785 : memref<41472xf32, #tpu.memory_space<vmem>>) dst(%dma_wait3A_782 : memref<41472xf32, #tpu.memory_space<hbm>>)
    %mul3A_786 = arith.constant 4 : i32
    %mul3A_787 = arith.muli %add3A, %mul3A_786 : i32
    %add3A_788 = arith.constant 3 : i32
    %add3A_789 = arith.addi %mul3A_787, %add3A_788 : i32
    %mul3A_790 = arith.constant 197 : i32
    %mul3A_791 = arith.muli %add3A_789, %mul3A_790 : i32
    %mul3A_792 = arith.constant 768 : i32
    %mul3A_793 = arith.muli %mul3A_791, %mul3A_792 : i32
    %add3A_794 = arith.constant 49152 : i32
    %add3A_795 = arith.addi %mul3A_793, %add3A_794 : i32
    %multiple_of3A_796 = tpu.assume_multiple %add3A_795, 768 : i32
    %dma_start3A_797 = arith.constant 0 : i32
    %dma_start3A_798 = arith.constant 0 : i32
    %dma_start3A_799 = arith.constant 0 : i32
    %dma_start3A_800 = tpu.memref_slice %arg5[%dma_start3A_797, %dma_start3A_799] : memref<2x62208xf32, #tpu.memory_space<vmem>> -> memref<1x61440xf32, #tpu.memory_space<vmem>>
    %dma_start3A_801 = tpu.memref_squeeze %dma_start3A_800 : memref<1x61440xf32, #tpu.memory_space<vmem>> -> memref<61440xf32, #tpu.memory_space<vmem>>
    %dma_start3A_802 = tpu.memref_slice %arg2[%multiple_of3A_796] : memref<19365888xf32, #tpu.memory_space<hbm>> -> memref<61440xf32, #tpu.memory_space<hbm>>
    %dma_start3A_803 = tpu.memref_slice %arg6[%dma_start3A_798] : memref<2x!tpu.dma_semaphore, #tpu.memory_space<semaphore_mem>> -> memref<1x!tpu.dma_semaphore, #tpu.memory_space<semaphore_mem>>
    %dma_start3A_804 = tpu.memref_squeeze %dma_start3A_803 : memref<1x!tpu.dma_semaphore, #tpu.memory_space<semaphore_mem>> -> memref<!tpu.dma_semaphore, #tpu.memory_space<semaphore_mem>>
    %dma_start3A_805 = arith.constant 0 : i32
    %dma_start3A_806 = tpu.memref_slice %arg5[%dma_start3A_797, %dma_start3A_805] : memref<2x62208xf32, #tpu.memory_space<vmem>> -> memref<1x61440xf32, #tpu.memory_space<vmem>>
    %dma_start3A_807 = tpu.memref_squeeze %dma_start3A_806 : memref<1x61440xf32, #tpu.memory_space<vmem>> -> memref<61440xf32, #tpu.memory_space<vmem>>
    %dma_start3A_808 = tpu.memref_slice %arg2[%multiple_of3A_796] : memref<19365888xf32, #tpu.memory_space<hbm>> -> memref<61440xf32, #tpu.memory_space<hbm>>
    tpu.enqueue_dma source(%dma_start3A_808 : memref<61440xf32, #tpu.memory_space<hbm>>) target(%dma_start3A_807 : memref<61440xf32, #tpu.memory_space<vmem>>) target_semaphore(%dma_start3A_804 : memref<!tpu.dma_semaphore, #tpu.memory_space<semaphore_mem>>)
    %dma_wait3A_809 = arith.constant 0 : i32
    %dma_wait3A_810 = arith.constant 0 : i32
    %dma_wait3A_811 = arith.constant 0 : i32
    %dma_wait3A_812 = tpu.memref_slice %arg5[%dma_wait3A_809, %dma_wait3A_811] : memref<2x62208xf32, #tpu.memory_space<vmem>> -> memref<1x61440xf32, #tpu.memory_space<vmem>>
    %dma_wait3A_813 = tpu.memref_squeeze %dma_wait3A_812 : memref<1x61440xf32, #tpu.memory_space<vmem>> -> memref<61440xf32, #tpu.memory_space<vmem>>
    %dma_wait3A_814 = tpu.memref_slice %arg2[%multiple_of3A_796] : memref<19365888xf32, #tpu.memory_space<hbm>> -> memref<61440xf32, #tpu.memory_space<hbm>>
    %dma_wait3A_815 = tpu.memref_slice %arg6[%dma_wait3A_810] : memref<2x!tpu.dma_semaphore, #tpu.memory_space<semaphore_mem>> -> memref<1x!tpu.dma_semaphore, #tpu.memory_space<semaphore_mem>>
    %dma_wait3A_816 = tpu.memref_squeeze %dma_wait3A_815 : memref<1x!tpu.dma_semaphore, #tpu.memory_space<semaphore_mem>> -> memref<!tpu.dma_semaphore, #tpu.memory_space<semaphore_mem>>
    %dma_wait3A_817 = arith.constant 0 : i32
    %dma_wait3A_818 = tpu.memref_slice %arg5[%dma_wait3A_809, %dma_wait3A_817] : memref<2x62208xf32, #tpu.memory_space<vmem>> -> memref<1x61440xf32, #tpu.memory_space<vmem>>
    %dma_wait3A_819 = tpu.memref_squeeze %dma_wait3A_818 : memref<1x61440xf32, #tpu.memory_space<vmem>> -> memref<61440xf32, #tpu.memory_space<vmem>>
    %dma_wait3A_820 = tpu.memref_slice %arg2[%multiple_of3A_796] : memref<19365888xf32, #tpu.memory_space<hbm>> -> memref<61440xf32, #tpu.memory_space<hbm>>
    tpu.wait_dma2 semaphore(%dma_wait3A_816 : memref<!tpu.dma_semaphore, #tpu.memory_space<semaphore_mem>>) src(%dma_wait3A_820 : memref<61440xf32, #tpu.memory_space<hbm>>) dst(%dma_wait3A_819 : memref<61440xf32, #tpu.memory_space<vmem>>)
    %mul3A_821 = arith.constant 4 : i32
    %mul3A_822 = arith.muli %add3A, %mul3A_821 : i32
    %add3A_823 = arith.constant 3 : i32
    %add3A_824 = arith.addi %mul3A_822, %add3A_823 : i32
    %mul3A_825 = arith.constant 238 : i32
    %mul3A_826 = arith.muli %add3A_824, %mul3A_825 : i32
    %mul3A_827 = arith.constant 768 : i32
    %mul3A_828 = arith.muli %mul3A_826, %mul3A_827 : i32
    %add3A_829 = arith.constant 86016 : i32
    %add3A_830 = arith.addi %mul3A_828, %add3A_829 : i32
    %multiple_of3A_831 = tpu.assume_multiple %add3A_830, 768 : i32
    %dma_start3A_832 = arith.constant 0 : i32
    %dma_start3A_833 = arith.constant 0 : i32
    %dma_start3A_834 = arith.constant 5376 : i32
    %dma_start3A_835 = tpu.memref_slice %arg5[%dma_start3A_832, %dma_start3A_834] : memref<2x62208xf32, #tpu.memory_space<vmem>> -> memref<1x55296xf32, #tpu.memory_space<vmem>>
    %dma_start3A_836 = tpu.memref_squeeze %dma_start3A_835 : memref<1x55296xf32, #tpu.memory_space<vmem>> -> memref<55296xf32, #tpu.memory_space<vmem>>
    %dma_start3A_837 = tpu.memref_slice %arg4[%multiple_of3A_831] : memref<23396352xf32, #tpu.memory_space<hbm>> -> memref<55296xf32, #tpu.memory_space<hbm>>
    %dma_start3A_838 = tpu.memref_slice %arg7[%dma_start3A_833] : memref<2x!tpu.dma_semaphore, #tpu.memory_space<semaphore_mem>> -> memref<1x!tpu.dma_semaphore, #tpu.memory_space<semaphore_mem>>
    %dma_start3A_839 = tpu.memref_squeeze %dma_start3A_838 : memref<1x!tpu.dma_semaphore, #tpu.memory_space<semaphore_mem>> -> memref<!tpu.dma_semaphore, #tpu.memory_space<semaphore_mem>>
    %dma_start3A_840 = tpu.memref_slice %arg4[%multiple_of3A_831] : memref<23396352xf32, #tpu.memory_space<hbm>> -> memref<55296xf32, #tpu.memory_space<hbm>>
    %dma_start3A_841 = arith.constant 5376 : i32
    %dma_start3A_842 = tpu.memref_slice %arg5[%dma_start3A_832, %dma_start3A_841] : memref<2x62208xf32, #tpu.memory_space<vmem>> -> memref<1x55296xf32, #tpu.memory_space<vmem>>
    %dma_start3A_843 = tpu.memref_squeeze %dma_start3A_842 : memref<1x55296xf32, #tpu.memory_space<vmem>> -> memref<55296xf32, #tpu.memory_space<vmem>>
    tpu.enqueue_dma source(%dma_start3A_843 : memref<55296xf32, #tpu.memory_space<vmem>>) target(%dma_start3A_840 : memref<55296xf32, #tpu.memory_space<hbm>>) target_semaphore(%dma_start3A_839 : memref<!tpu.dma_semaphore, #tpu.memory_space<semaphore_mem>>)
    %dma_wait3A_844 = arith.constant 1 : i32
    %dma_wait3A_845 = arith.constant 1 : i32
    %dma_wait3A_846 = arith.constant 0 : i32
    %dma_wait3A_847 = tpu.memref_slice %arg5[%dma_wait3A_844, %dma_wait3A_846] : memref<2x62208xf32, #tpu.memory_space<vmem>> -> memref<1x55296xf32, #tpu.memory_space<vmem>>
    %dma_wait3A_848 = tpu.memref_squeeze %dma_wait3A_847 : memref<1x55296xf32, #tpu.memory_space<vmem>> -> memref<55296xf32, #tpu.memory_space<vmem>>
    %dma_wait3A_849 = tpu.memref_slice %arg4[%multiple_of3A_761] : memref<23396352xf32, #tpu.memory_space<hbm>> -> memref<55296xf32, #tpu.memory_space<hbm>>
    %dma_wait3A_850 = tpu.memref_slice %arg7[%dma_wait3A_845] : memref<2x!tpu.dma_semaphore, #tpu.memory_space<semaphore_mem>> -> memref<1x!tpu.dma_semaphore, #tpu.memory_space<semaphore_mem>>
    %dma_wait3A_851 = tpu.memref_squeeze %dma_wait3A_850 : memref<1x!tpu.dma_semaphore, #tpu.memory_space<semaphore_mem>> -> memref<!tpu.dma_semaphore, #tpu.memory_space<semaphore_mem>>
    %dma_wait3A_852 = tpu.memref_slice %arg4[%multiple_of3A_761] : memref<23396352xf32, #tpu.memory_space<hbm>> -> memref<55296xf32, #tpu.memory_space<hbm>>
    %dma_wait3A_853 = arith.constant 0 : i32
    %dma_wait3A_854 = tpu.memref_slice %arg5[%dma_wait3A_844, %dma_wait3A_853] : memref<2x62208xf32, #tpu.memory_space<vmem>> -> memref<1x55296xf32, #tpu.memory_space<vmem>>
    %dma_wait3A_855 = tpu.memref_squeeze %dma_wait3A_854 : memref<1x55296xf32, #tpu.memory_space<vmem>> -> memref<55296xf32, #tpu.memory_space<vmem>>
    tpu.wait_dma2 semaphore(%dma_wait3A_851 : memref<!tpu.dma_semaphore, #tpu.memory_space<semaphore_mem>>) src(%dma_wait3A_855 : memref<55296xf32, #tpu.memory_space<vmem>>) dst(%dma_wait3A_852 : memref<55296xf32, #tpu.memory_space<hbm>>)
    %mul3A_856 = arith.constant 4 : i32
    %mul3A_857 = arith.muli %add3A, %mul3A_856 : i32
    %add3A_858 = arith.constant 3 : i32
    %add3A_859 = arith.addi %mul3A_857, %add3A_858 : i32
    %mul3A_860 = arith.constant 197 : i32
    %mul3A_861 = arith.muli %add3A_859, %mul3A_860 : i32
    %mul3A_862 = arith.constant 768 : i32
    %mul3A_863 = arith.muli %mul3A_861, %mul3A_862 : i32
    %add3A_864 = arith.constant 104448 : i32
    %add3A_865 = arith.addi %mul3A_863, %add3A_864 : i32
    %multiple_of3A_866 = tpu.assume_multiple %add3A_865, 768 : i32
    %dma_start3A_867 = arith.constant 1 : i32
    %dma_start3A_868 = arith.constant 1 : i32
    %dma_start3A_869 = arith.constant 0 : i32
    %dma_start3A_870 = tpu.memref_slice %arg5[%dma_start3A_867, %dma_start3A_869] : memref<2x62208xf32, #tpu.memory_space<vmem>> -> memref<1x46848xf32, #tpu.memory_space<vmem>>
    %dma_start3A_871 = tpu.memref_squeeze %dma_start3A_870 : memref<1x46848xf32, #tpu.memory_space<vmem>> -> memref<46848xf32, #tpu.memory_space<vmem>>
    %dma_start3A_872 = tpu.memref_slice %arg2[%multiple_of3A_866] : memref<19365888xf32, #tpu.memory_space<hbm>> -> memref<46848xf32, #tpu.memory_space<hbm>>
    %dma_start3A_873 = tpu.memref_slice %arg6[%dma_start3A_868] : memref<2x!tpu.dma_semaphore, #tpu.memory_space<semaphore_mem>> -> memref<1x!tpu.dma_semaphore, #tpu.memory_space<semaphore_mem>>
    %dma_start3A_874 = tpu.memref_squeeze %dma_start3A_873 : memref<1x!tpu.dma_semaphore, #tpu.memory_space<semaphore_mem>> -> memref<!tpu.dma_semaphore, #tpu.memory_space<semaphore_mem>>
    %dma_start3A_875 = arith.constant 0 : i32
    %dma_start3A_876 = tpu.memref_slice %arg5[%dma_start3A_867, %dma_start3A_875] : memref<2x62208xf32, #tpu.memory_space<vmem>> -> memref<1x46848xf32, #tpu.memory_space<vmem>>
    %dma_start3A_877 = tpu.memref_squeeze %dma_start3A_876 : memref<1x46848xf32, #tpu.memory_space<vmem>> -> memref<46848xf32, #tpu.memory_space<vmem>>
    %dma_start3A_878 = tpu.memref_slice %arg2[%multiple_of3A_866] : memref<19365888xf32, #tpu.memory_space<hbm>> -> memref<46848xf32, #tpu.memory_space<hbm>>
    tpu.enqueue_dma source(%dma_start3A_878 : memref<46848xf32, #tpu.memory_space<hbm>>) target(%dma_start3A_877 : memref<46848xf32, #tpu.memory_space<vmem>>) target_semaphore(%dma_start3A_874 : memref<!tpu.dma_semaphore, #tpu.memory_space<semaphore_mem>>)
    %dma_wait3A_879 = arith.constant 1 : i32
    %dma_wait3A_880 = arith.constant 1 : i32
    %dma_wait3A_881 = arith.constant 0 : i32
    %dma_wait3A_882 = tpu.memref_slice %arg5[%dma_wait3A_879, %dma_wait3A_881] : memref<2x62208xf32, #tpu.memory_space<vmem>> -> memref<1x46848xf32, #tpu.memory_space<vmem>>
    %dma_wait3A_883 = tpu.memref_squeeze %dma_wait3A_882 : memref<1x46848xf32, #tpu.memory_space<vmem>> -> memref<46848xf32, #tpu.memory_space<vmem>>
    %dma_wait3A_884 = tpu.memref_slice %arg2[%multiple_of3A_866] : memref<19365888xf32, #tpu.memory_space<hbm>> -> memref<46848xf32, #tpu.memory_space<hbm>>
    %dma_wait3A_885 = tpu.memref_slice %arg6[%dma_wait3A_880] : memref<2x!tpu.dma_semaphore, #tpu.memory_space<semaphore_mem>> -> memref<1x!tpu.dma_semaphore, #tpu.memory_space<semaphore_mem>>
    %dma_wait3A_886 = tpu.memref_squeeze %dma_wait3A_885 : memref<1x!tpu.dma_semaphore, #tpu.memory_space<semaphore_mem>> -> memref<!tpu.dma_semaphore, #tpu.memory_space<semaphore_mem>>
    %dma_wait3A_887 = arith.constant 0 : i32
    %dma_wait3A_888 = tpu.memref_slice %arg5[%dma_wait3A_879, %dma_wait3A_887] : memref<2x62208xf32, #tpu.memory_space<vmem>> -> memref<1x46848xf32, #tpu.memory_space<vmem>>
    %dma_wait3A_889 = tpu.memref_squeeze %dma_wait3A_888 : memref<1x46848xf32, #tpu.memory_space<vmem>> -> memref<46848xf32, #tpu.memory_space<vmem>>
    %dma_wait3A_890 = tpu.memref_slice %arg2[%multiple_of3A_866] : memref<19365888xf32, #tpu.memory_space<hbm>> -> memref<46848xf32, #tpu.memory_space<hbm>>
    tpu.wait_dma2 semaphore(%dma_wait3A_886 : memref<!tpu.dma_semaphore, #tpu.memory_space<semaphore_mem>>) src(%dma_wait3A_890 : memref<46848xf32, #tpu.memory_space<hbm>>) dst(%dma_wait3A_889 : memref<46848xf32, #tpu.memory_space<vmem>>)
    %mul3A_891 = arith.constant 4 : i32
    %mul3A_892 = arith.muli %add3A, %mul3A_891 : i32
    %add3A_893 = arith.constant 3 : i32
    %add3A_894 = arith.addi %mul3A_892, %add3A_893 : i32
    %mul3A_895 = arith.constant 238 : i32
    %mul3A_896 = arith.muli %add3A_894, %mul3A_895 : i32
    %mul3A_897 = arith.constant 768 : i32
    %mul3A_898 = arith.muli %mul3A_896, %mul3A_897 : i32
    %add3A_899 = arith.constant 141312 : i32
    %add3A_900 = arith.addi %mul3A_898, %add3A_899 : i32
    %multiple_of3A_901 = tpu.assume_multiple %add3A_900, 768 : i32
    %dma_start3A_902 = arith.constant 1 : i32
    %dma_start3A_903 = arith.constant 1 : i32
    %dma_start3A_904 = arith.constant 5376 : i32
    %dma_start3A_905 = tpu.memref_slice %arg5[%dma_start3A_902, %dma_start3A_904] : memref<2x62208xf32, #tpu.memory_space<vmem>> -> memref<1x41472xf32, #tpu.memory_space<vmem>>
    %dma_start3A_906 = tpu.memref_squeeze %dma_start3A_905 : memref<1x41472xf32, #tpu.memory_space<vmem>> -> memref<41472xf32, #tpu.memory_space<vmem>>
    %dma_start3A_907 = tpu.memref_slice %arg4[%multiple_of3A_901] : memref<23396352xf32, #tpu.memory_space<hbm>> -> memref<41472xf32, #tpu.memory_space<hbm>>
    %dma_start3A_908 = tpu.memref_slice %arg7[%dma_start3A_903] : memref<2x!tpu.dma_semaphore, #tpu.memory_space<semaphore_mem>> -> memref<1x!tpu.dma_semaphore, #tpu.memory_space<semaphore_mem>>
    %dma_start3A_909 = tpu.memref_squeeze %dma_start3A_908 : memref<1x!tpu.dma_semaphore, #tpu.memory_space<semaphore_mem>> -> memref<!tpu.dma_semaphore, #tpu.memory_space<semaphore_mem>>
    %dma_start3A_910 = tpu.memref_slice %arg4[%multiple_of3A_901] : memref<23396352xf32, #tpu.memory_space<hbm>> -> memref<41472xf32, #tpu.memory_space<hbm>>
    %dma_start3A_911 = arith.constant 5376 : i32
    %dma_start3A_912 = tpu.memref_slice %arg5[%dma_start3A_902, %dma_start3A_911] : memref<2x62208xf32, #tpu.memory_space<vmem>> -> memref<1x41472xf32, #tpu.memory_space<vmem>>
    %dma_start3A_913 = tpu.memref_squeeze %dma_start3A_912 : memref<1x41472xf32, #tpu.memory_space<vmem>> -> memref<41472xf32, #tpu.memory_space<vmem>>
    tpu.enqueue_dma source(%dma_start3A_913 : memref<41472xf32, #tpu.memory_space<vmem>>) target(%dma_start3A_910 : memref<41472xf32, #tpu.memory_space<hbm>>) target_semaphore(%dma_start3A_909 : memref<!tpu.dma_semaphore, #tpu.memory_space<semaphore_mem>>)
    %dma_wait3A_914 = arith.constant 0 : i32
    %dma_wait3A_915 = arith.constant 0 : i32
    %dma_wait3A_916 = arith.constant 5376 : i32
    %dma_wait3A_917 = tpu.memref_slice %arg5[%dma_wait3A_914, %dma_wait3A_916] : memref<2x62208xf32, #tpu.memory_space<vmem>> -> memref<1x55296xf32, #tpu.memory_space<vmem>>
    %dma_wait3A_918 = tpu.memref_squeeze %dma_wait3A_917 : memref<1x55296xf32, #tpu.memory_space<vmem>> -> memref<55296xf32, #tpu.memory_space<vmem>>
    %dma_wait3A_919 = tpu.memref_slice %arg4[%multiple_of3A_831] : memref<23396352xf32, #tpu.memory_space<hbm>> -> memref<55296xf32, #tpu.memory_space<hbm>>
    %dma_wait3A_920 = tpu.memref_slice %arg7[%dma_wait3A_915] : memref<2x!tpu.dma_semaphore, #tpu.memory_space<semaphore_mem>> -> memref<1x!tpu.dma_semaphore, #tpu.memory_space<semaphore_mem>>
    %dma_wait3A_921 = tpu.memref_squeeze %dma_wait3A_920 : memref<1x!tpu.dma_semaphore, #tpu.memory_space<semaphore_mem>> -> memref<!tpu.dma_semaphore, #tpu.memory_space<semaphore_mem>>
    %dma_wait3A_922 = tpu.memref_slice %arg4[%multiple_of3A_831] : memref<23396352xf32, #tpu.memory_space<hbm>> -> memref<55296xf32, #tpu.memory_space<hbm>>
    %dma_wait3A_923 = arith.constant 5376 : i32
    %dma_wait3A_924 = tpu.memref_slice %arg5[%dma_wait3A_914, %dma_wait3A_923] : memref<2x62208xf32, #tpu.memory_space<vmem>> -> memref<1x55296xf32, #tpu.memory_space<vmem>>
    %dma_wait3A_925 = tpu.memref_squeeze %dma_wait3A_924 : memref<1x55296xf32, #tpu.memory_space<vmem>> -> memref<55296xf32, #tpu.memory_space<vmem>>
    tpu.wait_dma2 semaphore(%dma_wait3A_921 : memref<!tpu.dma_semaphore, #tpu.memory_space<semaphore_mem>>) src(%dma_wait3A_925 : memref<55296xf32, #tpu.memory_space<vmem>>) dst(%dma_wait3A_922 : memref<55296xf32, #tpu.memory_space<hbm>>)
    %dma_wait3A_926 = arith.constant 1 : i32
    %dma_wait3A_927 = arith.constant 1 : i32
    %dma_wait3A_928 = arith.constant 5376 : i32
    %dma_wait3A_929 = tpu.memref_slice %arg5[%dma_wait3A_926, %dma_wait3A_928] : memref<2x62208xf32, #tpu.memory_space<vmem>> -> memref<1x41472xf32, #tpu.memory_space<vmem>>
    %dma_wait3A_930 = tpu.memref_squeeze %dma_wait3A_929 : memref<1x41472xf32, #tpu.memory_space<vmem>> -> memref<41472xf32, #tpu.memory_space<vmem>>
    %dma_wait3A_931 = tpu.memref_slice %arg4[%multiple_of3A_901] : memref<23396352xf32, #tpu.memory_space<hbm>> -> memref<41472xf32, #tpu.memory_space<hbm>>
    %dma_wait3A_932 = tpu.memref_slice %arg7[%dma_wait3A_927] : memref<2x!tpu.dma_semaphore, #tpu.memory_space<semaphore_mem>> -> memref<1x!tpu.dma_semaphore, #tpu.memory_space<semaphore_mem>>
    %dma_wait3A_933 = tpu.memref_squeeze %dma_wait3A_932 : memref<1x!tpu.dma_semaphore, #tpu.memory_space<semaphore_mem>> -> memref<!tpu.dma_semaphore, #tpu.memory_space<semaphore_mem>>
    %dma_wait3A_934 = tpu.memref_slice %arg4[%multiple_of3A_901] : memref<23396352xf32, #tpu.memory_space<hbm>> -> memref<41472xf32, #tpu.memory_space<hbm>>
    %dma_wait3A_935 = arith.constant 5376 : i32
    %dma_wait3A_936 = tpu.memref_slice %arg5[%dma_wait3A_926, %dma_wait3A_935] : memref<2x62208xf32, #tpu.memory_space<vmem>> -> memref<1x41472xf32, #tpu.memory_space<vmem>>
    %dma_wait3A_937 = tpu.memref_squeeze %dma_wait3A_936 : memref<1x41472xf32, #tpu.memory_space<vmem>> -> memref<41472xf32, #tpu.memory_space<vmem>>
    tpu.wait_dma2 semaphore(%dma_wait3A_933 : memref<!tpu.dma_semaphore, #tpu.memory_space<semaphore_mem>>) src(%dma_wait3A_937 : memref<41472xf32, #tpu.memory_space<vmem>>) dst(%dma_wait3A_934 : memref<41472xf32, #tpu.memory_space<hbm>>)
    return
  }
}

module attributes {stable_mosaic.version = 14 : i64} {
  func.func @_dense_body(%arg0: i32, %arg1: memref<128x768xf32, #tpu.memory_space<vmem>>, %arg2: memref<64x768xf32, #tpu.memory_space<vmem>>, %arg3: memref<128x768xf32, #tpu.memory_space<vmem>>, %arg4: memref<512x768xf32, #tpu.memory_space<vmem>>, %arg5: memref<512xf32, #tpu.memory_space<vmem>>, %arg6: memref<768x512xf32, #tpu.memory_space<vmem>>, %arg7: memref<768xf32, #tpu.memory_space<vmem>>, %arg8: memref<768x512xf32, #tpu.memory_space<vmem>>, %arg9: memref<768xf32, #tpu.memory_space<vmem>>, %arg10: memref<512x768xf32, #tpu.memory_space<vmem>>, %arg11: memref<512xf32, #tpu.memory_space<vmem>>, %arg12: memref<768x512xf32, #tpu.memory_space<vmem>>, %arg13: memref<768xf32, #tpu.memory_space<vmem>>, %arg14: memref<128x64xf32, #tpu.memory_space<vmem>>, %arg15: memref<128x768xf32, #tpu.memory_space<vmem>>, %arg16: memref<128x768xf32, #tpu.memory_space<vmem>>, %arg17: memref<128x768xf32, #tpu.memory_space<vmem>>, %arg18: memref<128x8xi32, #tpu.memory_space<vmem>>, %arg19: memref<1x1xf32, #tpu.memory_space<vmem>>, %arg20: memref<128x768xf32, #tpu.memory_space<vmem>>, %arg21: memref<128x768xf32, #tpu.memory_space<vmem>>, %arg22: memref<128x768xf32, #tpu.memory_space<vmem>>, %arg23: memref<128x768xf32, #tpu.memory_space<vmem>>) attributes {dimension_semantics = [#tpu.dimension_semantics<arbitrary>], iteration_bounds = array<i64: 16>, scalar_prefetch = 0 : i64, scratch_operands = 4 : i64, tpu.core_type = #tpu.core_type<tc>, window_params = [{pipeline_mode = #tpu.pipeline_mode<synchronous>, transform_indices = @transform_0, window_bounds = array<i64: 128, 768>}, {pipeline_mode = #tpu.pipeline_mode<synchronous>, transform_indices = @transform_1, window_bounds = array<i64: 64, 768>}, {pipeline_mode = #tpu.pipeline_mode<synchronous>, transform_indices = @transform_2, window_bounds = array<i64: 128, 768>}, {transform_indices = @transform_3, window_bounds = array<i64: 512, 768>}, {transform_indices = @transform_4, window_bounds = array<i64: 512>}, {transform_indices = @transform_5, window_bounds = array<i64: 768, 512>}, {pipeline_mode = #tpu.pipeline_mode<synchronous>, transform_indices = @transform_6, window_bounds = array<i64: 768>}, {transform_indices = @transform_7, window_bounds = array<i64: 768, 512>}, {pipeline_mode = #tpu.pipeline_mode<synchronous>, transform_indices = @transform_8, window_bounds = array<i64: 768>}, {transform_indices = @transform_9, window_bounds = array<i64: 512, 768>}, {transform_indices = @transform_10, window_bounds = array<i64: 512>}, {transform_indices = @transform_11, window_bounds = array<i64: 768, 512>}, {pipeline_mode = #tpu.pipeline_mode<synchronous>, transform_indices = @transform_12, window_bounds = array<i64: 768>}, {pipeline_mode = #tpu.pipeline_mode<synchronous>, transform_indices = @transform_13, window_bounds = array<i64: 128, 64>}, {pipeline_mode = #tpu.pipeline_mode<synchronous>, transform_indices = @transform_14, window_bounds = array<i64: 128, 768>}, {pipeline_mode = #tpu.pipeline_mode<synchronous>, transform_indices = @transform_15, window_bounds = array<i64: 128, 768>}, {pipeline_mode = #tpu.pipeline_mode<synchronous>, transform_indices = @transform_16, window_bounds = array<i64: 128, 768>}, {pipeline_mode = #tpu.pipeline_mode<synchronous>, transform_indices = @transform_17, window_bounds = array<i64: 128, 8>}, {pipeline_mode = #tpu.pipeline_mode<synchronous>, transform_indices = @transform_18, window_bounds = array<i64: 1, 1>}]} {
    %eq3A = arith.constant 0 : i32
    %eq3A_0 = arith.cmpi eq, %arg0, %eq3A : i32
    %convert_element_type3A = arith.extui %eq3A_0 : i1 to i32
    %cond3A = arith.constant 0 : i32
    %cond3A_1 = arith.cmpi ne, %convert_element_type3A, %cond3A : i32
    scf.if %cond3A_1 {
      %broadcast_in_dim3A = arith.constant 0.000000e+00 : f32
      %broadcast_in_dim3A_20 = vector.broadcast %broadcast_in_dim3A : f32 to vector<128x768xf32>
      %swap3A = arith.constant 0 : index
      %swap3A_21 = arith.constant 0 : index
      %swap3A_22 = vector.load %arg20[%swap3A, %swap3A_21] : memref<128x768xf32, #tpu.memory_space<vmem>>, vector<128x768xf32>
      tpu.vector_store %arg20[%swap3A, %swap3A_21], %broadcast_in_dim3A_20 {strides = array<i32>} : memref<128x768xf32, #tpu.memory_space<vmem>>, vector<128x768xf32>,
      %broadcast_in_dim3A_23 = arith.constant 0.000000e+00 : f32
      %broadcast_in_dim3A_24 = vector.broadcast %broadcast_in_dim3A_23 : f32 to vector<128x768xf32>
      %swap3A_25 = arith.constant 0 : index
      %swap3A_26 = arith.constant 0 : index
      %swap3A_27 = vector.load %arg21[%swap3A_25, %swap3A_26] : memref<128x768xf32, #tpu.memory_space<vmem>>, vector<128x768xf32>
      tpu.vector_store %arg21[%swap3A_25, %swap3A_26], %broadcast_in_dim3A_24 {strides = array<i32>} : memref<128x768xf32, #tpu.memory_space<vmem>>, vector<128x768xf32>,
      %broadcast_in_dim3A_28 = arith.constant 0.000000e+00 : f32
      %broadcast_in_dim3A_29 = vector.broadcast %broadcast_in_dim3A_28 : f32 to vector<128x768xf32>
      %swap3A_30 = arith.constant 0 : index
      %swap3A_31 = arith.constant 0 : index
      %swap3A_32 = vector.load %arg23[%swap3A_30, %swap3A_31] : memref<128x768xf32, #tpu.memory_space<vmem>>, vector<128x768xf32>
      tpu.vector_store %arg23[%swap3A_30, %swap3A_31], %broadcast_in_dim3A_29 {strides = array<i32>} : memref<128x768xf32, #tpu.memory_space<vmem>>, vector<128x768xf32>,
      %get3A = arith.constant 0 : index
      %get3A_33 = arith.constant 0 : index
      %get3A_34 = vector.load %arg1[%get3A, %get3A_33] : memref<128x768xf32, #tpu.memory_space<vmem>>, vector<128x768xf32>
      %mul3A = arith.mulf %get3A_34, %get3A_34 : vector<128x768xf32>
      %reduce_sum3A = arith.constant dense<0.000000e+00> : vector<128xf32>
      %reduce_sum3A_35 = vector.multi_reduction <add>, %mul3A, %reduce_sum3A [1] : vector<128x768xf32> to vector<128xf32>
      %broadcast_in_dim3A_36 = vector.shape_cast %reduce_sum3A_35 : vector<128xf32> to vector<128x1xf32>
      %max3A = arith.constant 9.99999996E-13 : f32
      %max3A_37 = vector.broadcast %max3A : f32 to vector<128x1xf32>
      %max3A_38 = arith.maximumf %broadcast_in_dim3A_36, %max3A_37 : vector<128x1xf32>
      %rsqrt3A = math.rsqrt %max3A_38 : vector<128x1xf32>
      %mul3A_39 = vector.broadcast %rsqrt3A : vector<128x1xf32> to vector<128x768xf32>
      %mul3A_40 = arith.mulf %get3A_34, %mul3A_39 : vector<128x768xf32>
      %get3A_41 = arith.constant 0 : index
      %get3A_42 = arith.constant 0 : index
      %get3A_43 = vector.load %arg2[%get3A_41, %get3A_42] : memref<64x768xf32, #tpu.memory_space<vmem>>, vector<64x768xf32>
      %mul3A_44 = arith.mulf %get3A_43, %get3A_43 : vector<64x768xf32>
      %reduce_sum3A_45 = arith.constant dense<0.000000e+00> : vector<64xf32>
      %reduce_sum3A_46 = vector.multi_reduction <add>, %mul3A_44, %reduce_sum3A_45 [1] : vector<64x768xf32> to vector<64xf32>
      %broadcast_in_dim3A_47 = vector.shape_cast %reduce_sum3A_46 : vector<64xf32> to vector<64x1xf32>
      %max3A_48 = arith.constant 9.99999996E-13 : f32
      %max3A_49 = vector.broadcast %max3A_48 : f32 to vector<64x1xf32>
      %max3A_50 = arith.maximumf %broadcast_in_dim3A_47, %max3A_49 : vector<64x1xf32>
      %rsqrt3A_51 = math.rsqrt %max3A_50 : vector<64x1xf32>
      %mul3A_52 = vector.broadcast %rsqrt3A_51 : vector<64x1xf32> to vector<64x768xf32>
      %mul3A_53 = arith.mulf %get3A_43, %mul3A_52 : vector<64x768xf32>
      %dot_general3A = arith.constant dense<0.000000e+00> : vector<128x64xf32>
      %dot_general3A_54 = tpu.matmul %mul3A_40, %mul3A_53, %dot_general3A {dimension_numbers = #tpu.dot_dimension_numbers<[1], [1], [0], [0], [0, 0, 1, 0], [], []>, transpose_lhs_hint = false} : vector<128x768xf32>, vector<64x768xf32>, vector<128x64xf32> -> vector<128x64xf32>
      %swap3A_55 = arith.constant 0 : index
      %swap3A_56 = arith.constant 0 : index
      %swap3A_57 = vector.load %arg14[%swap3A_55, %swap3A_56] : memref<128x64xf32, #tpu.memory_space<vmem>>, vector<128x64xf32>
      tpu.vector_store %arg14[%swap3A_55, %swap3A_56], %dot_general3A_54 {strides = array<i32>} : memref<128x64xf32, #tpu.memory_space<vmem>>, vector<128x64xf32>,
      %iota3A = tpu.iota {dimensions = array<i32: 1>} : vector<128x64xi32>
      %reduce_max3A = arith.constant dense<0xFF800000> : vector<128xf32>
      %reduce_max3A_58 = vector.multi_reduction <maximumf>, %dot_general3A_54, %reduce_max3A [1] : vector<128x64xf32> to vector<128xf32>
      %broadcast_in_dim3A_59 = vector.shape_cast %reduce_max3A_58 : vector<128xf32> to vector<128x1xf32>
      %reduce_sum3A_60 = vector.shape_cast %broadcast_in_dim3A_59 : vector<128x1xf32> to vector<1x128x1xf32>
      %reduce_sum3A_61 = arith.constant dense<0.000000e+00> : vector<1xf32>
      %reduce_sum3A_62 = vector.multi_reduction <add>, %reduce_sum3A_60, %reduce_sum3A_61 [1, 2] : vector<1x128x1xf32> to vector<1xf32>
      %reduce_sum3A_63 = vector.shape_cast %reduce_sum3A_62 : vector<1xf32> to vector<1x1x1xf32>
      %reduce_sum3A_64 = vector.extract %reduce_sum3A_63[0, 0, 0] : f32 from vector<1x1x1xf32>
      %add3A = arith.constant 0.000000e+00 : f32
      %add3A_65 = arith.addf %add3A, %reduce_sum3A_64 : f32
      %eq3A_66 = vector.broadcast %broadcast_in_dim3A_59 : vector<128x1xf32> to vector<128x64xf32>
      %eq3A_67 = arith.cmpf oeq, %dot_general3A_54, %eq3A_66 : vector<128x64xf32>
      %jit3A = arith.constant 64 : i32
      %broadcast_in_dim3A_68 = vector.broadcast %jit3A : i32 to vector<128x64xi32>
      %select_n3A = arith.select %eq3A_67, %iota3A, %broadcast_in_dim3A_68 : vector<128x64xi1>, vector<128x64xi32>
      %reduce_min3A = arith.constant dense<2147483647> : vector<128xi32>
      %reduce_min3A_69 = vector.multi_reduction <minsi>, %select_n3A, %reduce_min3A [1] : vector<128x64xi32> to vector<128xi32>
      %reshape3A = vector.shape_cast %reduce_min3A_69 : vector<128xi32> to vector<128x1xi32>
      %broadcast_in_dim3A_70 = vector.shape_cast %reduce_min3A_69 : vector<128xi32> to vector<128x1xi32>
      %eq3A_71 = vector.broadcast %broadcast_in_dim3A_70 : vector<128x1xi32> to vector<128x64xi32>
      %eq3A_72 = arith.cmpi eq, %iota3A, %eq3A_71 : vector<128x64xi32>
      %jit3A_73 = arith.constant 0xFF800000 : f32
      %broadcast_in_dim3A_74 = vector.broadcast %jit3A_73 : f32 to vector<128x64xf32>
      %select_n3A_75 = arith.select %eq3A_72, %broadcast_in_dim3A_74, %dot_general3A_54 : vector<128x64xi1>, vector<128x64xf32>
      %reduce_max3A_76 = arith.constant dense<0xFF800000> : vector<128xf32>
      %reduce_max3A_77 = vector.multi_reduction <maximumf>, %select_n3A_75, %reduce_max3A_76 [1] : vector<128x64xf32> to vector<128xf32>
      %broadcast_in_dim3A_78 = vector.shape_cast %reduce_max3A_77 : vector<128xf32> to vector<128x1xf32>
      %reduce_sum3A_79 = vector.shape_cast %broadcast_in_dim3A_78 : vector<128x1xf32> to vector<1x128x1xf32>
      %reduce_sum3A_80 = arith.constant dense<0.000000e+00> : vector<1xf32>
      %reduce_sum3A_81 = vector.multi_reduction <add>, %reduce_sum3A_79, %reduce_sum3A_80 [1, 2] : vector<1x128x1xf32> to vector<1xf32>
      %reduce_sum3A_82 = vector.shape_cast %reduce_sum3A_81 : vector<1xf32> to vector<1x1x1xf32>
      %reduce_sum3A_83 = vector.extract %reduce_sum3A_82[0, 0, 0] : f32 from vector<1x1x1xf32>
      %add3A_84 = arith.addf %add3A_65, %reduce_sum3A_83 : f32
      %eq3A_85 = vector.broadcast %broadcast_in_dim3A_78 : vector<128x1xf32> to vector<128x64xf32>
      %eq3A_86 = arith.cmpf oeq, %select_n3A_75, %eq3A_85 : vector<128x64xf32>
      %jit3A_87 = arith.constant 64 : i32
      %broadcast_in_dim3A_88 = vector.broadcast %jit3A_87 : i32 to vector<128x64xi32>
      %select_n3A_89 = arith.select %eq3A_86, %iota3A, %broadcast_in_dim3A_88 : vector<128x64xi1>, vector<128x64xi32>
      %reduce_min3A_90 = arith.constant dense<2147483647> : vector<128xi32>
      %reduce_min3A_91 = vector.multi_reduction <minsi>, %select_n3A_89, %reduce_min3A_90 [1] : vector<128x64xi32> to vector<128xi32>
      %reshape3A_92 = vector.shape_cast %reduce_min3A_91 : vector<128xi32> to vector<128x1xi32>
      %broadcast_in_dim3A_93 = vector.shape_cast %reduce_min3A_91 : vector<128xi32> to vector<128x1xi32>
      %eq3A_94 = vector.broadcast %broadcast_in_dim3A_93 : vector<128x1xi32> to vector<128x64xi32>
      %eq3A_95 = arith.cmpi eq, %iota3A, %eq3A_94 : vector<128x64xi32>
      %jit3A_96 = arith.constant 0xFF800000 : f32
      %broadcast_in_dim3A_97 = vector.broadcast %jit3A_96 : f32 to vector<128x64xf32>
      %select_n3A_98 = arith.select %eq3A_95, %broadcast_in_dim3A_97, %select_n3A_75 : vector<128x64xi1>, vector<128x64xf32>
      %reduce_max3A_99 = arith.constant dense<0xFF800000> : vector<128xf32>
      %reduce_max3A_100 = vector.multi_reduction <maximumf>, %select_n3A_98, %reduce_max3A_99 [1] : vector<128x64xf32> to vector<128xf32>
      %broadcast_in_dim3A_101 = vector.shape_cast %reduce_max3A_100 : vector<128xf32> to vector<128x1xf32>
      %reduce_sum3A_102 = vector.shape_cast %broadcast_in_dim3A_101 : vector<128x1xf32> to vector<1x128x1xf32>
      %reduce_sum3A_103 = arith.constant dense<0.000000e+00> : vector<1xf32>
      %reduce_sum3A_104 = vector.multi_reduction <add>, %reduce_sum3A_102, %reduce_sum3A_103 [1, 2] : vector<1x128x1xf32> to vector<1xf32>
      %reduce_sum3A_105 = vector.shape_cast %reduce_sum3A_104 : vector<1xf32> to vector<1x1x1xf32>
      %reduce_sum3A_106 = vector.extract %reduce_sum3A_105[0, 0, 0] : f32 from vector<1x1x1xf32>
      %add3A_107 = arith.addf %add3A_84, %reduce_sum3A_106 : f32
      %eq3A_108 = vector.broadcast %broadcast_in_dim3A_101 : vector<128x1xf32> to vector<128x64xf32>
      %eq3A_109 = arith.cmpf oeq, %select_n3A_98, %eq3A_108 : vector<128x64xf32>
      %jit3A_110 = arith.constant 64 : i32
      %broadcast_in_dim3A_111 = vector.broadcast %jit3A_110 : i32 to vector<128x64xi32>
      %select_n3A_112 = arith.select %eq3A_109, %iota3A, %broadcast_in_dim3A_111 : vector<128x64xi1>, vector<128x64xi32>
      %reduce_min3A_113 = arith.constant dense<2147483647> : vector<128xi32>
      %reduce_min3A_114 = vector.multi_reduction <minsi>, %select_n3A_112, %reduce_min3A_113 [1] : vector<128x64xi32> to vector<128xi32>
      %reshape3A_115 = vector.shape_cast %reduce_min3A_114 : vector<128xi32> to vector<128x1xi32>
      %broadcast_in_dim3A_116 = vector.shape_cast %reduce_min3A_114 : vector<128xi32> to vector<128x1xi32>
      %eq3A_117 = vector.broadcast %broadcast_in_dim3A_116 : vector<128x1xi32> to vector<128x64xi32>
      %eq3A_118 = arith.cmpi eq, %iota3A, %eq3A_117 : vector<128x64xi32>
      %jit3A_119 = arith.constant 0xFF800000 : f32
      %broadcast_in_dim3A_120 = vector.broadcast %jit3A_119 : f32 to vector<128x64xf32>
      %select_n3A_121 = arith.select %eq3A_118, %broadcast_in_dim3A_120, %select_n3A_98 : vector<128x64xi1>, vector<128x64xf32>
      %reduce_max3A_122 = arith.constant dense<0xFF800000> : vector<128xf32>
      %reduce_max3A_123 = vector.multi_reduction <maximumf>, %select_n3A_121, %reduce_max3A_122 [1] : vector<128x64xf32> to vector<128xf32>
      %broadcast_in_dim3A_124 = vector.shape_cast %reduce_max3A_123 : vector<128xf32> to vector<128x1xf32>
      %reduce_sum3A_125 = vector.shape_cast %broadcast_in_dim3A_124 : vector<128x1xf32> to vector<1x128x1xf32>
      %reduce_sum3A_126 = arith.constant dense<0.000000e+00> : vector<1xf32>
      %reduce_sum3A_127 = vector.multi_reduction <add>, %reduce_sum3A_125, %reduce_sum3A_126 [1, 2] : vector<1x128x1xf32> to vector<1xf32>
      %reduce_sum3A_128 = vector.shape_cast %reduce_sum3A_127 : vector<1xf32> to vector<1x1x1xf32>
      %reduce_sum3A_129 = vector.extract %reduce_sum3A_128[0, 0, 0] : f32 from vector<1x1x1xf32>
      %add3A_130 = arith.addf %add3A_107, %reduce_sum3A_129 : f32
      %eq3A_131 = vector.broadcast %broadcast_in_dim3A_124 : vector<128x1xf32> to vector<128x64xf32>
      %eq3A_132 = arith.cmpf oeq, %select_n3A_121, %eq3A_131 : vector<128x64xf32>
      %jit3A_133 = arith.constant 64 : i32
      %broadcast_in_dim3A_134 = vector.broadcast %jit3A_133 : i32 to vector<128x64xi32>
      %select_n3A_135 = arith.select %eq3A_132, %iota3A, %broadcast_in_dim3A_134 : vector<128x64xi1>, vector<128x64xi32>
      %reduce_min3A_136 = arith.constant dense<2147483647> : vector<128xi32>
      %reduce_min3A_137 = vector.multi_reduction <minsi>, %select_n3A_135, %reduce_min3A_136 [1] : vector<128x64xi32> to vector<128xi32>
      %reshape3A_138 = vector.shape_cast %reduce_min3A_137 : vector<128xi32> to vector<128x1xi32>
      %broadcast_in_dim3A_139 = vector.shape_cast %reduce_min3A_137 : vector<128xi32> to vector<128x1xi32>
      %eq3A_140 = vector.broadcast %broadcast_in_dim3A_139 : vector<128x1xi32> to vector<128x64xi32>
      %eq3A_141 = arith.cmpi eq, %iota3A, %eq3A_140 : vector<128x64xi32>
      %jit3A_142 = arith.constant 0xFF800000 : f32
      %broadcast_in_dim3A_143 = vector.broadcast %jit3A_142 : f32 to vector<128x64xf32>
      %select_n3A_144 = arith.select %eq3A_141, %broadcast_in_dim3A_143, %select_n3A_121 : vector<128x64xi1>, vector<128x64xf32>
      %reduce_max3A_145 = arith.constant dense<0xFF800000> : vector<128xf32>
      %reduce_max3A_146 = vector.multi_reduction <maximumf>, %select_n3A_144, %reduce_max3A_145 [1] : vector<128x64xf32> to vector<128xf32>
      %broadcast_in_dim3A_147 = vector.shape_cast %reduce_max3A_146 : vector<128xf32> to vector<128x1xf32>
      %reduce_sum3A_148 = vector.shape_cast %broadcast_in_dim3A_147 : vector<128x1xf32> to vector<1x128x1xf32>
      %reduce_sum3A_149 = arith.constant dense<0.000000e+00> : vector<1xf32>
      %reduce_sum3A_150 = vector.multi_reduction <add>, %reduce_sum3A_148, %reduce_sum3A_149 [1, 2] : vector<1x128x1xf32> to vector<1xf32>
      %reduce_sum3A_151 = vector.shape_cast %reduce_sum3A_150 : vector<1xf32> to vector<1x1x1xf32>
      %reduce_sum3A_152 = vector.extract %reduce_sum3A_151[0, 0, 0] : f32 from vector<1x1x1xf32>
      %add3A_153 = arith.addf %add3A_130, %reduce_sum3A_152 : f32
      %eq3A_154 = vector.broadcast %broadcast_in_dim3A_147 : vector<128x1xf32> to vector<128x64xf32>
      %eq3A_155 = arith.cmpf oeq, %select_n3A_144, %eq3A_154 : vector<128x64xf32>
      %jit3A_156 = arith.constant 64 : i32
      %broadcast_in_dim3A_157 = vector.broadcast %jit3A_156 : i32 to vector<128x64xi32>
      %select_n3A_158 = arith.select %eq3A_155, %iota3A, %broadcast_in_dim3A_157 : vector<128x64xi1>, vector<128x64xi32>
      %reduce_min3A_159 = arith.constant dense<2147483647> : vector<128xi32>
      %reduce_min3A_160 = vector.multi_reduction <minsi>, %select_n3A_158, %reduce_min3A_159 [1] : vector<128x64xi32> to vector<128xi32>
      %reshape3A_161 = vector.shape_cast %reduce_min3A_160 : vector<128xi32> to vector<128x1xi32>
      %broadcast_in_dim3A_162 = vector.shape_cast %reduce_min3A_160 : vector<128xi32> to vector<128x1xi32>
      %eq3A_163 = vector.broadcast %broadcast_in_dim3A_162 : vector<128x1xi32> to vector<128x64xi32>
      %eq3A_164 = arith.cmpi eq, %iota3A, %eq3A_163 : vector<128x64xi32>
      %jit3A_165 = arith.constant 0xFF800000 : f32
      %broadcast_in_dim3A_166 = vector.broadcast %jit3A_165 : f32 to vector<128x64xf32>
      %select_n3A_167 = arith.select %eq3A_164, %broadcast_in_dim3A_166, %select_n3A_144 : vector<128x64xi1>, vector<128x64xf32>
      %reduce_max3A_168 = arith.constant dense<0xFF800000> : vector<128xf32>
      %reduce_max3A_169 = vector.multi_reduction <maximumf>, %select_n3A_167, %reduce_max3A_168 [1] : vector<128x64xf32> to vector<128xf32>
      %broadcast_in_dim3A_170 = vector.shape_cast %reduce_max3A_169 : vector<128xf32> to vector<128x1xf32>
      %reduce_sum3A_171 = vector.shape_cast %broadcast_in_dim3A_170 : vector<128x1xf32> to vector<1x128x1xf32>
      %reduce_sum3A_172 = arith.constant dense<0.000000e+00> : vector<1xf32>
      %reduce_sum3A_173 = vector.multi_reduction <add>, %reduce_sum3A_171, %reduce_sum3A_172 [1, 2] : vector<1x128x1xf32> to vector<1xf32>
      %reduce_sum3A_174 = vector.shape_cast %reduce_sum3A_173 : vector<1xf32> to vector<1x1x1xf32>
      %reduce_sum3A_175 = vector.extract %reduce_sum3A_174[0, 0, 0] : f32 from vector<1x1x1xf32>
      %add3A_176 = arith.addf %add3A_153, %reduce_sum3A_175 : f32
      %eq3A_177 = vector.broadcast %broadcast_in_dim3A_170 : vector<128x1xf32> to vector<128x64xf32>
      %eq3A_178 = arith.cmpf oeq, %select_n3A_167, %eq3A_177 : vector<128x64xf32>
      %jit3A_179 = arith.constant 64 : i32
      %broadcast_in_dim3A_180 = vector.broadcast %jit3A_179 : i32 to vector<128x64xi32>
      %select_n3A_181 = arith.select %eq3A_178, %iota3A, %broadcast_in_dim3A_180 : vector<128x64xi1>, vector<128x64xi32>
      %reduce_min3A_182 = arith.constant dense<2147483647> : vector<128xi32>
      %reduce_min3A_183 = vector.multi_reduction <minsi>, %select_n3A_181, %reduce_min3A_182 [1] : vector<128x64xi32> to vector<128xi32>
      %reshape3A_184 = vector.shape_cast %reduce_min3A_183 : vector<128xi32> to vector<128x1xi32>
      %broadcast_in_dim3A_185 = vector.shape_cast %reduce_min3A_183 : vector<128xi32> to vector<128x1xi32>
      %eq3A_186 = vector.broadcast %broadcast_in_dim3A_185 : vector<128x1xi32> to vector<128x64xi32>
      %eq3A_187 = arith.cmpi eq, %iota3A, %eq3A_186 : vector<128x64xi32>
      %jit3A_188 = arith.constant 0xFF800000 : f32
      %broadcast_in_dim3A_189 = vector.broadcast %jit3A_188 : f32 to vector<128x64xf32>
      %select_n3A_190 = arith.select %eq3A_187, %broadcast_in_dim3A_189, %select_n3A_167 : vector<128x64xi1>, vector<128x64xf32>
      %reduce_max3A_191 = arith.constant dense<0xFF800000> : vector<128xf32>
      %reduce_max3A_192 = vector.multi_reduction <maximumf>, %select_n3A_190, %reduce_max3A_191 [1] : vector<128x64xf32> to vector<128xf32>
      %broadcast_in_dim3A_193 = vector.shape_cast %reduce_max3A_192 : vector<128xf32> to vector<128x1xf32>
      %reduce_sum3A_194 = vector.shape_cast %broadcast_in_dim3A_193 : vector<128x1xf32> to vector<1x128x1xf32>
      %reduce_sum3A_195 = arith.constant dense<0.000000e+00> : vector<1xf32>
      %reduce_sum3A_196 = vector.multi_reduction <add>, %reduce_sum3A_194, %reduce_sum3A_195 [1, 2] : vector<1x128x1xf32> to vector<1xf32>
      %reduce_sum3A_197 = vector.shape_cast %reduce_sum3A_196 : vector<1xf32> to vector<1x1x1xf32>
      %reduce_sum3A_198 = vector.extract %reduce_sum3A_197[0, 0, 0] : f32 from vector<1x1x1xf32>
      %add3A_199 = arith.addf %add3A_176, %reduce_sum3A_198 : f32
      %eq3A_200 = vector.broadcast %broadcast_in_dim3A_193 : vector<128x1xf32> to vector<128x64xf32>
      %eq3A_201 = arith.cmpf oeq, %select_n3A_190, %eq3A_200 : vector<128x64xf32>
      %jit3A_202 = arith.constant 64 : i32
      %broadcast_in_dim3A_203 = vector.broadcast %jit3A_202 : i32 to vector<128x64xi32>
      %select_n3A_204 = arith.select %eq3A_201, %iota3A, %broadcast_in_dim3A_203 : vector<128x64xi1>, vector<128x64xi32>
      %reduce_min3A_205 = arith.constant dense<2147483647> : vector<128xi32>
      %reduce_min3A_206 = vector.multi_reduction <minsi>, %select_n3A_204, %reduce_min3A_205 [1] : vector<128x64xi32> to vector<128xi32>
      %reshape3A_207 = vector.shape_cast %reduce_min3A_206 : vector<128xi32> to vector<128x1xi32>
      %broadcast_in_dim3A_208 = vector.shape_cast %reduce_min3A_206 : vector<128xi32> to vector<128x1xi32>
      %eq3A_209 = vector.broadcast %broadcast_in_dim3A_208 : vector<128x1xi32> to vector<128x64xi32>
      %eq3A_210 = arith.cmpi eq, %iota3A, %eq3A_209 : vector<128x64xi32>
      %jit3A_211 = arith.constant 0xFF800000 : f32
      %broadcast_in_dim3A_212 = vector.broadcast %jit3A_211 : f32 to vector<128x64xf32>
      %select_n3A_213 = arith.select %eq3A_210, %broadcast_in_dim3A_212, %select_n3A_190 : vector<128x64xi1>, vector<128x64xf32>
      %reduce_max3A_214 = arith.constant dense<0xFF800000> : vector<128xf32>
      %reduce_max3A_215 = vector.multi_reduction <maximumf>, %select_n3A_213, %reduce_max3A_214 [1] : vector<128x64xf32> to vector<128xf32>
      %broadcast_in_dim3A_216 = vector.shape_cast %reduce_max3A_215 : vector<128xf32> to vector<128x1xf32>
      %reduce_sum3A_217 = vector.shape_cast %broadcast_in_dim3A_216 : vector<128x1xf32> to vector<1x128x1xf32>
      %reduce_sum3A_218 = arith.constant dense<0.000000e+00> : vector<1xf32>
      %reduce_sum3A_219 = vector.multi_reduction <add>, %reduce_sum3A_217, %reduce_sum3A_218 [1, 2] : vector<1x128x1xf32> to vector<1xf32>
      %reduce_sum3A_220 = vector.shape_cast %reduce_sum3A_219 : vector<1xf32> to vector<1x1x1xf32>
      %reduce_sum3A_221 = vector.extract %reduce_sum3A_220[0, 0, 0] : f32 from vector<1x1x1xf32>
      %add3A_222 = arith.addf %add3A_199, %reduce_sum3A_221 : f32
      %eq3A_223 = vector.broadcast %broadcast_in_dim3A_216 : vector<128x1xf32> to vector<128x64xf32>
      %eq3A_224 = arith.cmpf oeq, %select_n3A_213, %eq3A_223 : vector<128x64xf32>
      %jit3A_225 = arith.constant 64 : i32
      %broadcast_in_dim3A_226 = vector.broadcast %jit3A_225 : i32 to vector<128x64xi32>
      %select_n3A_227 = arith.select %eq3A_224, %iota3A, %broadcast_in_dim3A_226 : vector<128x64xi1>, vector<128x64xi32>
      %reduce_min3A_228 = arith.constant dense<2147483647> : vector<128xi32>
      %reduce_min3A_229 = vector.multi_reduction <minsi>, %select_n3A_227, %reduce_min3A_228 [1] : vector<128x64xi32> to vector<128xi32>
      %reshape3A_230 = vector.shape_cast %reduce_min3A_229 : vector<128xi32> to vector<128x1xi32>
      %concatenate3A = tpu.concatenate %reshape3A, %reshape3A_92, %reshape3A_115, %reshape3A_138, %reshape3A_161, %reshape3A_184, %reshape3A_207, %reshape3A_230 in 1 : vector<128x1xi32>, vector<128x1xi32>, vector<128x1xi32>, vector<128x1xi32>, vector<128x1xi32>, vector<128x1xi32>, vector<128x1xi32>, vector<128x1xi32> -> vector<128x8xi32>
      %swap3A_231 = arith.constant 0 : index
      %swap3A_232 = arith.constant 0 : index
      %swap3A_233 = vector.load %arg18[%swap3A_231, %swap3A_232] : memref<128x8xi32, #tpu.memory_space<vmem>>, vector<128x8xi32>
      tpu.vector_store %arg18[%swap3A_231, %swap3A_232], %concatenate3A {strides = array<i32>} : memref<128x8xi32, #tpu.memory_space<vmem>>, vector<128x8xi32>,
      %div3A = arith.constant 1.280000e+02 : f32
      %div3A_234 = arith.divf %add3A_222, %div3A : f32
      %reshape3A_235 = vector.broadcast %div3A_234 : f32 to vector<1x1xf32>
      %swap3A_236 = arith.constant 0 : index
      %swap3A_237 = arith.constant 0 : index
      %swap3A_238 = vector.load %arg19[%swap3A_236, %swap3A_237] : memref<1x1xf32, #tpu.memory_space<vmem>>, vector<1x1xf32>
      tpu.vector_store %arg19[%swap3A_236, %swap3A_237], %reshape3A_235 {strides = array<i32>} : memref<1x1xf32, #tpu.memory_space<vmem>>, vector<1x1xf32>,
    } else {
    }
    %lt3A = arith.constant 8 : i32
    %lt3A_2 = arith.cmpi slt, %arg0, %lt3A : i32
    %convert_element_type3A_3 = arith.extui %lt3A_2 : i1 to i32
    %cond3A_4 = arith.constant 0 : i32
    %cond3A_5 = arith.cmpi ne, %convert_element_type3A_3, %cond3A_4 : i32
    scf.if %cond3A_5 {
      %get3A = arith.constant 0 : index
      %get3A_20 = arith.constant 0 : index
      %get3A_21 = vector.load %arg1[%get3A, %get3A_20] : memref<128x768xf32, #tpu.memory_space<vmem>>, vector<128x768xf32>
      %get3A_22 = arith.constant 0 : index
      %get3A_23 = arith.constant 0 : index
      %get3A_24 = vector.load %arg4[%get3A_22, %get3A_23] : memref<512x768xf32, #tpu.memory_space<vmem>>, vector<512x768xf32>
      %dot_general3A = arith.constant dense<0.000000e+00> : vector<128x512xf32>
      %dot_general3A_25 = tpu.matmul %get3A_21, %get3A_24, %dot_general3A {dimension_numbers = #tpu.dot_dimension_numbers<[1], [1], [0], [0], [0, 0, 1, 0], [], []>, transpose_lhs_hint = false} : vector<128x768xf32>, vector<512x768xf32>, vector<128x512xf32> -> vector<128x512xf32>
      %get3A_26 = arith.constant 0 : index
      %get3A_27 = vector.load %arg5[%get3A_26] : memref<512xf32, #tpu.memory_space<vmem>>, vector<512xf32>
      %broadcast_in_dim3A = vector.shape_cast %get3A_27 : vector<512xf32> to vector<1x512xf32>
      %add3A = vector.broadcast %broadcast_in_dim3A : vector<1x512xf32> to vector<128x512xf32>
      %add3A_28 = arith.addf %dot_general3A_25, %add3A : vector<128x512xf32>
      %max3A = arith.constant 0.000000e+00 : f32
      %max3A_29 = vector.broadcast %max3A : f32 to vector<128x512xf32>
      %max3A_30 = arith.maximumf %add3A_28, %max3A_29 : vector<128x512xf32>
      %get3A_31 = arith.constant 0 : index
      %get3A_32 = arith.constant 0 : index
      %get3A_33 = vector.load %arg20[%get3A_31, %get3A_32] : memref<128x768xf32, #tpu.memory_space<vmem>>, vector<128x768xf32>
      %get3A_34 = arith.constant 0 : index
      %get3A_35 = arith.constant 0 : index
      %get3A_36 = vector.load %arg6[%get3A_34, %get3A_35] : memref<768x512xf32, #tpu.memory_space<vmem>>, vector<768x512xf32>
      %dot_general3A_37 = arith.constant dense<0.000000e+00> : vector<128x768xf32>
      %dot_general3A_38 = tpu.matmul %max3A_30, %get3A_36, %dot_general3A_37 {dimension_numbers = #tpu.dot_dimension_numbers<[1], [1], [0], [0], [0, 0, 1, 0], [], []>, transpose_lhs_hint = false} : vector<128x512xf32>, vector<768x512xf32>, vector<128x768xf32> -> vector<128x768xf32>
      %add3A_39 = arith.addf %get3A_33, %dot_general3A_38 : vector<128x768xf32>
      %swap3A = arith.constant 0 : index
      %swap3A_40 = arith.constant 0 : index
      %swap3A_41 = vector.load %arg20[%swap3A, %swap3A_40] : memref<128x768xf32, #tpu.memory_space<vmem>>, vector<128x768xf32>
      tpu.vector_store %arg20[%swap3A, %swap3A_40], %add3A_39 {strides = array<i32>} : memref<128x768xf32, #tpu.memory_space<vmem>>, vector<128x768xf32>,
      %get3A_42 = arith.constant 0 : index
      %get3A_43 = arith.constant 0 : index
      %get3A_44 = vector.load %arg21[%get3A_42, %get3A_43] : memref<128x768xf32, #tpu.memory_space<vmem>>, vector<128x768xf32>
      %get3A_45 = arith.constant 0 : index
      %get3A_46 = arith.constant 0 : index
      %get3A_47 = vector.load %arg8[%get3A_45, %get3A_46] : memref<768x512xf32, #tpu.memory_space<vmem>>, vector<768x512xf32>
      %dot_general3A_48 = arith.constant dense<0.000000e+00> : vector<128x768xf32>
      %dot_general3A_49 = tpu.matmul %max3A_30, %get3A_47, %dot_general3A_48 {dimension_numbers = #tpu.dot_dimension_numbers<[1], [1], [0], [0], [0, 0, 1, 0], [], []>, transpose_lhs_hint = false} : vector<128x512xf32>, vector<768x512xf32>, vector<128x768xf32> -> vector<128x768xf32>
      %add3A_50 = arith.addf %get3A_44, %dot_general3A_49 : vector<128x768xf32>
      %swap3A_51 = arith.constant 0 : index
      %swap3A_52 = arith.constant 0 : index
      %swap3A_53 = vector.load %arg21[%swap3A_51, %swap3A_52] : memref<128x768xf32, #tpu.memory_space<vmem>>, vector<128x768xf32>
      tpu.vector_store %arg21[%swap3A_51, %swap3A_52], %add3A_50 {strides = array<i32>} : memref<128x768xf32, #tpu.memory_space<vmem>>, vector<128x768xf32>,
    } else {
    }
    %eq3A_6 = arith.constant 7 : i32
    %eq3A_7 = arith.cmpi eq, %arg0, %eq3A_6 : i32
    %convert_element_type3A_8 = arith.extui %eq3A_7 : i1 to i32
    %cond3A_9 = arith.constant 0 : i32
    %cond3A_10 = arith.cmpi ne, %convert_element_type3A_8, %cond3A_9 : i32
    scf.if %cond3A_10 {
      %get3A = arith.constant 0 : index
      %get3A_20 = arith.constant 0 : index
      %get3A_21 = vector.load %arg20[%get3A, %get3A_20] : memref<128x768xf32, #tpu.memory_space<vmem>>, vector<128x768xf32>
      %get3A_22 = arith.constant 0 : index
      %get3A_23 = vector.load %arg7[%get3A_22] : memref<768xf32, #tpu.memory_space<vmem>>, vector<768xf32>
      %broadcast_in_dim3A = vector.shape_cast %get3A_23 : vector<768xf32> to vector<1x768xf32>
      %add3A = vector.broadcast %broadcast_in_dim3A : vector<1x768xf32> to vector<128x768xf32>
      %add3A_24 = arith.addf %get3A_21, %add3A : vector<128x768xf32>
      %get3A_25 = arith.constant 0 : index
      %get3A_26 = arith.constant 0 : index
      %get3A_27 = vector.load %arg21[%get3A_25, %get3A_26] : memref<128x768xf32, #tpu.memory_space<vmem>>, vector<128x768xf32>
      %get3A_28 = arith.constant 0 : index
      %get3A_29 = vector.load %arg9[%get3A_28] : memref<768xf32, #tpu.memory_space<vmem>>, vector<768xf32>
      %broadcast_in_dim3A_30 = vector.shape_cast %get3A_29 : vector<768xf32> to vector<1x768xf32>
      %add3A_31 = vector.broadcast %broadcast_in_dim3A_30 : vector<1x768xf32> to vector<128x768xf32>
      %add3A_32 = arith.addf %get3A_27, %add3A_31 : vector<128x768xf32>
      %swap3A = arith.constant 0 : index
      %swap3A_33 = arith.constant 0 : index
      %swap3A_34 = vector.load %arg15[%swap3A, %swap3A_33] : memref<128x768xf32, #tpu.memory_space<vmem>>, vector<128x768xf32>
      tpu.vector_store %arg15[%swap3A, %swap3A_33], %add3A_24 {strides = array<i32>} : memref<128x768xf32, #tpu.memory_space<vmem>>, vector<128x768xf32>,
      %swap3A_35 = arith.constant 0 : index
      %swap3A_36 = arith.constant 0 : index
      %swap3A_37 = vector.load %arg16[%swap3A_35, %swap3A_36] : memref<128x768xf32, #tpu.memory_space<vmem>>, vector<128x768xf32>
      tpu.vector_store %arg16[%swap3A_35, %swap3A_36], %add3A_32 {strides = array<i32>} : memref<128x768xf32, #tpu.memory_space<vmem>>, vector<128x768xf32>,
      %mul3A = arith.constant 5.000000e-01 : f32
      %mul3A_38 = vector.broadcast %mul3A : f32 to vector<128x768xf32>
      %mul3A_39 = arith.mulf %mul3A_38, %add3A_32 : vector<128x768xf32>
      %exp3A = math.exp %mul3A_39 : vector<128x768xf32>
      %get3A_40 = arith.constant 0 : index
      %get3A_41 = arith.constant 0 : index
      %get3A_42 = vector.load %arg3[%get3A_40, %get3A_41] : memref<128x768xf32, #tpu.memory_space<vmem>>, vector<128x768xf32>
      %mul3A_43 = arith.mulf %exp3A, %get3A_42 : vector<128x768xf32>
      %add3A_44 = arith.addf %add3A_24, %mul3A_43 : vector<128x768xf32>
      %swap3A_45 = arith.constant 0 : index
      %swap3A_46 = arith.constant 0 : index
      %swap3A_47 = vector.load %arg22[%swap3A_45, %swap3A_46] : memref<128x768xf32, #tpu.memory_space<vmem>>, vector<128x768xf32>
      tpu.vector_store %arg22[%swap3A_45, %swap3A_46], %add3A_44 {strides = array<i32>} : memref<128x768xf32, #tpu.memory_space<vmem>>, vector<128x768xf32>,
    } else {
    }
    %ge3A = arith.constant 8 : i32
    %ge3A_11 = arith.cmpi sge, %arg0, %ge3A : i32
    %convert_element_type3A_12 = arith.extui %ge3A_11 : i1 to i32
    %cond3A_13 = arith.constant 0 : i32
    %cond3A_14 = arith.cmpi ne, %convert_element_type3A_12, %cond3A_13 : i32
    scf.if %cond3A_14 {
      %get3A = arith.constant 0 : index
      %get3A_20 = arith.constant 0 : index
      %get3A_21 = vector.load %arg22[%get3A, %get3A_20] : memref<128x768xf32, #tpu.memory_space<vmem>>, vector<128x768xf32>
      %get3A_22 = arith.constant 0 : index
      %get3A_23 = arith.constant 0 : index
      %get3A_24 = vector.load %arg10[%get3A_22, %get3A_23] : memref<512x768xf32, #tpu.memory_space<vmem>>, vector<512x768xf32>
      %dot_general3A = arith.constant dense<0.000000e+00> : vector<128x512xf32>
      %dot_general3A_25 = tpu.matmul %get3A_21, %get3A_24, %dot_general3A {dimension_numbers = #tpu.dot_dimension_numbers<[1], [1], [0], [0], [0, 0, 1, 0], [], []>, transpose_lhs_hint = false} : vector<128x768xf32>, vector<512x768xf32>, vector<128x512xf32> -> vector<128x512xf32>
      %get3A_26 = arith.constant 0 : index
      %get3A_27 = vector.load %arg11[%get3A_26] : memref<512xf32, #tpu.memory_space<vmem>>, vector<512xf32>
      %broadcast_in_dim3A = vector.shape_cast %get3A_27 : vector<512xf32> to vector<1x512xf32>
      %add3A = vector.broadcast %broadcast_in_dim3A : vector<1x512xf32> to vector<128x512xf32>
      %add3A_28 = arith.addf %dot_general3A_25, %add3A : vector<128x512xf32>
      %max3A = arith.constant 0.000000e+00 : f32
      %max3A_29 = vector.broadcast %max3A : f32 to vector<128x512xf32>
      %max3A_30 = arith.maximumf %add3A_28, %max3A_29 : vector<128x512xf32>
      %get3A_31 = arith.constant 0 : index
      %get3A_32 = arith.constant 0 : index
      %get3A_33 = vector.load %arg23[%get3A_31, %get3A_32] : memref<128x768xf32, #tpu.memory_space<vmem>>, vector<128x768xf32>
      %get3A_34 = arith.constant 0 : index
      %get3A_35 = arith.constant 0 : index
      %get3A_36 = vector.load %arg12[%get3A_34, %get3A_35] : memref<768x512xf32, #tpu.memory_space<vmem>>, vector<768x512xf32>
      %dot_general3A_37 = arith.constant dense<0.000000e+00> : vector<128x768xf32>
      %dot_general3A_38 = tpu.matmul %max3A_30, %get3A_36, %dot_general3A_37 {dimension_numbers = #tpu.dot_dimension_numbers<[1], [1], [0], [0], [0, 0, 1, 0], [], []>, transpose_lhs_hint = false} : vector<128x512xf32>, vector<768x512xf32>, vector<128x768xf32> -> vector<128x768xf32>
      %add3A_39 = arith.addf %get3A_33, %dot_general3A_38 : vector<128x768xf32>
      %swap3A = arith.constant 0 : index
      %swap3A_40 = arith.constant 0 : index
      %swap3A_41 = vector.load %arg23[%swap3A, %swap3A_40] : memref<128x768xf32, #tpu.memory_space<vmem>>, vector<128x768xf32>
      tpu.vector_store %arg23[%swap3A, %swap3A_40], %add3A_39 {strides = array<i32>} : memref<128x768xf32, #tpu.memory_space<vmem>>, vector<128x768xf32>,
    } else {
    }
    %eq3A_15 = arith.constant 15 : i32
    %eq3A_16 = arith.cmpi eq, %arg0, %eq3A_15 : i32
    %convert_element_type3A_17 = arith.extui %eq3A_16 : i1 to i32
    %cond3A_18 = arith.constant 0 : i32
    %cond3A_19 = arith.cmpi ne, %convert_element_type3A_17, %cond3A_18 : i32
    scf.if %cond3A_19 {
      %get3A = arith.constant 0 : index
      %get3A_20 = arith.constant 0 : index
      %get3A_21 = vector.load %arg23[%get3A, %get3A_20] : memref<128x768xf32, #tpu.memory_space<vmem>>, vector<128x768xf32>
      %get3A_22 = arith.constant 0 : index
      %get3A_23 = vector.load %arg13[%get3A_22] : memref<768xf32, #tpu.memory_space<vmem>>, vector<768xf32>
      %broadcast_in_dim3A = vector.shape_cast %get3A_23 : vector<768xf32> to vector<1x768xf32>
      %add3A = vector.broadcast %broadcast_in_dim3A : vector<1x768xf32> to vector<128x768xf32>
      %add3A_24 = arith.addf %get3A_21, %add3A : vector<128x768xf32>
      %swap3A = arith.constant 0 : index
      %swap3A_25 = arith.constant 0 : index
      %swap3A_26 = vector.load %arg17[%swap3A, %swap3A_25] : memref<128x768xf32, #tpu.memory_space<vmem>>, vector<128x768xf32>
      tpu.vector_store %arg17[%swap3A, %swap3A_25], %add3A_24 {strides = array<i32>} : memref<128x768xf32, #tpu.memory_space<vmem>>, vector<128x768xf32>,
    } else {
    }
    return
  }
  func.func @transform_0(%arg0: i32) -> (i32, i32) {
    %c0_i32 = arith.constant 0 : i32
    %c0_i32_0 = arith.constant 0 : i32
    %c0_i32_1 = arith.constant 0 : i32
    return %c0_i32, %c0_i32_0 : i32, i32
  }
  func.func @transform_1(%arg0: i32) -> (i32, i32) {
    %c0_i32 = arith.constant 0 : i32
    %c0_i32_0 = arith.constant 0 : i32
    %c0_i32_1 = arith.constant 0 : i32
    return %c0_i32, %c0_i32_0 : i32, i32
  }
  func.func @transform_2(%arg0: i32) -> (i32, i32) {
    %c0_i32 = arith.constant 0 : i32
    %c0_i32_0 = arith.constant 0 : i32
    %c0_i32_1 = arith.constant 0 : i32
    return %c0_i32, %c0_i32_0 : i32, i32
  }
  func.func @transform_3(%arg0: i32) -> (i32, i32) {
    %lt3A = arith.constant 8 : i32
    %lt3A_0 = arith.cmpi slt, %arg0, %lt3A : i32
    %jit3A = arith.constant 0 : i32
    %select_n3A = arith.select %lt3A_0, %arg0, %jit3A : i32
    %c0_i32 = arith.constant 0 : i32
    %c0_i32_1 = arith.constant 0 : i32
    return %select_n3A, %c0_i32 : i32, i32
  }
  func.func @transform_4(%arg0: i32) -> i32 {
    %lt3A = arith.constant 8 : i32
    %lt3A_0 = arith.cmpi slt, %arg0, %lt3A : i32
    %jit3A = arith.constant 0 : i32
    %select_n3A = arith.select %lt3A_0, %arg0, %jit3A : i32
    %c0_i32 = arith.constant 0 : i32
    return %select_n3A : i32
  }
  func.func @transform_5(%arg0: i32) -> (i32, i32) {
    %lt3A = arith.constant 8 : i32
    %lt3A_0 = arith.cmpi slt, %arg0, %lt3A : i32
    %jit3A = arith.constant 0 : i32
    %select_n3A = arith.select %lt3A_0, %arg0, %jit3A : i32
    %c0_i32 = arith.constant 0 : i32
    %c0_i32_1 = arith.constant 0 : i32
    return %c0_i32, %select_n3A : i32, i32
  }
  func.func @transform_6(%arg0: i32) -> i32 {
    %c0_i32 = arith.constant 0 : i32
    %c0_i32_0 = arith.constant 0 : i32
    return %c0_i32 : i32
  }
  func.func @transform_7(%arg0: i32) -> (i32, i32) {
    %lt3A = arith.constant 8 : i32
    %lt3A_0 = arith.cmpi slt, %arg0, %lt3A : i32
    %jit3A = arith.constant 0 : i32
    %select_n3A = arith.select %lt3A_0, %arg0, %jit3A : i32
    %c0_i32 = arith.constant 0 : i32
    %c0_i32_1 = arith.constant 0 : i32
    return %c0_i32, %select_n3A : i32, i32
  }
  func.func @transform_8(%arg0: i32) -> i32 {
    %c0_i32 = arith.constant 0 : i32
    %c0_i32_0 = arith.constant 0 : i32
    return %c0_i32 : i32
  }
  func.func @transform_9(%arg0: i32) -> (i32, i32) {
    %ge3A = arith.constant 8 : i32
    %ge3A_0 = arith.cmpi sge, %arg0, %ge3A : i32
    %sub3A = arith.constant 8 : i32
    %sub3A_1 = arith.subi %arg0, %sub3A : i32
    %jit3A = arith.constant 0 : i32
    %select_n3A = arith.select %ge3A_0, %sub3A_1, %jit3A : i32
    %c0_i32 = arith.constant 0 : i32
    %c0_i32_2 = arith.constant 0 : i32
    return %select_n3A, %c0_i32 : i32, i32
  }
  func.func @transform_10(%arg0: i32) -> i32 {
    %ge3A = arith.constant 8 : i32
    %ge3A_0 = arith.cmpi sge, %arg0, %ge3A : i32
    %sub3A = arith.constant 8 : i32
    %sub3A_1 = arith.subi %arg0, %sub3A : i32
    %jit3A = arith.constant 0 : i32
    %select_n3A = arith.select %ge3A_0, %sub3A_1, %jit3A : i32
    %c0_i32 = arith.constant 0 : i32
    return %select_n3A : i32
  }
  func.func @transform_11(%arg0: i32) -> (i32, i32) {
    %ge3A = arith.constant 8 : i32
    %ge3A_0 = arith.cmpi sge, %arg0, %ge3A : i32
    %sub3A = arith.constant 8 : i32
    %sub3A_1 = arith.subi %arg0, %sub3A : i32
    %jit3A = arith.constant 0 : i32
    %select_n3A = arith.select %ge3A_0, %sub3A_1, %jit3A : i32
    %c0_i32 = arith.constant 0 : i32
    %c0_i32_2 = arith.constant 0 : i32
    return %c0_i32, %select_n3A : i32, i32
  }
  func.func @transform_12(%arg0: i32) -> i32 {
    %c0_i32 = arith.constant 0 : i32
    %c0_i32_0 = arith.constant 0 : i32
    return %c0_i32 : i32
  }
  func.func @transform_13(%arg0: i32) -> (i32, i32) {
    %c0_i32 = arith.constant 0 : i32
    %c0_i32_0 = arith.constant 0 : i32
    %c0_i32_1 = arith.constant 0 : i32
    return %c0_i32, %c0_i32_0 : i32, i32
  }
  func.func @transform_14(%arg0: i32) -> (i32, i32) {
    %c0_i32 = arith.constant 0 : i32
    %c0_i32_0 = arith.constant 0 : i32
    %c0_i32_1 = arith.constant 0 : i32
    return %c0_i32, %c0_i32_0 : i32, i32
  }
  func.func @transform_15(%arg0: i32) -> (i32, i32) {
    %c0_i32 = arith.constant 0 : i32
    %c0_i32_0 = arith.constant 0 : i32
    %c0_i32_1 = arith.constant 0 : i32
    return %c0_i32, %c0_i32_0 : i32, i32
  }
  func.func @transform_16(%arg0: i32) -> (i32, i32) {
    %c0_i32 = arith.constant 0 : i32
    %c0_i32_0 = arith.constant 0 : i32
    %c0_i32_1 = arith.constant 0 : i32
    return %c0_i32, %c0_i32_0 : i32, i32
  }
  func.func @transform_17(%arg0: i32) -> (i32, i32) {
    %c0_i32 = arith.constant 0 : i32
    %c0_i32_0 = arith.constant 0 : i32
    %c0_i32_1 = arith.constant 0 : i32
    return %c0_i32, %c0_i32_0 : i32, i32
  }
  func.func @transform_18(%arg0: i32) -> (i32, i32) {
    %c0_i32 = arith.constant 0 : i32
    %c0_i32_0 = arith.constant 0 : i32
    %c0_i32_1 = arith.constant 0 : i32
    return %c0_i32, %c0_i32_0 : i32, i32
  }
}

module attributes {stable_mosaic.version = 14 : i64} {
  func.func @_head_body(%arg0: i32, %arg1: memref<128x8xi32, #tpu.memory_space<smem>>, %arg2: memref<64x5x768xf32, #tpu.memory_space<vmem>>, %arg3: memref<128x1x768xf32, #tpu.memory_space<vmem>>, %arg4: memref<128x238x768xf32, #tpu.memory_space<any>>, %arg5: memref<128x238x768xf32, #tpu.memory_space<any>>, %arg6: memref<128x40x768xf32, #tpu.memory_space<vmem>>, %arg7: memref<!tpu.dma_semaphore, #tpu.memory_space<semaphore_mem>>) attributes {dimension_semantics = [#tpu.dimension_semantics<arbitrary>], iteration_bounds = array<i64: 1>, scalar_prefetch = 1 : i64, scratch_operands = 2 : i64, tpu.core_type = #tpu.core_type<tc>, window_params = [{pipeline_mode = #tpu.pipeline_mode<synchronous>, transform_indices = @transform_0, window_bounds = array<i64: 64, 5, 768>}, {pipeline_mode = #tpu.pipeline_mode<synchronous>, transform_indices = @transform_1, window_bounds = array<i64: 128, 1, 768>}, {}, {}]} {
    %scan3A = arith.constant 0 : i32
    %scan3A_0 = arith.constant 128 : i32
    %scan3A_1 = arith.addi %scan3A, %scan3A_0 : i32
    %scan3A_2 = arith.constant 1 : i32
    scf.for %scan3A_10 = %scan3A to %scan3A_1 step %scan3A_2  : i32 {
      %get3A = arith.index_cast %scan3A_10 : i32 to index
      %get3A_11 = arith.constant 0 : index
      %get3A_12 = arith.constant 0 : index
      %get3A_13 = vector.load %arg3[%get3A, %get3A_11, %get3A_12] : memref<128x1x768xf32, #tpu.memory_space<vmem>>, vector<1x1x768xf32>
      %get3A_14 = vector.shape_cast %get3A_13 : vector<1x1x768xf32> to vector<1x768xf32>
      %get3A_15 = arith.index_cast %scan3A_10 : i32 to index
      %get3A_16 = arith.constant 0 : index
      %get3A_17 = memref.load %arg1[%get3A_15, %get3A_16] : memref<128x8xi32, #tpu.memory_space<smem>>
      %get3A_18 = arith.index_cast %get3A_17 : i32 to index
      %get3A_19 = arith.constant 0 : index
      %get3A_20 = arith.constant 0 : index
      %get3A_21 = vector.load %arg2[%get3A_18, %get3A_19, %get3A_20] : memref<64x5x768xf32, #tpu.memory_space<vmem>>, vector<1x5x768xf32>
      %get3A_22 = vector.shape_cast %get3A_21 : vector<1x5x768xf32> to vector<5x768xf32>
      %add3A = vector.broadcast %get3A_14 : vector<1x768xf32> to vector<5x768xf32>
      %add3A_23 = arith.addf %get3A_22, %add3A : vector<5x768xf32>
      %swap3A = arith.index_cast %scan3A_10 : i32 to index
      %swap3A_24 = arith.constant 0 : index
      %swap3A_25 = arith.constant 0 : index
      %swap3A_26 = vector.load %arg6[%swap3A, %swap3A_24, %swap3A_25] : memref<128x40x768xf32, #tpu.memory_space<vmem>>, vector<1x5x768xf32>
      %swap3A_27 = vector.shape_cast %swap3A_26 : vector<1x5x768xf32> to vector<5x768xf32>
      %swap3A_28 = vector.shape_cast %add3A_23 : vector<5x768xf32> to vector<1x5x768xf32>
      tpu.vector_store %arg6[%swap3A, %swap3A_24, %swap3A_25], %swap3A_28 {strides = array<i32>} : memref<128x40x768xf32, #tpu.memory_space<vmem>>, vector<1x5x768xf32>,
      %get3A_29 = arith.index_cast %scan3A_10 : i32 to index
      %get3A_30 = arith.constant 1 : index
      %get3A_31 = memref.load %arg1[%get3A_29, %get3A_30] : memref<128x8xi32, #tpu.memory_space<smem>>
      %get3A_32 = arith.index_cast %get3A_31 : i32 to index
      %get3A_33 = arith.constant 0 : index
      %get3A_34 = arith.constant 0 : index
      %get3A_35 = vector.load %arg2[%get3A_32, %get3A_33, %get3A_34] : memref<64x5x768xf32, #tpu.memory_space<vmem>>, vector<1x5x768xf32>
      %get3A_36 = vector.shape_cast %get3A_35 : vector<1x5x768xf32> to vector<5x768xf32>
      %add3A_37 = vector.broadcast %get3A_14 : vector<1x768xf32> to vector<5x768xf32>
      %add3A_38 = arith.addf %get3A_36, %add3A_37 : vector<5x768xf32>
      %swap3A_39 = arith.index_cast %scan3A_10 : i32 to index
      %swap3A_40 = arith.constant 5 : index
      %swap3A_41 = arith.constant 0 : index
      %swap3A_42 = vector.load %arg6[%swap3A_39, %swap3A_40, %swap3A_41] : memref<128x40x768xf32, #tpu.memory_space<vmem>>, vector<1x5x768xf32>
      %swap3A_43 = vector.shape_cast %swap3A_42 : vector<1x5x768xf32> to vector<5x768xf32>
      %swap3A_44 = vector.shape_cast %add3A_38 : vector<5x768xf32> to vector<1x5x768xf32>
      tpu.vector_store %arg6[%swap3A_39, %swap3A_40, %swap3A_41], %swap3A_44 {strides = array<i32>} : memref<128x40x768xf32, #tpu.memory_space<vmem>>, vector<1x5x768xf32>,
      %get3A_45 = arith.index_cast %scan3A_10 : i32 to index
      %get3A_46 = arith.constant 2 : index
      %get3A_47 = memref.load %arg1[%get3A_45, %get3A_46] : memref<128x8xi32, #tpu.memory_space<smem>>
      %get3A_48 = arith.index_cast %get3A_47 : i32 to index
      %get3A_49 = arith.constant 0 : index
      %get3A_50 = arith.constant 0 : index
      %get3A_51 = vector.load %arg2[%get3A_48, %get3A_49, %get3A_50] : memref<64x5x768xf32, #tpu.memory_space<vmem>>, vector<1x5x768xf32>
      %get3A_52 = vector.shape_cast %get3A_51 : vector<1x5x768xf32> to vector<5x768xf32>
      %add3A_53 = vector.broadcast %get3A_14 : vector<1x768xf32> to vector<5x768xf32>
      %add3A_54 = arith.addf %get3A_52, %add3A_53 : vector<5x768xf32>
      %swap3A_55 = arith.index_cast %scan3A_10 : i32 to index
      %swap3A_56 = arith.constant 10 : index
      %swap3A_57 = arith.constant 0 : index
      %swap3A_58 = vector.load %arg6[%swap3A_55, %swap3A_56, %swap3A_57] : memref<128x40x768xf32, #tpu.memory_space<vmem>>, vector<1x5x768xf32>
      %swap3A_59 = vector.shape_cast %swap3A_58 : vector<1x5x768xf32> to vector<5x768xf32>
      %swap3A_60 = vector.shape_cast %add3A_54 : vector<5x768xf32> to vector<1x5x768xf32>
      tpu.vector_store %arg6[%swap3A_55, %swap3A_56, %swap3A_57], %swap3A_60 {strides = array<i32>} : memref<128x40x768xf32, #tpu.memory_space<vmem>>, vector<1x5x768xf32>,
      %get3A_61 = arith.index_cast %scan3A_10 : i32 to index
      %get3A_62 = arith.constant 3 : index
      %get3A_63 = memref.load %arg1[%get3A_61, %get3A_62] : memref<128x8xi32, #tpu.memory_space<smem>>
      %get3A_64 = arith.index_cast %get3A_63 : i32 to index
      %get3A_65 = arith.constant 0 : index
      %get3A_66 = arith.constant 0 : index
      %get3A_67 = vector.load %arg2[%get3A_64, %get3A_65, %get3A_66] : memref<64x5x768xf32, #tpu.memory_space<vmem>>, vector<1x5x768xf32>
      %get3A_68 = vector.shape_cast %get3A_67 : vector<1x5x768xf32> to vector<5x768xf32>
      %add3A_69 = vector.broadcast %get3A_14 : vector<1x768xf32> to vector<5x768xf32>
      %add3A_70 = arith.addf %get3A_68, %add3A_69 : vector<5x768xf32>
      %swap3A_71 = arith.index_cast %scan3A_10 : i32 to index
      %swap3A_72 = arith.constant 15 : index
      %swap3A_73 = arith.constant 0 : index
      %swap3A_74 = vector.load %arg6[%swap3A_71, %swap3A_72, %swap3A_73] : memref<128x40x768xf32, #tpu.memory_space<vmem>>, vector<1x5x768xf32>
      %swap3A_75 = vector.shape_cast %swap3A_74 : vector<1x5x768xf32> to vector<5x768xf32>
      %swap3A_76 = vector.shape_cast %add3A_70 : vector<5x768xf32> to vector<1x5x768xf32>
      tpu.vector_store %arg6[%swap3A_71, %swap3A_72, %swap3A_73], %swap3A_76 {strides = array<i32>} : memref<128x40x768xf32, #tpu.memory_space<vmem>>, vector<1x5x768xf32>,
      %get3A_77 = arith.index_cast %scan3A_10 : i32 to index
      %get3A_78 = arith.constant 4 : index
      %get3A_79 = memref.load %arg1[%get3A_77, %get3A_78] : memref<128x8xi32, #tpu.memory_space<smem>>
      %get3A_80 = arith.index_cast %get3A_79 : i32 to index
      %get3A_81 = arith.constant 0 : index
      %get3A_82 = arith.constant 0 : index
      %get3A_83 = vector.load %arg2[%get3A_80, %get3A_81, %get3A_82] : memref<64x5x768xf32, #tpu.memory_space<vmem>>, vector<1x5x768xf32>
      %get3A_84 = vector.shape_cast %get3A_83 : vector<1x5x768xf32> to vector<5x768xf32>
      %add3A_85 = vector.broadcast %get3A_14 : vector<1x768xf32> to vector<5x768xf32>
      %add3A_86 = arith.addf %get3A_84, %add3A_85 : vector<5x768xf32>
      %swap3A_87 = arith.index_cast %scan3A_10 : i32 to index
      %swap3A_88 = arith.constant 20 : index
      %swap3A_89 = arith.constant 0 : index
      %swap3A_90 = vector.load %arg6[%swap3A_87, %swap3A_88, %swap3A_89] : memref<128x40x768xf32, #tpu.memory_space<vmem>>, vector<1x5x768xf32>
      %swap3A_91 = vector.shape_cast %swap3A_90 : vector<1x5x768xf32> to vector<5x768xf32>
      %swap3A_92 = vector.shape_cast %add3A_86 : vector<5x768xf32> to vector<1x5x768xf32>
      tpu.vector_store %arg6[%swap3A_87, %swap3A_88, %swap3A_89], %swap3A_92 {strides = array<i32>} : memref<128x40x768xf32, #tpu.memory_space<vmem>>, vector<1x5x768xf32>,
      %get3A_93 = arith.index_cast %scan3A_10 : i32 to index
      %get3A_94 = arith.constant 5 : index
      %get3A_95 = memref.load %arg1[%get3A_93, %get3A_94] : memref<128x8xi32, #tpu.memory_space<smem>>
      %get3A_96 = arith.index_cast %get3A_95 : i32 to index
      %get3A_97 = arith.constant 0 : index
      %get3A_98 = arith.constant 0 : index
      %get3A_99 = vector.load %arg2[%get3A_96, %get3A_97, %get3A_98] : memref<64x5x768xf32, #tpu.memory_space<vmem>>, vector<1x5x768xf32>
      %get3A_100 = vector.shape_cast %get3A_99 : vector<1x5x768xf32> to vector<5x768xf32>
      %add3A_101 = vector.broadcast %get3A_14 : vector<1x768xf32> to vector<5x768xf32>
      %add3A_102 = arith.addf %get3A_100, %add3A_101 : vector<5x768xf32>
      %swap3A_103 = arith.index_cast %scan3A_10 : i32 to index
      %swap3A_104 = arith.constant 25 : index
      %swap3A_105 = arith.constant 0 : index
      %swap3A_106 = vector.load %arg6[%swap3A_103, %swap3A_104, %swap3A_105] : memref<128x40x768xf32, #tpu.memory_space<vmem>>, vector<1x5x768xf32>
      %swap3A_107 = vector.shape_cast %swap3A_106 : vector<1x5x768xf32> to vector<5x768xf32>
      %swap3A_108 = vector.shape_cast %add3A_102 : vector<5x768xf32> to vector<1x5x768xf32>
      tpu.vector_store %arg6[%swap3A_103, %swap3A_104, %swap3A_105], %swap3A_108 {strides = array<i32>} : memref<128x40x768xf32, #tpu.memory_space<vmem>>, vector<1x5x768xf32>,
      %get3A_109 = arith.index_cast %scan3A_10 : i32 to index
      %get3A_110 = arith.constant 6 : index
      %get3A_111 = memref.load %arg1[%get3A_109, %get3A_110] : memref<128x8xi32, #tpu.memory_space<smem>>
      %get3A_112 = arith.index_cast %get3A_111 : i32 to index
      %get3A_113 = arith.constant 0 : index
      %get3A_114 = arith.constant 0 : index
      %get3A_115 = vector.load %arg2[%get3A_112, %get3A_113, %get3A_114] : memref<64x5x768xf32, #tpu.memory_space<vmem>>, vector<1x5x768xf32>
      %get3A_116 = vector.shape_cast %get3A_115 : vector<1x5x768xf32> to vector<5x768xf32>
      %add3A_117 = vector.broadcast %get3A_14 : vector<1x768xf32> to vector<5x768xf32>
      %add3A_118 = arith.addf %get3A_116, %add3A_117 : vector<5x768xf32>
      %swap3A_119 = arith.index_cast %scan3A_10 : i32 to index
      %swap3A_120 = arith.constant 30 : index
      %swap3A_121 = arith.constant 0 : index
      %swap3A_122 = vector.load %arg6[%swap3A_119, %swap3A_120, %swap3A_121] : memref<128x40x768xf32, #tpu.memory_space<vmem>>, vector<1x5x768xf32>
      %swap3A_123 = vector.shape_cast %swap3A_122 : vector<1x5x768xf32> to vector<5x768xf32>
      %swap3A_124 = vector.shape_cast %add3A_118 : vector<5x768xf32> to vector<1x5x768xf32>
      tpu.vector_store %arg6[%swap3A_119, %swap3A_120, %swap3A_121], %swap3A_124 {strides = array<i32>} : memref<128x40x768xf32, #tpu.memory_space<vmem>>, vector<1x5x768xf32>,
      %get3A_125 = arith.index_cast %scan3A_10 : i32 to index
      %get3A_126 = arith.constant 7 : index
      %get3A_127 = memref.load %arg1[%get3A_125, %get3A_126] : memref<128x8xi32, #tpu.memory_space<smem>>
      %get3A_128 = arith.index_cast %get3A_127 : i32 to index
      %get3A_129 = arith.constant 0 : index
      %get3A_130 = arith.constant 0 : index
      %get3A_131 = vector.load %arg2[%get3A_128, %get3A_129, %get3A_130] : memref<64x5x768xf32, #tpu.memory_space<vmem>>, vector<1x5x768xf32>
      %get3A_132 = vector.shape_cast %get3A_131 : vector<1x5x768xf32> to vector<5x768xf32>
      %add3A_133 = vector.broadcast %get3A_14 : vector<1x768xf32> to vector<5x768xf32>
      %add3A_134 = arith.addf %get3A_132, %add3A_133 : vector<5x768xf32>
      %swap3A_135 = arith.index_cast %scan3A_10 : i32 to index
      %swap3A_136 = arith.constant 35 : index
      %swap3A_137 = arith.constant 0 : index
      %swap3A_138 = vector.load %arg6[%swap3A_135, %swap3A_136, %swap3A_137] : memref<128x40x768xf32, #tpu.memory_space<vmem>>, vector<1x5x768xf32>
      %swap3A_139 = vector.shape_cast %swap3A_138 : vector<1x5x768xf32> to vector<5x768xf32>
      %swap3A_140 = vector.shape_cast %add3A_134 : vector<5x768xf32> to vector<1x5x768xf32>
      tpu.vector_store %arg6[%swap3A_135, %swap3A_136, %swap3A_137], %swap3A_140 {strides = array<i32>} : memref<128x40x768xf32, #tpu.memory_space<vmem>>, vector<1x5x768xf32>,
    }
    %scan3A_3 = arith.constant 128 : i32
    %dma_start3A = arith.constant 0 : i32
    %dma_start3A_4 = arith.constant 0 : i32
    %dma_start3A_5 = arith.constant 0 : i32
    %dma_start3A_6 = tpu.memref_slice %arg5[%dma_start3A, %dma_start3A_4, %dma_start3A_5] : memref<128x238x768xf32, #tpu.memory_space<any>> -> memref<128x40x768xf32, #tpu.memory_space<any>>
    tpu.enqueue_dma source(%arg6 : memref<128x40x768xf32, #tpu.memory_space<vmem>>) target(%dma_start3A_6 : memref<128x40x768xf32, #tpu.memory_space<any>>) target_semaphore(%arg7 : memref<!tpu.dma_semaphore, #tpu.memory_space<semaphore_mem>>)
    %dma_wait3A = arith.constant 0 : i32
    %dma_wait3A_7 = arith.constant 0 : i32
    %dma_wait3A_8 = arith.constant 0 : i32
    %dma_wait3A_9 = tpu.memref_slice %arg5[%dma_wait3A, %dma_wait3A_7, %dma_wait3A_8] : memref<128x238x768xf32, #tpu.memory_space<any>> -> memref<128x40x768xf32, #tpu.memory_space<any>>
    tpu.wait_dma2 semaphore(%arg7 : memref<!tpu.dma_semaphore, #tpu.memory_space<semaphore_mem>>) src(%arg6 : memref<128x40x768xf32, #tpu.memory_space<vmem>>) dst(%dma_wait3A_9 : memref<128x40x768xf32, #tpu.memory_space<any>>)
    return
  }
  func.func @transform_0(%arg0: i32, %arg1: memref<128x8xi32, #tpu.memory_space<smem>>) -> (i32, i32, i32) {
    %c0_i32 = arith.constant 0 : i32
    %c0_i32_0 = arith.constant 0 : i32
    %c0_i32_1 = arith.constant 0 : i32
    %c0_i32_2 = arith.constant 0 : i32
    return %c0_i32, %c0_i32_0, %c0_i32_1 : i32, i32, i32
  }
  func.func @transform_1(%arg0: i32, %arg1: memref<128x8xi32, #tpu.memory_space<smem>>) -> (i32, i32, i32) {
    %c0_i32 = arith.constant 0 : i32
    %c0_i32_0 = arith.constant 0 : i32
    %c0_i32_1 = arith.constant 0 : i32
    %c0_i32_2 = arith.constant 0 : i32
    return %c0_i32, %c0_i32_0, %c0_i32_1 : i32, i32, i32
  }
}

</mosaic_0001>

<sc_bundles>
// kernel: kernel.5.cloned.1.call-start
scs
__scs_entry_jumppad:
0x0: {  	(pc) =	sbr.rel $0x88, $3  }
0x1: {  	(tag) =	ssettag $0x0;
	lr =	simm.s32 $0x1  }
0x2: {  	[smem:$0x3F92] =	sst lr;
	_ =	strace $0xD0000000  }
0x3: {  	_ = 	snop  }
0x4: {  	_ = 	snop  }
0x5: {  	_ = 	snop  }
0x6: {  	_ = 	snop  }
0x7: {  	_ = 	snop  }
__scs_overlays_trampoline_lowered:
0x8: {  	[smem:$0x3FA1] =	sst s0  }
0x9: {  	[smem:$0x3FA2] =	sst s1  }
0xa: {  	[smem:$0x3FA3] =	sst s2  }
0xb: {  	[smem:$0x3FA4] =	sst s3  }
0xc: {  	[smem:$0x3FA5] =	sst s4  }
0xd: {  	[smem:$0x3FA6] =	sst s5  }
0xe: {  	[smem:$0x3FA7] =	sst s6  }
0xf: {  	[smem:$0x3FA8] =	sst s7  }
0x10: {  	[smem:$0x3FA9] =	sst s8  }
0x11: {  	[smem:$0x3FAA] =	sst s9;
	s0 =	simm.s32 @!p0 $0x0  }
0x12: {  	s1 =	sld [smem:$0x3F90];
	s0 =	simm.s32 @p0 $0x1  }
0x13: {  	[smem:$0x3FAB] =	sst s0;
	s0 =	simm.s32 @!p1 $0x0  }
0x14: {  	s2 =	sld [smem:$0x3F8F];
	s0 =	simm.s32 @p1 $0x1  }
0x15: {  	[smem:$0x3FAC] =	sst s0;
	s0 =	simm.s32 @!p2 $0x0  }
0x16: {  	s3 =	sld [smem:$0x3FDB];
	s0 =	simm.s32 @p2 $0x1  }
0x17: {  	s4 =	simm.s32 $0x1BF5;
	[smem:$0x3FAE] =	sst s0  }
0x18: {  	s0 =	sld [smem:$0x3F91];
	_ =	swait.ge [sflag:s4], $0x0  }
0x19: {  	s7 =	sld [smem:$0x3F92]  }
0x1a: {  	s8 =	sadd.s32 $0xFFFFE003, lr  }
0x1b: {  	s9 =	sadd.s32 $0xFFFFFEF7, lr;
	s5 =	simm.s32 $0xFFFFFFFF;
	p2 =	slt.u32 s8, $0xFFFFF086  }
0x1c: {  	p1 =	slt.u32 s9, $0xF7A;
	s5 =	simm.s32 @!p2 $0x0  }
0x1d: {  	s5 =	simm.s32 @p1 $0x1;
	p0 =	seq.s32 s7, s2  }
0x1e: {  	s7 =	smul.u32 @!p0 $0xF7A, s2;
	p2 =	seq.s32 @!p0 s5, $0x0  }
0x1f: {  	s9 =	smul.u32 $0xF7A, s1;
	s8 =	simm.s32 @!p0 $0x1BF5;
	p2 =	por !p2, p0  }
0x20: {  	[sflag:s8] =	ssyncset.s32 @!p0 $0xFFFFF086;
	s6 =	sadd.s32 @!p0 s3, s7;
	s7 =	simm.s32 @!p0 $0x108  }
0x21: {  	s3 =	sadd.s32 s3, s9;
	s6 =	sadd.s32 @!p0 $0x88, s6;
	s7 =	simm.s32 @p2 $0x1082  }
0x22: {  	[simem:s7], [sflag:s8] =	dma.local @!p0 [hbm:s6], $0xF7A  }
0x23: {  	s9 =	sor.u32 $0xD0000000, s2;
	s6 =	simm.s32 $0x108;
	_ =	swait.ge @!p0 [sflag:s8], $0x0  }
0x24: {  	s3 =	sadd.s32 $0x88, s3;
	s6 =	simm.s32 @!p1 $0x1082;
	[sflag:s4] =	ssyncset.s32 $0xFFFFF086  }
0x25: {  	[simem:s6], [sflag:s4] =	dma.local [hbm:s3], $0xF7A  }
0x26: {  	[smem:$0x3F92] =	sst s1;
	(tag) =	ssettag s2;
	_ =	strace s9  }
0x27: {  	s1 =	sld [smem:$0x3FA2]  }
0x28: {  	s2 =	sld [smem:$0x3FA3]  }
0x29: {  	s4 =	sld [smem:$0x3FA5]  }
0x2a: {  	p0 =	seq.s32 s5, $0x0;
	s5 =	sld [smem:$0x3FA6]  }
0x2b: {  	s6 =	sld [smem:$0x3FA7]  }
0x2c: {  	s7 =	sld [smem:$0x3FA8]  }
0x2d: {  	s3 =	simm.s32 $0x108;
	s8 =	sld [smem:$0x3FA9]  }
0x2e: {  	s3 =	simm.s32 @!p0 $0x1082;
	s9 =	sld [smem:$0x3FAA]  }
0x2f: {  	lr =	sadd.s32 s0, s3;
	s0 =	sld [smem:$0x3FA1]  }
0x30: {  	s3 =	sld [smem:$0x3FA4]  }
0x31: {  	[smem:$0x3FAD] =	sst s10  }
0x32: {  	s10 =	sld [smem:$0x3FAB];
	_ =	sdelay $0x3  }
0x33: {  	p0 =	seq.s32 s10, $0x1;
	s10 =	sld [smem:$0x3FAD];
	_ =	sdelay $0x3  }
0x34: {  	[smem:$0x3FAD] =	sst s10  }
0x35: {  	s10 =	sld [smem:$0x3FAC];
	_ =	sdelay $0x3  }
0x36: {  	p1 =	seq.s32 s10, $0x1;
	s10 =	sld [smem:$0x3FAD];
	_ =	sdelay $0x3  }
0x37: {  	[smem:$0x3FAD] =	sst s10  }
0x38: {  	s10 =	sld [smem:$0x3FAE]  }
0x39: {  	_ = 	snop;
	(pc) =	sbr.ind lr, $3  }
0x3a: {  	_ = 	snop  }
0x3b: {  	_ = 	snop  }
0x3c: {  	p2 =	seq.s32 s10, $0x1;
	s10 =	sld [smem:$0x3FAD]  }
0x3d: {  	_ =	shalt  }
0x3e: {  	_ =	shalt  }
0x3f: {  	_ =	shalt  }
0x40: {  	_ =	shalt  }
0x41: {  	_ =	shalt  }
0x42: {  	_ =	shalt  }
0x43: {  	_ =	shalt  }
0x44: {  	_ =	shalt  }
0x45: {  	_ =	shalt  }
0x46: {  	_ =	shalt  }
0x47: {  	_ =	shalt  }
0x48: {  	_ =	shalt  }
0x49: {  	_ =	shalt  }
0x4a: {  	_ =	shalt  }
0x4b: {  	_ =	shalt  }
0x4c: {  	_ =	shalt  }
0x4d: {  	_ =	shalt  }
0x4e: {  	_ =	shalt  }
0x4f: {  	_ =	shalt  }
0x50: {  	_ =	shalt  }
0x51: {  	_ =	shalt  }
0x52: {  	_ =	shalt  }
0x53: {  	_ =	shalt  }
0x54: {  	_ =	shalt  }
0x55: {  	_ =	shalt  }
0x56: {  	_ =	shalt  }
0x57: {  	_ =	shalt  }
0x58: {  	_ =	shalt  }
0x59: {  	_ =	shalt  }
0x5a: {  	_ =	shalt  }
0x5b: {  	_ =	shalt  }
0x5c: {  	_ =	shalt  }
0x5d: {  	_ =	shalt  }
0x5e: {  	_ =	shalt  }
0x5f: {  	_ =	shalt  }
0x60: {  	_ =	shalt  }
0x61: {  	_ =	shalt  }
0x62: {  	_ =	shalt  }
0x63: {  	_ =	shalt  }
0x64: {  	_ =	shalt  }
0x65: {  	_ =	shalt  }
0x66: {  	_ =	shalt  }
0x67: {  	_ =	shalt  }
0x68: {  	_ =	shalt  }
0x69: {  	_ =	shalt  }
0x6a: {  	_ =	shalt  }
0x6b: {  	_ =	shalt  }
0x6c: {  	_ =	shalt  }
0x6d: {  	_ =	shalt  }
0x6e: {  	_ =	shalt  }
0x6f: {  	_ =	shalt  }
0x70: {  	_ =	shalt  }
0x71: {  	_ =	shalt  }
0x72: {  	_ =	shalt  }
0x73: {  	_ =	shalt  }
0x74: {  	_ =	shalt  }
0x75: {  	_ =	shalt  }
0x76: {  	_ =	shalt  }
0x77: {  	_ =	shalt  }
0x78: {  	_ =	shalt  }
0x79: {  	_ =	shalt  }
0x7a: {  	_ =	shalt  }
0x7b: {  	_ =	shalt  }
0x7c: {  	_ =	shalt  }
0x7d: {  	_ =	shalt  }
0x7e: {  	_ =	shalt  }
0x7f: {  	_ =	shalt  }
0x80: {  	_ =	shalt  }
0x81: {  	_ =	shalt  }
0x82: {  	_ =	shalt  }
0x83: {  	_ =	shalt  }
0x84: {  	_ =	shalt  }
0x85: {  	_ =	shalt  }
0x86: {  	_ =	shalt  }
0x87: {  	_ =	shalt  }
.Lfunc_end0:
.L_simem_size_0:
called_computation_lowered:
.L_overlay_start_0:
0x88: {  	s2 =	sld [smem:$0x3FD9]  }
0x89: {  	s3 =	sld [smem:$0x3FFE];
	_ =	sdelay $0x1  }
0x8a: {  	s1 =	srdreg.scid  }
0x8b: {  	s0 =	sand.u32 $0x1, s1  }
0x8c: {  	s14 =	sshll.u32 s0, $0xA;
	s2 =	sadd.s32 s3, s2  }
0x8d: {  	s2 =	sadd.s32 s2, s14  }
0x8e: {  	[smem:$0x3FB9] =	sst s2  }
0x8f: {  	_ = 	snop  }
0x90: {  	s2 =	sld [smem:$0x3FD0];
	_ =	sdelay $0x2  }
0x91: {  	s15 =	simm.s32 $0xA;
	s4 =	simm.s32 $0x10  }
0x92: {  	[smem:s4], [sflag:s15] =	dma.local [hbm:s2], $0x1  }
0x93: {  	_ =	swait.eq [sflag:s15], $0x1  }
0x94: {  	[sflag:s15] =	ssyncset.done $0x0  }
0x95: {  	[sflag:s15] =	ssyncadd.s32 $0xFFFFFFFF  }
0x96: {  	s16 =	sld [smem:$0x10];
	(tm) =	ssettm $0x1  }
0x97: {  	s17 =	sld [smem:$0x3FFB];
	_ =	sdelay $0x3  }
0x98: {  	_ =	strace s17  }
0x99: {  	s3 =	sld [smem:$0x3FFC];
	_ =	sdelay $0x3  }
0x9a: {  	_ =	strace s3  }
0x9b: {  	s3 =	sld [smem:$0x3FFD];
	_ =	sdelay $0x3  }
0x9c: {  	_ =	strace s3  }
0x9d: {  	_ =	strace $0x8FFFFFFF  }
0x9e: {  	s18 =	sld [smem:$0x3FDB];
	_ =	sdelay $0x1  }
0x9f: {  	s19 =	simm.s32 $_scs_section_size  }
0xa0: {  	s5 =	simm.s32 $_size__tile_overlayer_lowered;
	s6 =	simm.s32 $_tile_overlayer_lowered  }
0xa1: {  	s22 =	simm.s32 $0x1BFF;
	s21 =	sshll.u32 s6, $0x1;
	s3 =	sadd.s32 s19, s18  }
0xa2: {  	s7 =	simm.s32 $0x0;
	s20 =	sshll.u32 s5, $0x1;
	s5 =	sadd.s32 s21, s3  }
0xa3: {  	[timem:s7], [sflag:s22] =	dma.local [hbm:s5], s20  }
0xa4: {  	_ =	swait.ge [sflag:s22], s20  }
0xa5: {  	s4 =	ssub.s32 $0x0, s20;
	[sflag:s22] =	ssyncset.done $0x0  }
0xa6: {  	[sflag:s22] =	ssyncadd.s32 s4;
	_ =	sdelay $0x1  }
0xa7: {  	s23 =	simm.s32 $0x1B8B  }
0xa8: {  	_ =	swait.ge [sflag:s23], $0x1  }
0xa9: {  	[sflag:s23] =	ssyncset.done $0x0  }
0xaa: {  	s25 =	simm.s32 $0x1B8E;
	s24 =	sld [smem:$0x3FFE];
	[sflag:s23] =	ssyncadd.s32 $0xFFFFFFFF  }
0xab: {  	s26 =	simm.s32 $execute0_lowered;
	[smem:$0x3FD2] =	sst s25  }
0xac: {  	s5 =	sshll.u32 s26, $0x1;
	_ =	strace $0x80000046;
	[dreg:$0x1] =	wrdreg $0xFFFFFFFF  }
0xad: {  	s28 =	simm.s32 $_size_execute0_lowered;
	s3 =	sadd.s32 s3, s5;
	[dreg:$0x0] =	wrdreg $0x0  }
0xae: {  	s5 =	sshll.u32 s28, $0x1;
	[dreg:$0x2] =	wrdreg s3  }
0xaf: {  	[dreg:$0x3] =	wrdreg s5  }
0xb0: {  	[dreg:$0x4] =	wrdreg $0xC0  }
0xb1: {  	_ =	task [dreg:s7], $0x5FFFF  }
0xb2: {  	[dreg:$0x1] =	wrdreg $0xFFFFFFFF  }
0xb3: {  	[dreg:$0x0] =	wrdreg $0x60  }
0xb4: {  	[dreg:$0x2] =	wrdreg s24  }
0xb5: {  	[dreg:$0x3] =	wrdreg s16  }
0xb6: {  	[dreg:$0x4] =	wrdreg $0x9  }
0xb7: {  	_ =	task.clear_ibuf [dreg:s7], $0x5FFFF;
	_ =	strace $0x90000046  }
0xb8: {  	s29 =	simm.s32 $0x9;
	_ =	strace $0x80000048  }
0xb9: {  	_ =	swait.ge [sflag:s29], $0x1  }
0xba: {  	[sflag:s29] =	ssyncadd.s32 $0xFFFFFFFF  }
0xbb: {  	_ =	strace $0x90000048  }
0xbc: {  	_ =	sfence  }
0xbd: {  	s30 =	sld [smem:$0x0];
	_ =	sdelay $0x2  }
0xbe: {  	s31 =	sshll.u32 s1, $0xD;
	s1 =	sshrl.u32 s1, $0x2  }
0xbf: {  	s3 =	sand.u32 $0x4000, s31;
	s1 =	sadd.s32 s1, s30  }
0xc0: {  	s0 =	sor.u32 s3, s0;
	s1 =	sshll.u32 s1, $0x11  }
0xc1: {  	s0 =	sor.u32 s1, s0  }
0xc2: {  	s0 =	sadd.s32 $0x8F2B, s0  }
0xc3: {  	[sflag:s0] =	ssyncadd.remote.s32 $0x1  }
0xc4: {  	_ =	sfence.sel $0xFFFF  }
0xc5: {  	[dreg:$0x0] =	wrdreg $0xFFFFFFFF;
	(pc) =	sbr.abs _section_cstart, $3  }
0xc6: {  	[dreg:$0x1] =	wrdreg $0xFFFFFFFF  }
0xc7: {  	_ =	task.clear_ibuf [dreg:s7], $0x2FFFF;
	_ =	strace $0x9FFFFFFF  }
0xc8: {  	(tm) =	ssettm $0x7FFFFFFF  }
0xc9: {  	_ =	shalt  }
tec
execute0_lowered:
.L_overlay_start_1:
0x0: {  	(tag) =	ssettag $0x1  }
0x1: {  	s3 =	srdreg.scid;
	s4 =	stileid.u32  }
0x2: {  	s3 =	sand.u32 $0x1, s3;
	s4 =	sshll.u32 s4, $0x1  }
0x3: {  	s0 =	rddreg [dreg:$0x0];
	s10 =	sor.u32 s3, s4  }
0x4: {  	s1 =	rddreg [dreg:$0x1];
	s2 =	simm.s32 $0x0;
	s4 =	smul.u32 $0x180, s10  }
0x5: {  	[smem:$0x7FF] =	sst s2;
	s15 =	sadd.s32 $0x4A00, s0;
	s6 =	smul.u32 $0xB2800, s10  }
0x6: {  	s18 =	smul.u32 $0x93C00, s10;
	s11 =	sshll.u32 s10, $0x2;
	s10 =	sshllo.u32 s10, $0x2  }
0x7: {  	s3 =	ssub.s32 $0x2, s3;
	s12 =	sor.u32 $0x1, s11;
	s24 =	smul.u32 $0x2CA00, s10  }
0x8: {  	s0 =	sadd.s32 $0x1A00, s0;
	s5 =	sshrl.u32 s3, $0x1;
	s13 =	smul.u32 $0x60, s12  }
0x9: {  	_ =	strace $0x80000047;
	s3 =	ssub.s32 s3, s5;
	s14 =	smul.u32 $0x2CA00, s12  }
0xa: {  	s21 =	sor.u32 $0x2, s11;
	s25 =	sadd.s32 s0, s4;
	s12 =	smul.u32 $0x24F00, s12  }
0xb: {  	s19 =	sshrl.u32 s6, $0x3;
	s5 =	sshrl.u32 s18, $0x3;
	s17 =	smul.u32 $0x60, s21  }
0xc: {  	s18 =	smul.u32 $0x24F00, s21;
	s9 =	sadd.s32 s1, s19;
	s4 =	sadd.s32 s15, s5  }
0xd: {  	s19 =	smul.u32 $0x2CA00, s21;
	[dreg:$0x3] =	wrdreg s25;
	s5 =	sadd.s32 $0xF00, s9  }
0xe: {  	s6 =	sadd.s32 $0x1800, s4;
	s7 =	sadd.s32 $0x2A00, s9;
	s8 =	sadd.s32 $0x3300, s4  }
0xf: {  	s9 =	sadd.s32 $0x4500, s9;
	s13 =	sadd.s32 s0, s13;
	s20 =	sshrl.u32 s14, $0x3  }
0x10: {  	s22 =	sshrl.u32 s12, $0x3;
	s23 =	sshrl.u32 s18, $0x3;
	s17 =	sadd.s32 s0, s17  }
0x11: {  	s18 =	sshrl.u32 s24, $0x3;
	[dreg:$0x4] =	wrdreg s13;
	s16 =	sadd.s32 s1, s20  }
0x12: {  	s11 =	sadd.s32 s15, s22;
	[dreg:$0x5] =	wrdreg s17;
	s20 =	smul.u32 $0x24F00, s10  }
0x13: {  	s26 =	sshrl.u32 s19, $0x3;
	s10 =	smul.u32 $0x60, s10;
	s12 =	sadd.s32 $0xF00, s16  }
0x14: {  	s13 =	sadd.s32 $0x2A00, s16;
	s14 =	sadd.s32 $0x4500, s16;
	s16 =	sadd.s32 s15, s23  }
0x15: {  	s19 =	sadd.s32 s1, s26;
	s1 =	sadd.s32 s1, s18;
	s26 =	sadd.s32 $0x1800, s11  }
0x16: {  	s28 =	sadd.s32 $0x3300, s11;
	s17 =	sadd.s32 $0xF00, s19;
	s18 =	sadd.s32 $0x2A00, s19  }
0x17: {  	s19 =	sadd.s32 $0x4500, s19;
	s20 =	sshrl.u32 s20, $0x3;
	s0 =	sadd.s32 s0, s10  }
0x18: {  	s22 =	sadd.s32 $0xF00, s1;
	s23 =	sadd.s32 $0x2A00, s1;
	s24 =	sadd.s32 $0x4500, s1  }
0x19: {  	s1 =	smax.u32 s3, $0x1;
	s29 =	sadd.s32 $0x1800, s16;
	[dreg:$0x6] =	wrdreg s0  }
0x1a: {  	s30 =	sadd.s32 $0x3300, s16;
	s3 =	sadd.s32 $0x10, s25;
	[dreg:$0x7] =	wrdreg s1  }
0x1b: {  	s10 =	sadd.s32 $0x20, s25;
	s21 =	sadd.s32 s15, s20;
	[dreg:$0x8] =	wrdreg s3  }
0x1c: {  	[dreg:$0x9] =	wrdreg s10;
	s15 =	sadd.s32 $0x30, s25;
	s20 =	sadd.s32 $0x40, s25  }
0x1d: {  	s25 =	sadd.s32 $0x50, s25;
	s1 =	simm.s32 $0x2;
	[dreg:$0xa] =	wrdreg s15  }
0x1e: {  	s31 =	sadd.s32 $0x1800, s21;
	s0 =	sadd.s32 $0x3300, s21;
	[dreg:$0xb] =	wrdreg s20  }
0x1f: {  	[dreg:$0xc] =	wrdreg s25;
	s25 =	simm.s32 $0x1;
	s15 =	simm.s32 $0x0  }
.LBB2_1:
0x20: {  	[dreg:$0xd] =	wrdreg s15  }
0x21: {  	s3 =	rddreg [dreg:$0x3]  }
0x22: {  	[tilespmem:s2], [sflag:$0x1] =	stream.linear.gather [hbm4b:s3+s2], $0x80, $0x38;
	[tilespmem:$0x1E600] =	vst v63  }
0x23: {  	s20 =	rddreg [dreg:$0x8];
	s10 =	simm.s32 $0x100  }
0x24: {  	[tilespmem:s10], [sflag:$0x1] =	stream.linear.gather [hbm4b:s20+s2], $0x80, $0x38;
	[tilespmem:$0x1E600] =	vst v63  }
0x25: {  	s15 =	rddreg [dreg:$0x9];
	s20 =	simm.s32 $0x200  }
0x26: {  	[tilespmem:s20], [sflag:$0x1] =	stream.linear.gather [hbm4b:s15+s2], $0x80, $0x38;
	[tilespmem:$0x1E600] =	vst v63  }
0x27: {  	s15 =	rddreg [dreg:$0xa];
	s20 =	simm.s32 $0x300  }
0x28: {  	[tilespmem:s20], [sflag:$0x1] =	stream.linear.gather [hbm4b:s15+s2], $0x80, $0x38;
	[tilespmem:$0x1E600] =	vst v63  }
0x29: {  	s15 =	rddreg [dreg:$0xb];
	s20 =	simm.s32 $0x400  }
0x2a: {  	[tilespmem:s20], [sflag:$0x1] =	stream.linear.gather [hbm4b:s15+s2], $0x80, $0x38;
	[tilespmem:$0x1E600] =	vst v63  }
0x2b: {  	s3 =	simm.s32 $0x700;
	s15 =	rddreg [dreg:$0xc];
	s20 =	simm.s32 $0x500  }
0x2c: {  	[tilespmem:s20], [sflag:$0x1] =	stream.linear.gather [hbm4b:s15+s2], $0x80, $0x38;
	[tilespmem:$0x1E600] =	vst v63  }
0x2d: {  	s10 =	sadd.s32 $0x0, s4;
	s20 =	simm.s32 $0x600;
	s15 =	simm.s32 $0x10  }
.LBB2_2:
0x2e: {  	[tilespmem:s20], [sflag:$0x1] =	stream.linear.gather [hbm4b:s10+s2], $0x80, $0x38;
	[tilespmem:$0x1E600] =	vst v63  }
0x2f: {  	s10 =	smov.u32 s15;
	s20 =	smov.u32 s3;
	p0 =	sne.s32 s15, $0x1AF0  }
.Ltmp0:
0x30: {  	s15 =	sadd.s32 $0x10, s15;
	(pc) =	sbr.rel @p0 .LBB2_2-.Ltmp0, $2  }
0x31: {  	_ =	sdelay $0x2  }
0x32: {  	s3 =	sadd.s32 $0x100, s3;
	s10 =	sadd.s32 s10, s4  }
0x33: {  	[tilespmem:s20], [sflag:$0x1] =	stream.linear.gather [hbm4b:s10+s2], $0x80, $0x38;
	[tilespmem:$0x1E600] =	vst v63  }
0x34: {  	_ =	swait.ge [sflag:s25], $0x300  }
0x35: {  	[sflag:s25] =	ssyncset.done $0x0  }
0x36: {  	[sflag:s25] =	ssyncadd.s32 $0xFFFFFD00  }
0x37: {  	_ =	swait.ge [sflag:s25], $0xD800  }
0x38: {  	s20 =	simm.s32 $0x0;
	s15 =	simm.s32 $0x10;
	[sflag:s25] =	ssyncset.done $0x0  }
0x39: {  	s10 =	sadd.s32 $0x0, s5;
	s3 =	simm.s32 $0x100;
	[sflag:s25] =	ssyncadd.s32 $0xFFFF2800  }
.LBB2_4:
0x3a: {  	[hbm4b:s10+s2] =	stream.linear.scatter [tilespmem:s20], [sflag:$0x3], $0x80, $0x38;
	[tilespmem:$0x1E600] =	vst v63  }
0x3b: {  	s10 =	smov.u32 s15;
	s20 =	smov.u32 s3;
	p0 =	sne.s32 s15, $0x1AF0  }
.Ltmp1:
0x3c: {  	s15 =	sadd.s32 $0x10, s15;
	(pc) =	sbr.rel @p0 .LBB2_4-.Ltmp1, $2  }
0x3d: {  	_ =	sdelay $0x2  }
0x3e: {  	s3 =	sadd.s32 $0x100, s3;
	s10 =	sadd.s32 s10, s5  }
0x3f: {  	[hbm4b:s10+s2] =	stream.linear.scatter [tilespmem:s20], [sflag:$0x3], $0x80, $0x38;
	[tilespmem:$0x1E600] =	vst v63  }
0x40: {  	s20 =	simm.s32 $0x80  }
0x41: {  	s15 =	simm.s32 $0x10;
	s10 =	sadd.s32 $0x0, s6;
	s3 =	simm.s32 $0x180  }
.LBB2_6:
0x42: {  	[tilespmem:s20], [sflag:$0x2] =	stream.linear.gather [hbm4b:s10+s2], $0x80, $0x38;
	[tilespmem:$0x1E600] =	vst v63  }
0x43: {  	s10 =	smov.u32 s15;
	s20 =	smov.u32 s3;
	p0 =	sne.s32 s15, $0x1DF0  }
.Ltmp2:
0x44: {  	s15 =	sadd.s32 $0x10, s15;
	(pc) =	sbr.rel @p0 .LBB2_6-.Ltmp2, $2  }
0x45: {  	_ =	sdelay $0x2  }
0x46: {  	s3 =	sadd.s32 $0x100, s3;
	s10 =	sadd.s32 s10, s6  }
0x47: {  	[tilespmem:s20], [sflag:$0x2] =	stream.linear.gather [hbm4b:s10+s2], $0x80, $0x38;
	[tilespmem:$0x1E600] =	vst v63  }
0x48: {  	_ =	swait.ge [sflag:s1], $0xF000  }
0x49: {  	s20 =	simm.s32 $0x2A80;
	s15 =	simm.s32 $0x10;
	[sflag:s1] =	ssyncset.done $0x0  }
0x4a: {  	s10 =	sadd.s32 $0x0, s7;
	s3 =	simm.s32 $0x2B80;
	[sflag:s1] =	ssyncadd.s32 $0xFFFF1000  }
.LBB2_8:
0x4b: {  	[hbm4b:s10+s2] =	stream.linear.scatter [tilespmem:s20], [sflag:$0x4], $0x80, $0x38;
	[tilespmem:$0x1E600] =	vst v63  }
0x4c: {  	s10 =	smov.u32 s15;
	s20 =	smov.u32 s3;
	p0 =	sne.s32 s15, $0x1AF0  }
.Ltmp3:
0x4d: {  	s15 =	sadd.s32 $0x10, s15;
	(pc) =	sbr.rel @p0 .LBB2_8-.Ltmp3, $2  }
0x4e: {  	_ =	sdelay $0x2  }
0x4f: {  	s3 =	sadd.s32 $0x100, s3;
	s10 =	sadd.s32 s10, s7  }
0x50: {  	[hbm4b:s10+s2] =	stream.linear.scatter [tilespmem:s20], [sflag:$0x4], $0x80, $0x38;
	[tilespmem:$0x1E600] =	vst v63  }
0x51: {  	s3 =	simm.s32 $0x3  }
0x52: {  	_ =	swait.ge [sflag:s3], $0xD800  }
0x53: {  	s20 =	simm.s32 $0x0;
	s15 =	simm.s32 $0x10;
	[sflag:s3] =	ssyncset.done $0x0  }
0x54: {  	s10 =	sadd.s32 $0x0, s8;
	[sflag:s3] =	ssyncadd.s32 $0xFFFF2800;
	s3 =	simm.s32 $0x100  }
.LBB2_10:
0x55: {  	[tilespmem:s20], [sflag:$0x1] =	stream.linear.gather [hbm4b:s10+s2], $0x80, $0x38;
	[tilespmem:$0x1E600] =	vst v63  }
0x56: {  	s10 =	smov.u32 s15;
	s20 =	smov.u32 s3;
	p0 =	sne.s32 s15, $0x16D0  }
.Ltmp4:
0x57: {  	s15 =	sadd.s32 $0x10, s15;
	(pc) =	sbr.rel @p0 .LBB2_10-.Ltmp4, $2  }
0x58: {  	_ =	sdelay $0x2  }
0x59: {  	s3 =	sadd.s32 $0x100, s3;
	s10 =	sadd.s32 s10, s8  }
0x5a: {  	[tilespmem:s20], [sflag:$0x1] =	stream.linear.gather [hbm4b:s10+s2], $0x80, $0x38;
	[tilespmem:$0x1E600] =	vst v63  }
0x5b: {  	_ =	swait.ge [sflag:s25], $0xB700  }
0x5c: {  	s20 =	simm.s32 $0x2A00;
	s15 =	simm.s32 $0x10;
	[sflag:s25] =	ssyncset.done $0x0  }
0x5d: {  	s10 =	sadd.s32 $0x0, s9;
	s3 =	simm.s32 $0x2B00;
	[sflag:s25] =	ssyncadd.s32 $0xFFFF4900  }
.LBB2_12:
0x5e: {  	[hbm4b:s10+s2] =	stream.linear.scatter [tilespmem:s20], [sflag:$0x3], $0x80, $0x38;
	[tilespmem:$0x1E600] =	vst v63  }
0x5f: {  	s10 =	smov.u32 s15;
	s20 =	smov.u32 s3;
	p0 =	sne.s32 s15, $0x1430  }
.Ltmp5:
0x60: {  	s15 =	sadd.s32 $0x10, s15;
	(pc) =	sbr.rel @p0 .LBB2_12-.Ltmp5, $2  }
0x61: {  	_ =	sdelay $0x2  }
0x62: {  	s3 =	sadd.s32 $0x100, s3;
	s10 =	sadd.s32 s10, s9  }
0x63: {  	[hbm4b:s10+s2] =	stream.linear.scatter [tilespmem:s20], [sflag:$0x3], $0x80, $0x38;
	[tilespmem:$0x1E600] =	vst v63  }
0x64: {  	s3 =	simm.s32 $0x4  }
0x65: {  	_ =	swait.ge [sflag:s3], $0xD800  }
0x66: {  	s20 =	simm.s32 $0x80;
	[sflag:s3] =	ssyncset.done $0x0  }
0x67: {  	s15 =	rddreg [dreg:$0x4];
	[sflag:s3] =	ssyncadd.s32 $0xFFFF2800;
	s3 =	simm.s32 $0x0  }
0x68: {  	[tilespmem:s20], [sflag:$0x2] =	stream.linear.gather [hbm4b:s15+s3], $0x80, $0x38;
	[tilespmem:$0x1E600] =	vst v63  }
0x69: {  	s10 =	sadd.s32 $0x10, s15;
	s20 =	simm.s32 $0x180  }
0x6a: {  	[tilespmem:s20], [sflag:$0x2] =	stream.linear.gather [hbm4b:s10+s3], $0x80, $0x38;
	[tilespmem:$0x1E600] =	vst v63  }
0x6b: {  	s10 =	sadd.s32 $0x20, s15;
	s20 =	simm.s32 $0x280  }
0x6c: {  	[tilespmem:s20], [sflag:$0x2] =	stream.linear.gather [hbm4b:s10+s3], $0x80, $0x38;
	[tilespmem:$0x1E600] =	vst v63  }
0x6d: {  	s10 =	sadd.s32 $0x30, s15;
	s20 =	simm.s32 $0x380  }
0x6e: {  	[tilespmem:s20], [sflag:$0x2] =	stream.linear.gather [hbm4b:s10+s3], $0x80, $0x38;
	[tilespmem:$0x1E600] =	vst v63  }
0x6f: {  	s10 =	sadd.s32 $0x40, s15;
	s20 =	simm.s32 $0x480  }
0x70: {  	[tilespmem:s20], [sflag:$0x2] =	stream.linear.gather [hbm4b:s10+s3], $0x80, $0x38;
	[tilespmem:$0x1E600] =	vst v63  }
0x71: {  	s15 =	sadd.s32 $0x50, s15;
	s20 =	simm.s32 $0x580;
	s10 =	sadd.s32 $0x0, s11  }
0x72: {  	[tilespmem:s20], [sflag:$0x2] =	stream.linear.gather [hbm4b:s15+s3], $0x80, $0x38;
	[tilespmem:$0x1E600] =	vst v63  }
0x73: {  	s20 =	simm.s32 $0x680;
	s15 =	simm.s32 $0x10;
	s3 =	simm.s32 $0x780  }
.LBB2_14:
0x74: {  	[tilespmem:s20], [sflag:$0x2] =	stream.linear.gather [hbm4b:s10+s2], $0x80, $0x38;
	[tilespmem:$0x1E600] =	vst v63  }
0x75: {  	s10 =	smov.u32 s15;
	s20 =	smov.u32 s3;
	p0 =	sne.s32 s15, $0x1AF0  }
.Ltmp6:
0x76: {  	s15 =	sadd.s32 $0x10, s15;
	(pc) =	sbr.rel @p0 .LBB2_14-.Ltmp6, $2  }
0x77: {  	_ =	sdelay $0x2  }
0x78: {  	s3 =	sadd.s32 $0x100, s3;
	s10 =	sadd.s32 s10, s11  }
0x79: {  	[tilespmem:s20], [sflag:$0x2] =	stream.linear.gather [hbm4b:s10+s2], $0x80, $0x38;
	[tilespmem:$0x1E600] =	vst v63  }
0x7a: {  	_ =	swait.ge [sflag:s1], $0x300  }
0x7b: {  	[sflag:s1] =	ssyncset.done $0x0  }
0x7c: {  	[sflag:s1] =	ssyncadd.s32 $0xFFFFFD00  }
0x7d: {  	_ =	swait.ge [sflag:s1], $0xD800  }
0x7e: {  	s20 =	simm.s32 $0x80;
	s15 =	simm.s32 $0x10;
	[sflag:s1] =	ssyncset.done $0x0  }
0x7f: {  	s10 =	sadd.s32 $0x0, s12;
	s3 =	simm.s32 $0x180;
	[sflag:s1] =	ssyncadd.s32 $0xFFFF2800  }
.LBB2_16:
0x80: {  	[hbm4b:s10+s2] =	stream.linear.scatter [tilespmem:s20], [sflag:$0x4], $0x80, $0x38;
	[tilespmem:$0x1E600] =	vst v63  }
0x81: {  	s10 =	smov.u32 s15;
	s20 =	smov.u32 s3;
	p0 =	sne.s32 s15, $0x1AF0  }
.Ltmp7:
0x82: {  	s15 =	sadd.s32 $0x10, s15;
	(pc) =	sbr.rel @p0 .LBB2_16-.Ltmp7, $2  }
0x83: {  	_ =	sdelay $0x2  }
0x84: {  	s3 =	sadd.s32 $0x100, s3;
	s10 =	sadd.s32 s10, s12  }
0x85: {  	[hbm4b:s10+s2] =	stream.linear.scatter [tilespmem:s20], [sflag:$0x4], $0x80, $0x38;
	[tilespmem:$0x1E600] =	vst v63  }
0x86: {  	s3 =	simm.s32 $0x3  }
0x87: {  	_ =	swait.ge [sflag:s3], $0xA200  }
0x88: {  	s20 =	simm.s32 $0x0;
	s15 =	simm.s32 $0x10;
	[sflag:s3] =	ssyncset.done $0x0  }
0x89: {  	s10 =	sadd.s32 $0x0, s26;
	[sflag:s3] =	ssyncadd.s32 $0xFFFF5E00;
	s3 =	simm.s32 $0x100  }
.LBB2_18:
0x8a: {  	[tilespmem:s20], [sflag:$0x1] =	stream.linear.gather [hbm4b:s10+s2], $0x80, $0x38;
	[tilespmem:$0x1E600] =	vst v63  }
0x8b: {  	s10 =	smov.u32 s15;
	s20 =	smov.u32 s3;
	p0 =	sne.s32 s15, $0x1DF0  }
.Ltmp8:
0x8c: {  	s15 =	sadd.s32 $0x10, s15;
	(pc) =	sbr.rel @p0 .LBB2_18-.Ltmp8, $2  }
0x8d: {  	_ =	sdelay $0x2  }
0x8e: {  	s3 =	sadd.s32 $0x100, s3;
	s10 =	sadd.s32 s10, s26  }
0x8f: {  	[tilespmem:s20], [sflag:$0x1] =	stream.linear.gather [hbm4b:s10+s2], $0x80, $0x38;
	[tilespmem:$0x1E600] =	vst v63  }
0x90: {  	_ =	swait.ge [sflag:s25], $0xF000  }
0x91: {  	s20 =	simm.s32 $0x2A00;
	s15 =	simm.s32 $0x10;
	[sflag:s25] =	ssyncset.done $0x0  }
0x92: {  	s10 =	sadd.s32 $0x0, s13;
	s3 =	simm.s32 $0x2B00;
	[sflag:s25] =	ssyncadd.s32 $0xFFFF1000  }
.LBB2_20:
0x93: {  	[hbm4b:s10+s2] =	stream.linear.scatter [tilespmem:s20], [sflag:$0x3], $0x80, $0x38;
	[tilespmem:$0x1E600] =	vst v63  }
0x94: {  	s10 =	smov.u32 s15;
	s20 =	smov.u32 s3;
	p0 =	sne.s32 s15, $0x1AF0  }
.Ltmp9:
0x95: {  	s15 =	sadd.s32 $0x10, s15;
	(pc) =	sbr.rel @p0 .LBB2_20-.Ltmp9, $2  }
0x96: {  	_ =	sdelay $0x2  }
0x97: {  	s3 =	sadd.s32 $0x100, s3;
	s10 =	sadd.s32 s10, s13  }
0x98: {  	[hbm4b:s10+s2] =	stream.linear.scatter [tilespmem:s20], [sflag:$0x3], $0x80, $0x38;
	[tilespmem:$0x1E600] =	vst v63  }
0x99: {  	s3 =	simm.s32 $0x4  }
0x9a: {  	_ =	swait.ge [sflag:s3], $0xD800  }
0x9b: {  	s20 =	simm.s32 $0x80;
	s15 =	simm.s32 $0x10;
	[sflag:s3] =	ssyncset.done $0x0  }
0x9c: {  	s10 =	sadd.s32 $0x0, s28;
	[sflag:s3] =	ssyncadd.s32 $0xFFFF2800;
	s3 =	simm.s32 $0x180  }
.LBB2_22:
0x9d: {  	[tilespmem:s20], [sflag:$0x2] =	stream.linear.gather [hbm4b:s10+s2], $0x80, $0x38;
	[tilespmem:$0x1E600] =	vst v63  }
0x9e: {  	s10 =	smov.u32 s15;
	s20 =	smov.u32 s3;
	p0 =	sne.s32 s15, $0x16D0  }
.Ltmp10:
0x9f: {  	s15 =	sadd.s32 $0x10, s15;
	(pc) =	sbr.rel @p0 .LBB2_22-.Ltmp10, $2  }
0xa0: {  	_ =	sdelay $0x2  }
0xa1: {  	s3 =	sadd.s32 $0x100, s3;
	s10 =	sadd.s32 s10, s28  }
0xa2: {  	[tilespmem:s20], [sflag:$0x2] =	stream.linear.gather [hbm4b:s10+s2], $0x80, $0x38;
	[tilespmem:$0x1E600] =	vst v63  }
0xa3: {  	_ =	swait.ge [sflag:s1], $0xB700  }
0xa4: {  	s20 =	simm.s32 $0x2A80;
	s15 =	simm.s32 $0x10;
	[sflag:s1] =	ssyncset.done $0x0  }
0xa5: {  	s10 =	sadd.s32 $0x0, s14;
	s3 =	simm.s32 $0x2B80;
	[sflag:s1] =	ssyncadd.s32 $0xFFFF4900  }
.LBB2_24:
0xa6: {  	[hbm4b:s10+s2] =	stream.linear.scatter [tilespmem:s20], [sflag:$0x4], $0x80, $0x38;
	[tilespmem:$0x1E600] =	vst v63  }
0xa7: {  	s10 =	smov.u32 s15;
	s20 =	smov.u32 s3;
	p0 =	sne.s32 s15, $0x1430  }
.Ltmp11:
0xa8: {  	s15 =	sadd.s32 $0x10, s15;
	(pc) =	sbr.rel @p0 .LBB2_24-.Ltmp11, $2  }
0xa9: {  	_ =	sdelay $0x2  }
0xaa: {  	s3 =	sadd.s32 $0x100, s3;
	s10 =	sadd.s32 s10, s14  }
0xab: {  	[hbm4b:s10+s2] =	stream.linear.scatter [tilespmem:s20], [sflag:$0x4], $0x80, $0x38;
	[tilespmem:$0x1E600] =	vst v63  }
0xac: {  	s3 =	simm.s32 $0x3  }
0xad: {  	_ =	swait.ge [sflag:s3], $0xD800  }
0xae: {  	[sflag:s3] =	ssyncset.done $0x0  }
0xaf: {  	s15 =	rddreg [dreg:$0x5];
	[sflag:s3] =	ssyncadd.s32 $0xFFFF2800;
	s3 =	simm.s32 $0x0  }
0xb0: {  	[tilespmem:s3], [sflag:$0x1] =	stream.linear.gather [hbm4b:s15+s3], $0x80, $0x38;
	[tilespmem:$0x1E600] =	vst v63  }
0xb1: {  	s20 =	simm.s32 $0x100;
	s10 =	sadd.s32 $0x10, s15  }
0xb2: {  	[tilespmem:s20], [sflag:$0x1] =	stream.linear.gather [hbm4b:s10+s3], $0x80, $0x38;
	[tilespmem:$0x1E600] =	vst v63  }
0xb3: {  	s10 =	sadd.s32 $0x20, s15;
	s20 =	simm.s32 $0x200  }
0xb4: {  	[tilespmem:s20], [sflag:$0x1] =	stream.linear.gather [hbm4b:s10+s3], $0x80, $0x38;
	[tilespmem:$0x1E600] =	vst v63  }
0xb5: {  	s10 =	sadd.s32 $0x30, s15;
	s20 =	simm.s32 $0x300  }
0xb6: {  	[tilespmem:s20], [sflag:$0x1] =	stream.linear.gather [hbm4b:s10+s3], $0x80, $0x38;
	[tilespmem:$0x1E600] =	vst v63  }
0xb7: {  	s10 =	sadd.s32 $0x40, s15;
	s20 =	simm.s32 $0x400  }
0xb8: {  	[tilespmem:s20], [sflag:$0x1] =	stream.linear.gather [hbm4b:s10+s3], $0x80, $0x38;
	[tilespmem:$0x1E600] =	vst v63  }
0xb9: {  	s15 =	sadd.s32 $0x50, s15;
	s20 =	simm.s32 $0x500;
	s10 =	sadd.s32 $0x0, s16  }
0xba: {  	[tilespmem:s20], [sflag:$0x1] =	stream.linear.gather [hbm4b:s15+s3], $0x80, $0x38;
	[tilespmem:$0x1E600] =	vst v63  }
0xbb: {  	s20 =	simm.s32 $0x600;
	s15 =	simm.s32 $0x10;
	s3 =	simm.s32 $0x700  }
.LBB2_26:
0xbc: {  	[tilespmem:s20], [sflag:$0x1] =	stream.linear.gather [hbm4b:s10+s2], $0x80, $0x38;
	[tilespmem:$0x1E600] =	vst v63  }
0xbd: {  	s10 =	smov.u32 s15;
	s20 =	smov.u32 s3;
	p0 =	sne.s32 s15, $0x1AF0  }
.Ltmp12:
0xbe: {  	s15 =	sadd.s32 $0x10, s15;
	(pc) =	sbr.rel @p0 .LBB2_26-.Ltmp12, $2  }
0xbf: {  	_ =	sdelay $0x2  }
0xc0: {  	s3 =	sadd.s32 $0x100, s3;
	s10 =	sadd.s32 s10, s16  }
0xc1: {  	[tilespmem:s20], [sflag:$0x1] =	stream.linear.gather [hbm4b:s10+s2], $0x80, $0x38;
	[tilespmem:$0x1E600] =	vst v63  }
0xc2: {  	_ =	swait.ge [sflag:s25], $0x300  }
0xc3: {  	[sflag:s25] =	ssyncset.done $0x0  }
0xc4: {  	[sflag:s25] =	ssyncadd.s32 $0xFFFFFD00  }
0xc5: {  	_ =	swait.ge [sflag:s25], $0xD800  }
0xc6: {  	s20 =	simm.s32 $0x0;
	s15 =	simm.s32 $0x10;
	[sflag:s25] =	ssyncset.done $0x0  }
0xc7: {  	s10 =	sadd.s32 $0x0, s17;
	s3 =	simm.s32 $0x100;
	[sflag:s25] =	ssyncadd.s32 $0xFFFF2800  }
.LBB2_28:
0xc8: {  	[hbm4b:s10+s2] =	stream.linear.scatter [tilespmem:s20], [sflag:$0x3], $0x80, $0x38;
	[tilespmem:$0x1E600] =	vst v63  }
0xc9: {  	s10 =	smov.u32 s15;
	s20 =	smov.u32 s3;
	p0 =	sne.s32 s15, $0x1AF0  }
.Ltmp13:
0xca: {  	s15 =	sadd.s32 $0x10, s15;
	(pc) =	sbr.rel @p0 .LBB2_28-.Ltmp13, $2  }
0xcb: {  	_ =	sdelay $0x2  }
0xcc: {  	s3 =	sadd.s32 $0x100, s3;
	s10 =	sadd.s32 s10, s17  }
0xcd: {  	[hbm4b:s10+s2] =	stream.linear.scatter [tilespmem:s20], [sflag:$0x3], $0x80, $0x38;
	[tilespmem:$0x1E600] =	vst v63  }
0xce: {  	s3 =	simm.s32 $0x4  }
0xcf: {  	_ =	swait.ge [sflag:s3], $0xA200  }
0xd0: {  	s20 =	simm.s32 $0x80;
	s15 =	simm.s32 $0x10;
	[sflag:s3] =	ssyncset.done $0x0  }
0xd1: {  	s10 =	sadd.s32 $0x0, s29;
	[sflag:s3] =	ssyncadd.s32 $0xFFFF5E00;
	s3 =	simm.s32 $0x180  }
.LBB2_30:
0xd2: {  	[tilespmem:s20], [sflag:$0x2] =	stream.linear.gather [hbm4b:s10+s2], $0x80, $0x38;
	[tilespmem:$0x1E600] =	vst v63  }
0xd3: {  	s10 =	smov.u32 s15;
	s20 =	smov.u32 s3;
	p0 =	sne.s32 s15, $0x1DF0  }
.Ltmp14:
0xd4: {  	s15 =	sadd.s32 $0x10, s15;
	(pc) =	sbr.rel @p0 .LBB2_30-.Ltmp14, $2  }
0xd5: {  	_ =	sdelay $0x2  }
0xd6: {  	s3 =	sadd.s32 $0x100, s3;
	s10 =	sadd.s32 s10, s29  }
0xd7: {  	[tilespmem:s20], [sflag:$0x2] =	stream.linear.gather [hbm4b:s10+s2], $0x80, $0x38;
	[tilespmem:$0x1E600] =	vst v63  }
0xd8: {  	_ =	swait.ge [sflag:s1], $0xF000  }
0xd9: {  	s20 =	simm.s32 $0x2A80;
	s15 =	simm.s32 $0x10;
	[sflag:s1] =	ssyncset.done $0x0  }
0xda: {  	s10 =	sadd.s32 $0x0, s18;
	s3 =	simm.s32 $0x2B80;
	[sflag:s1] =	ssyncadd.s32 $0xFFFF1000  }
.LBB2_32:
0xdb: {  	[hbm4b:s10+s2] =	stream.linear.scatter [tilespmem:s20], [sflag:$0x4], $0x80, $0x38;
	[tilespmem:$0x1E600] =	vst v63  }
0xdc: {  	s10 =	smov.u32 s15;
	s20 =	smov.u32 s3;
	p0 =	sne.s32 s15, $0x1AF0  }
.Ltmp15:
0xdd: {  	s15 =	sadd.s32 $0x10, s15;
	(pc) =	sbr.rel @p0 .LBB2_32-.Ltmp15, $2  }
0xde: {  	_ =	sdelay $0x2  }
0xdf: {  	s3 =	sadd.s32 $0x100, s3;
	s10 =	sadd.s32 s10, s18  }
0xe0: {  	[hbm4b:s10+s2] =	stream.linear.scatter [tilespmem:s20], [sflag:$0x4], $0x80, $0x38;
	[tilespmem:$0x1E600] =	vst v63  }
0xe1: {  	s3 =	simm.s32 $0x3  }
0xe2: {  	_ =	swait.ge [sflag:s3], $0xD800  }
0xe3: {  	s20 =	simm.s32 $0x0;
	s15 =	simm.s32 $0x10;
	[sflag:s3] =	ssyncset.done $0x0  }
0xe4: {  	s10 =	sadd.s32 $0x0, s30;
	[sflag:s3] =	ssyncadd.s32 $0xFFFF2800;
	s3 =	simm.s32 $0x100  }
.LBB2_34:
0xe5: {  	[tilespmem:s20], [sflag:$0x1] =	stream.linear.gather [hbm4b:s10+s2], $0x80, $0x38;
	[tilespmem:$0x1E600] =	vst v63  }
0xe6: {  	s10 =	smov.u32 s15;
	s20 =	smov.u32 s3;
	p0 =	sne.s32 s15, $0x16D0  }
.Ltmp16:
0xe7: {  	s15 =	sadd.s32 $0x10, s15;
	(pc) =	sbr.rel @p0 .LBB2_34-.Ltmp16, $2  }
0xe8: {  	_ =	sdelay $0x2  }
0xe9: {  	s3 =	sadd.s32 $0x100, s3;
	s10 =	sadd.s32 s10, s30  }
0xea: {  	[tilespmem:s20], [sflag:$0x1] =	stream.linear.gather [hbm4b:s10+s2], $0x80, $0x38;
	[tilespmem:$0x1E600] =	vst v63  }
0xeb: {  	_ =	swait.ge [sflag:s25], $0xB700  }
0xec: {  	s20 =	simm.s32 $0x2A00;
	s15 =	simm.s32 $0x10;
	[sflag:s25] =	ssyncset.done $0x0  }
0xed: {  	s10 =	sadd.s32 $0x0, s19;
	s3 =	simm.s32 $0x2B00;
	[sflag:s25] =	ssyncadd.s32 $0xFFFF4900  }
.LBB2_36:
0xee: {  	[hbm4b:s10+s2] =	stream.linear.scatter [tilespmem:s20], [sflag:$0x3], $0x80, $0x38;
	[tilespmem:$0x1E600] =	vst v63  }
0xef: {  	s10 =	smov.u32 s15;
	s20 =	smov.u32 s3;
	p0 =	sne.s32 s15, $0x1430  }
.Ltmp17:
0xf0: {  	s15 =	sadd.s32 $0x10, s15;
	(pc) =	sbr.rel @p0 .LBB2_36-.Ltmp17, $2  }
0xf1: {  	_ =	sdelay $0x2  }
0xf2: {  	s3 =	sadd.s32 $0x100, s3;
	s10 =	sadd.s32 s10, s19  }
0xf3: {  	[hbm4b:s10+s2] =	stream.linear.scatter [tilespmem:s20], [sflag:$0x3], $0x80, $0x38;
	[tilespmem:$0x1E600] =	vst v63  }
0xf4: {  	s3 =	simm.s32 $0x4  }
0xf5: {  	_ =	swait.ge [sflag:s3], $0xD800  }
0xf6: {  	s20 =	simm.s32 $0x80;
	[sflag:s3] =	ssyncset.done $0x0  }
0xf7: {  	s15 =	rddreg [dreg:$0x6];
	[sflag:s3] =	ssyncadd.s32 $0xFFFF2800;
	s3 =	simm.s32 $0x0  }
0xf8: {  	[tilespmem:s20], [sflag:$0x2] =	stream.linear.gather [hbm4b:s15+s3], $0x80, $0x38;
	[tilespmem:$0x1E600] =	vst v63  }
0xf9: {  	s10 =	sadd.s32 $0x10, s15;
	s20 =	simm.s32 $0x180  }
0xfa: {  	[tilespmem:s20], [sflag:$0x2] =	stream.linear.gather [hbm4b:s10+s3], $0x80, $0x38;
	[tilespmem:$0x1E600] =	vst v63  }
0xfb: {  	s10 =	sadd.s32 $0x20, s15;
	s20 =	simm.s32 $0x280  }
0xfc: {  	[tilespmem:s20], [sflag:$0x2] =	stream.linear.gather [hbm4b:s10+s3], $0x80, $0x38;
	[tilespmem:$0x1E600] =	vst v63  }
0xfd: {  	s10 =	sadd.s32 $0x30, s15;
	s20 =	simm.s32 $0x380  }
0xfe: {  	[tilespmem:s20], [sflag:$0x2] =	stream.linear.gather [hbm4b:s10+s3], $0x80, $0x38;
	[tilespmem:$0x1E600] =	vst v63  }
0xff: {  	s10 =	sadd.s32 $0x40, s15;
	s20 =	simm.s32 $0x480  }
0x100: {  	[tilespmem:s20], [sflag:$0x2] =	stream.linear.gather [hbm4b:s10+s3], $0x80, $0x38;
	[tilespmem:$0x1E600] =	vst v63  }
0x101: {  	s15 =	sadd.s32 $0x50, s15;
	s20 =	simm.s32 $0x580;
	s10 =	sadd.s32 $0x0, s21  }
0x102: {  	[tilespmem:s20], [sflag:$0x2] =	stream.linear.gather [hbm4b:s15+s3], $0x80, $0x38;
	[tilespmem:$0x1E600] =	vst v63  }
0x103: {  	s20 =	simm.s32 $0x680;
	s15 =	simm.s32 $0x10;
	s3 =	simm.s32 $0x780  }
.LBB2_38:
0x104: {  	[tilespmem:s20], [sflag:$0x2] =	stream.linear.gather [hbm4b:s10+s2], $0x80, $0x38;
	[tilespmem:$0x1E600] =	vst v63  }
0x105: {  	s10 =	smov.u32 s15;
	s20 =	smov.u32 s3;
	p0 =	sne.s32 s15, $0x1AF0  }
.Ltmp18:
0x106: {  	s15 =	sadd.s32 $0x10, s15;
	(pc) =	sbr.rel @p0 .LBB2_38-.Ltmp18, $2  }
0x107: {  	_ =	sdelay $0x2  }
0x108: {  	s3 =	sadd.s32 $0x100, s3;
	s10 =	sadd.s32 s10, s21  }
0x109: {  	[tilespmem:s20], [sflag:$0x2] =	stream.linear.gather [hbm4b:s10+s2], $0x80, $0x38;
	[tilespmem:$0x1E600] =	vst v63  }
0x10a: {  	_ =	swait.ge [sflag:s1], $0x300  }
0x10b: {  	[sflag:s1] =	ssyncset.done $0x0  }
0x10c: {  	[sflag:s1] =	ssyncadd.s32 $0xFFFFFD00  }
0x10d: {  	_ =	swait.ge [sflag:s1], $0xD800  }
0x10e: {  	s20 =	simm.s32 $0x80;
	s15 =	simm.s32 $0x10;
	[sflag:s1] =	ssyncset.done $0x0  }
0x10f: {  	s10 =	sadd.s32 $0x0, s22;
	s3 =	simm.s32 $0x180;
	[sflag:s1] =	ssyncadd.s32 $0xFFFF2800  }
.LBB2_40:
0x110: {  	[hbm4b:s10+s2] =	stream.linear.scatter [tilespmem:s20], [sflag:$0x4], $0x80, $0x38;
	[tilespmem:$0x1E600] =	vst v63  }
0x111: {  	s10 =	smov.u32 s15;
	s20 =	smov.u32 s3;
	p0 =	sne.s32 s15, $0x1AF0  }
.Ltmp19:
0x112: {  	s15 =	sadd.s32 $0x10, s15;
	(pc) =	sbr.rel @p0 .LBB2_40-.Ltmp19, $2  }
0x113: {  	_ =	sdelay $0x2  }
0x114: {  	s3 =	sadd.s32 $0x100, s3;
	s10 =	sadd.s32 s10, s22  }
0x115: {  	[hbm4b:s10+s2] =	stream.linear.scatter [tilespmem:s20], [sflag:$0x4], $0x80, $0x38;
	[tilespmem:$0x1E600] =	vst v63  }
0x116: {  	s3 =	simm.s32 $0x3  }
0x117: {  	_ =	swait.ge [sflag:s3], $0xA200  }
0x118: {  	s20 =	simm.s32 $0x0;
	s15 =	simm.s32 $0x10;
	[sflag:s3] =	ssyncset.done $0x0  }
0x119: {  	s10 =	sadd.s32 $0x0, s31;
	[sflag:s3] =	ssyncadd.s32 $0xFFFF5E00;
	s3 =	simm.s32 $0x100  }
.LBB2_42:
0x11a: {  	[tilespmem:s20], [sflag:$0x1] =	stream.linear.gather [hbm4b:s10+s2], $0x80, $0x38;
	[tilespmem:$0x1E600] =	vst v63  }
0x11b: {  	s10 =	smov.u32 s15;
	s20 =	smov.u32 s3;
	p0 =	sne.s32 s15, $0x1DF0  }
.Ltmp20:
0x11c: {  	s15 =	sadd.s32 $0x10, s15;
	(pc) =	sbr.rel @p0 .LBB2_42-.Ltmp20, $2  }
0x11d: {  	_ =	sdelay $0x2  }
0x11e: {  	s3 =	sadd.s32 $0x100, s3;
	s10 =	sadd.s32 s10, s31  }
0x11f: {  	[tilespmem:s20], [sflag:$0x1] =	stream.linear.gather [hbm4b:s10+s2], $0x80, $0x38;
	[tilespmem:$0x1E600] =	vst v63  }
0x120: {  	_ =	swait.ge [sflag:s25], $0xF000  }
0x121: {  	s20 =	simm.s32 $0x2A00;
	s15 =	simm.s32 $0x10;
	[sflag:s25] =	ssyncset.done $0x0  }
0x122: {  	s10 =	sadd.s32 $0x0, s23;
	s3 =	simm.s32 $0x2B00;
	[sflag:s25] =	ssyncadd.s32 $0xFFFF1000  }
.LBB2_44:
0x123: {  	[hbm4b:s10+s2] =	stream.linear.scatter [tilespmem:s20], [sflag:$0x3], $0x80, $0x38;
	[tilespmem:$0x1E600] =	vst v63  }
0x124: {  	s10 =	smov.u32 s15;
	s20 =	smov.u32 s3;
	p0 =	sne.s32 s15, $0x1AF0  }
.Ltmp21:
0x125: {  	s15 =	sadd.s32 $0x10, s15;
	(pc) =	sbr.rel @p0 .LBB2_44-.Ltmp21, $2  }
0x126: {  	_ =	sdelay $0x2  }
0x127: {  	s3 =	sadd.s32 $0x100, s3;
	s10 =	sadd.s32 s10, s23  }
0x128: {  	[hbm4b:s10+s2] =	stream.linear.scatter [tilespmem:s20], [sflag:$0x3], $0x80, $0x38;
	[tilespmem:$0x1E600] =	vst v63  }
0x129: {  	s3 =	simm.s32 $0x4  }
0x12a: {  	_ =	swait.ge [sflag:s3], $0xD800  }
0x12b: {  	s20 =	simm.s32 $0x80;
	s15 =	simm.s32 $0x10;
	[sflag:s3] =	ssyncset.done $0x0  }
0x12c: {  	s10 =	sadd.s32 $0x0, s0;
	[sflag:s3] =	ssyncadd.s32 $0xFFFF2800;
	s3 =	simm.s32 $0x180  }
.LBB2_46:
0x12d: {  	[tilespmem:s20], [sflag:$0x2] =	stream.linear.gather [hbm4b:s10+s2], $0x80, $0x38;
	[tilespmem:$0x1E600] =	vst v63  }
0x12e: {  	s10 =	smov.u32 s15;
	s20 =	smov.u32 s3;
	p0 =	sne.s32 s15, $0x16D0  }
.Ltmp22:
0x12f: {  	s15 =	sadd.s32 $0x10, s15;
	(pc) =	sbr.rel @p0 .LBB2_46-.Ltmp22, $2  }
0x130: {  	_ =	sdelay $0x2  }
0x131: {  	s3 =	sadd.s32 $0x100, s3;
	s10 =	sadd.s32 s10, s0  }
0x132: {  	[tilespmem:s20], [sflag:$0x2] =	stream.linear.gather [hbm4b:s10+s2], $0x80, $0x38;
	[tilespmem:$0x1E600] =	vst v63  }
0x133: {  	_ =	swait.ge [sflag:s1], $0xB700  }
0x134: {  	s20 =	simm.s32 $0x2A80;
	s15 =	simm.s32 $0x10;
	[sflag:s1] =	ssyncset.done $0x0  }
0x135: {  	s10 =	sadd.s32 $0x0, s24;
	s3 =	simm.s32 $0x2B80;
	[sflag:s1] =	ssyncadd.s32 $0xFFFF4900  }
.LBB2_48:
0x136: {  	[hbm4b:s10+s2] =	stream.linear.scatter [tilespmem:s20], [sflag:$0x4], $0x80, $0x38;
	[tilespmem:$0x1E600] =	vst v63  }
0x137: {  	s10 =	smov.u32 s15;
	s20 =	smov.u32 s3;
	p0 =	sne.s32 s15, $0x1430  }
.Ltmp23:
0x138: {  	s15 =	sadd.s32 $0x10, s15;
	(pc) =	sbr.rel @p0 .LBB2_48-.Ltmp23, $2  }
0x139: {  	_ =	sdelay $0x2  }
0x13a: {  	s3 =	sadd.s32 $0x100, s3;
	s10 =	sadd.s32 s10, s24  }
0x13b: {  	[hbm4b:s10+s2] =	stream.linear.scatter [tilespmem:s20], [sflag:$0x4], $0x80, $0x38;
	[tilespmem:$0x1E600] =	vst v63  }
0x13c: {  	s3 =	simm.s32 $0x3  }
0x13d: {  	_ =	swait.ge [sflag:s3], $0xD800  }
0x13e: {  	[sflag:s3] =	ssyncset.done $0x0  }
0x13f: {  	s10 =	simm.s32 $0x4;
	[sflag:s3] =	ssyncadd.s32 $0xFFFF2800  }
0x140: {  	_ =	swait.ge [sflag:s10], $0xA200  }
0x141: {  	s15 =	rddreg [dreg:$0xd]  }
0x142: {  	s20 =	rddreg [dreg:$0x7];
	s15 =	sadd.s32 $0x1, s15  }
0x143: {  	p0 =	sne.s32 s15, s20  }
.Ltmp24:
0x144: {  	_ = 	snop;
	(pc) =	sbr.rel @p0 .LBB2_1-.Ltmp24, $3  }
0x145: {  	_ =	sdelay $0x1  }
0x146: {  	[sflag:s10] =	ssyncset.done $0x0  }
0x147: {  	[sflag:s10] =	ssyncadd.s32 $0xFFFF5E00  }
0x148: {  	_ =	sfence.sel $0x180000  }
0x149: {  	[bflag:$0x0] =	sbarrier.arrive $0xFFFF  }
0x14a: {  	_ =	strace $0x90000047  }
0x14b: {  	s0 =	stileid.u32;
	[bflag:$0x2] =	sbarrier.arrive $0xFFFF  }
0x14c: {  	p0 =	sne.s32 s0, $0x0;
	s0 =	rddreg [dreg:$0x2]  }
0x14d: {  	s0 =	sadd.s32 @!p0 $0x100000, s0  }
0x14e: {  	[sflag:s0] =	ssyncadd.tile.s32 @!p0 $0x1;
	_ =	shalt  }
.Lfunc_end2:
_tile_overlayer_lowered:
.L_overlay_start_2:
0x14f: {  	(tag) =	ssettag $0x2  }
0x150: {  	s0 =	rddreg [dreg:$0x0];
	s2 =	stileid.u32  }
0x151: {  	s1 =	rddreg [dreg:$0x1];
	p0 =	sne.s32 s2, $0x0  }
0x152: {  	s3 =	rddreg [dreg:$0x2];
	[bflag:$0x3] =	sbarrier.arrive $0xFFFF;
	s2 =	simm.s32 @!p0 $0x1C05  }
0x153: {  	[timem:s3], [sflag:s2] =	dma.local @!p0 [hbm:s0], s1  }
0x154: {  	s0 =	simm.s32 @!p0 $0x5  }
0x155: {  	_ =	swait.ge @!p0 [sflag:s0], s1  }
0x156: {  	s1 =	ssub.s32 @!p0 $0x0, s1;
	[sflag:s0] =	ssyncset.done @!p0 $0x0  }
0x157: {  	[sflag:s0] =	ssyncadd.s32 @!p0 s1  }
0x158: {  	[bflag:$0x3] =	sbarrier.arrive $0xFFFF  }
0x159: {  	_ =	shalt  }

</sc_bundles>
